<compile_context>
chip_gen: v7x
topology: tpu7x:2x2x1
jax: 0.10.2.dev20260603
libtpu: 0.0.44.dev20260713+nightly
codegen_flags: <defaults>
</compile_context>

<pallas_src>
import functools

import jax
import jax.numpy as jnp
from jax import lax
from jax.experimental import pallas as pl
from jax.experimental.pallas import tpu as pltpu
from jax.experimental.pallas import tpu_sc as plsc

_B, _C, _K, _T = 64, 32, 1024, 1024
_NC, _NS, _L = 2, 16, 16
_NW = _NC * _NS
_BPW = _B // _NW


def _vq_idx_body(x_ref, w_ref, idx_ref, wn_ref):
    @pl.when(pl.program_id(0) == 0)
    def _():
        w = w_ref[...]
        wn_ref[...] = 0.5 * jnp.sum(w * w, axis=1, keepdims=True)

    for i in range(16):
        xb = x_ref[i]
        prod = jnp.dot(w_ref[...], xb,
                       preferred_element_type=jnp.float32)
        scores = wn_ref[...] - prod
        idx_ref[i, 0] = jnp.argmin(scores, axis=0).astype(jnp.int32)


def _sc_gather(wflat_hbm, idx_hbm, codes_hbm, w_v, idx_v, codes_v):
    wid = lax.axis_index("s") * _NC + lax.axis_index("c")
    b0 = wid * _BPW
    pltpu.sync_copy(wflat_hbm, w_v)
    pltpu.sync_copy(idx_hbm.at[pl.ds(b0, _BPW)], idx_v)

    @plsc.parallel_loop(0, _T // _L, unroll=2)
    def _body(g):
        sl = pl.ds(g * _L, _L)
        for bb in range(_BPW):
            base = idx_v[bb, sl] * _C
            for c in range(_C):
                codes_v[bb, c, sl] = plsc.load_gather(w_v, [base + c])

    pltpu.sync_copy(codes_v, codes_hbm.at[pl.ds(b0, _BPW)])


def kernel(x, W):
    xr = x.reshape(_B, _C, _T)
    idx3 = pl.pallas_call(
        _vq_idx_body,
        grid=(_B // 16,),
        in_specs=[
            pl.BlockSpec((16, _C, _T), lambda b: (b, 0, 0)),
            pl.BlockSpec((_K, _C), lambda b: (0, 0)),
        ],
        out_specs=pl.BlockSpec((16, 1, _T), lambda b: (b, 0, 0)),
        out_shape=jax.ShapeDtypeStruct((_B, 1, _T), jnp.int32),
        scratch_shapes=[pltpu.VMEM((_K, 1), jnp.float32)],
    )(xr, W)
    idx2 = idx3.reshape(_B, _T)

    gather = functools.partial(
        pl.kernel,
        out_type=jax.ShapeDtypeStruct((_B, _C, _T), jnp.float32),
        mesh=plsc.VectorSubcoreMesh(core_axis_name="c", subcore_axis_name="s"),
        scratch_types=[
            pltpu.VMEM((_C * _K,), jnp.float32),
            pltpu.VMEM((_BPW, _T), jnp.int32),
            pltpu.VMEM((_BPW, _C, _T), jnp.float32),
        ],
        compiler_params=pltpu.CompilerParams(
            needs_layout_passes=False, use_tc_tiling_on_sc=False),
    )(_sc_gather)
    codes3 = gather(W.reshape(-1), idx2)

    codes = codes3.reshape(x.shape)
    indices = idx2.reshape(_B, 32, 32)
    return codes, indices

# --- scband reference (transcript-rebuilt; emitter-appended) ---
"""Pipeline reference for scband-vq-24343874634139 (READ-ONLY COPY).

The authoritative reference and input builder live on the scoring server;
editing this copy changes nothing except your own understanding.
"""

import jax, jax.numpy as jnp
import numpy as np

NUM_EMBEDDINGS = 1024
EMBEDDING_DIM = 32
DIM = 1

def setup_inputs(seed: int = 0) -> dict:
    key = jax.random.key(seed)
    kx, kw = jax.random.split(key)
    x = jax.random.normal(kx, (64, 32, 32, 32), dtype=jnp.float32)
    # nn.init.normal_(embedding.weight, 0, 1.1)
    W = jax.random.normal(kw, (NUM_EMBEDDINGS, EMBEDDING_DIM), dtype=jnp.float32) * 1.1
    return {"x": x, "W": W}

def reference(x, W):
    # VQ.quantize with dim=1, space='l2', eval mode (no dead-code resampling / usage update)
    dim = DIM
    # needs_transpose: dim not in (-1, x.ndim-1)
    xt = jnp.swapaxes(x, -1, dim)  # channels-last: [B, W, H, C]
    flat = xt.reshape(-1, xt.shape[-1])  # [N, d]
    # squared L2 distance to each code
    d2 = (jnp.sum(flat * flat, axis=1, keepdims=True)
          - 2.0 * flat @ W.T
          + jnp.sum(W * W, axis=1)[None, :])  # [N, K]
    idx = jnp.argmin(d2, axis=1)  # [N]
    codes = jnp.take(W, idx, axis=0).reshape(xt.shape)  # forward value of straight-through quantization
    indices = idx.reshape(xt.shape[:-1])
    # transpose back
    codes = jnp.swapaxes(codes, -1, dim)
    indices = jnp.swapaxes(indices, -1, dim)
    return codes, indices

if __name__ == "__main__":
    import jax
    _d = setup_inputs()
    print(jax.jit(kernel)(*tuple(_d.values())))

</pallas_src>

<mosaic_0001>
#map = affine_map<(d0, d1) -> (0)>
#map1 = affine_map<(d0, d1) -> (0, 0)>
#map2 = affine_map<(d0, d1) -> (0, 0, 0)>
module attributes {stable_mosaic.version = 14 : i64} {
  func.func @_sc_gather(%arg0: i32, %arg1: i32, %arg2: memref<32768xf32, #tpu.memory_space<hbm>>, %arg3: memref<64x1024xi32, #tpu.memory_space<hbm>>, %arg4: memref<64x32x1024xf32, #tpu.memory_space<hbm>>, %arg5: memref<32768xf32, #tpu.memory_space<vmem>>, %arg6: memref<2x1024xi32, #tpu.memory_space<vmem>>, %arg7: memref<2x32x1024xf32, #tpu.memory_space<vmem>>) attributes {dimension_semantics = [#tpu.dimension_semantics<core_parallel>, #tpu.dimension_semantics<subcore_parallel>], iteration_bounds = array<i64: 2, 16>, scalar_prefetch = 0 : i64, scratch_operands = 3 : i64, tpu.core_type = #tpu.core_type<sc_vector_subcore>, window_params = [{transform_indices = #map}, {transform_indices = #map1}, {transform_indices = #map2}]} {
    %mul3A = arith.constant 2 : i32
    %mul3A_0 = arith.muli %arg1, %mul3A : i32
    %add3A = arith.addi %mul3A_0, %arg0 : i32
    %mul3A_1 = arith.constant 2 : i32
    %mul3A_2 = arith.muli %add3A, %mul3A_1 : i32
    "tpu.region"() ({
      %run_scoped3A = tpu.sem_alloc : memref<!tpu.dma_semaphore, #tpu.memory_space<semaphore_mem>>
      tpu.enqueue_dma source(%arg2 : memref<32768xf32, #tpu.memory_space<hbm>>) target(%arg5 : memref<32768xf32, #tpu.memory_space<vmem>>) target_semaphore(%run_scoped3A : memref<!tpu.dma_semaphore, #tpu.memory_space<semaphore_mem>>)
      tpu.wait_dma2 semaphore(%run_scoped3A : memref<!tpu.dma_semaphore, #tpu.memory_space<semaphore_mem>>) src(%arg2 : memref<32768xf32, #tpu.memory_space<hbm>>) dst(%arg5 : memref<32768xf32, #tpu.memory_space<vmem>>)
      tpu.yield
    }) : () -> ()
    "tpu.region"() ({
      %run_scoped3A = tpu.sem_alloc : memref<!tpu.dma_semaphore, #tpu.memory_space<semaphore_mem>>
      %dma_start3A = arith.constant 0 : i32
      %dma_start3A_5 = tpu.memref_slice %arg3[%mul3A_2, %dma_start3A] : memref<64x1024xi32, #tpu.memory_space<hbm>> -> memref<2x1024xi32, #tpu.memory_space<hbm>>
      %dma_start3A_6 = arith.constant 0 : i32
      %dma_start3A_7 = tpu.memref_slice %arg3[%mul3A_2, %dma_start3A_6] : memref<64x1024xi32, #tpu.memory_space<hbm>> -> memref<2x1024xi32, #tpu.memory_space<hbm>>
      tpu.enqueue_dma source(%dma_start3A_7 : memref<2x1024xi32, #tpu.memory_space<hbm>>) target(%arg6 : memref<2x1024xi32, #tpu.memory_space<vmem>>) target_semaphore(%run_scoped3A : memref<!tpu.dma_semaphore, #tpu.memory_space<semaphore_mem>>)
      %dma_wait3A = arith.constant 0 : i32
      %dma_wait3A_8 = tpu.memref_slice %arg3[%mul3A_2, %dma_wait3A] : memref<64x1024xi32, #tpu.memory_space<hbm>> -> memref<2x1024xi32, #tpu.memory_space<hbm>>
      %dma_wait3A_9 = arith.constant 0 : i32
      %dma_wait3A_10 = tpu.memref_slice %arg3[%mul3A_2, %dma_wait3A_9] : memref<64x1024xi32, #tpu.memory_space<hbm>> -> memref<2x1024xi32, #tpu.memory_space<hbm>>
      tpu.wait_dma2 semaphore(%run_scoped3A : memref<!tpu.dma_semaphore, #tpu.memory_space<semaphore_mem>>) src(%dma_wait3A_10 : memref<2x1024xi32, #tpu.memory_space<hbm>>) dst(%arg6 : memref<2x1024xi32, #tpu.memory_space<vmem>>)
      tpu.yield
    }) : () -> ()
    %parallel_loop3A = arith.constant 0 : i32
    %parallel_loop3A_3 = arith.constant 64 : i32
    %parallel_loop3A_4 = arith.constant 1 : i32
    scf.for %parallel_loop3A_5 = %parallel_loop3A to %parallel_loop3A_3 step %parallel_loop3A_4  : i32 {
      %parallel_loop3A_6 = arith.constant 16 : i32
      %parallel_loop3A_7 = arith.muli %parallel_loop3A_5, %parallel_loop3A_6 : i32
      %parallel_loop3A_8 = arith.constant 0 : i32
      %parallel_loop3A_9 = arith.index_cast %parallel_loop3A_8 : i32 to index
      %parallel_loop3A_10 = arith.index_cast %parallel_loop3A_7 : i32 to index
      %parallel_loop3A_11 = tpu.vector_load %arg6[%parallel_loop3A_9, %parallel_loop3A_10] {strides = array<i32>} : memref<2x1024xi32, #tpu.memory_space<vmem>>, vector<16xi32>,
      %parallel_loop3A_12 = arith.constant 32 : i32
      %parallel_loop3A_13 = vector.broadcast %parallel_loop3A_12 : i32 to vector<16xi32>
      %parallel_loop3A_14 = arith.muli %parallel_loop3A_11, %parallel_loop3A_13 : vector<16xi32>
      %parallel_loop3A_15 = arith.constant 0 : i32
      %parallel_loop3A_16 = vector.broadcast %parallel_loop3A_15 : i32 to vector<16xi32>
      %parallel_loop3A_17 = arith.addi %parallel_loop3A_14, %parallel_loop3A_16 : vector<16xi32>
      %parallel_loop3A_18 = tpu.vector_load_idx %arg5[%parallel_loop3A_17] : memref<32768xf32, #tpu.memory_space<vmem>>[vector<16xi32>], vector<16xf32>,
      %parallel_loop3A_19 = arith.constant 0 : i32
      %parallel_loop3A_20 = arith.constant 0 : i32
      %parallel_loop3A_21 = arith.index_cast %parallel_loop3A_19 : i32 to index
      %parallel_loop3A_22 = arith.index_cast %parallel_loop3A_20 : i32 to index
      %parallel_loop3A_23 = arith.index_cast %parallel_loop3A_7 : i32 to index
      %parallel_loop3A_24 = tpu.vector_load %arg7[%parallel_loop3A_21, %parallel_loop3A_22, %parallel_loop3A_23] {strides = array<i32>} : memref<2x32x1024xf32, #tpu.memory_space<vmem>>, vector<16xf32>,
      tpu.vector_store %arg7[%parallel_loop3A_21, %parallel_loop3A_22, %parallel_loop3A_23], %parallel_loop3A_18 {strides = array<i32>} : memref<2x32x1024xf32, #tpu.memory_space<vmem>>, vector<16xf32>,
      %parallel_loop3A_25 = arith.constant 1 : i32
      %parallel_loop3A_26 = vector.broadcast %parallel_loop3A_25 : i32 to vector<16xi32>
      %parallel_loop3A_27 = arith.addi %parallel_loop3A_14, %parallel_loop3A_26 : vector<16xi32>
      %parallel_loop3A_28 = tpu.vector_load_idx %arg5[%parallel_loop3A_27] : memref<32768xf32, #tpu.memory_space<vmem>>[vector<16xi32>], vector<16xf32>,
      %parallel_loop3A_29 = arith.constant 0 : i32
      %parallel_loop3A_30 = arith.constant 1 : i32
      %parallel_loop3A_31 = arith.index_cast %parallel_loop3A_29 : i32 to index
      %parallel_loop3A_32 = arith.index_cast %parallel_loop3A_30 : i32 to index
      %parallel_loop3A_33 = arith.index_cast %parallel_loop3A_7 : i32 to index
      %parallel_loop3A_34 = tpu.vector_load %arg7[%parallel_loop3A_31, %parallel_loop3A_32, %parallel_loop3A_33] {strides = array<i32>} : memref<2x32x1024xf32, #tpu.memory_space<vmem>>, vector<16xf32>,
      tpu.vector_store %arg7[%parallel_loop3A_31, %parallel_loop3A_32, %parallel_loop3A_33], %parallel_loop3A_28 {strides = array<i32>} : memref<2x32x1024xf32, #tpu.memory_space<vmem>>, vector<16xf32>,
      %parallel_loop3A_35 = arith.constant 2 : i32
      %parallel_loop3A_36 = vector.broadcast %parallel_loop3A_35 : i32 to vector<16xi32>
      %parallel_loop3A_37 = arith.addi %parallel_loop3A_14, %parallel_loop3A_36 : vector<16xi32>
      %parallel_loop3A_38 = tpu.vector_load_idx %arg5[%parallel_loop3A_37] : memref<32768xf32, #tpu.memory_space<vmem>>[vector<16xi32>], vector<16xf32>,
      %parallel_loop3A_39 = arith.constant 0 : i32
      %parallel_loop3A_40 = arith.constant 2 : i32
      %parallel_loop3A_41 = arith.index_cast %parallel_loop3A_39 : i32 to index
      %parallel_loop3A_42 = arith.index_cast %parallel_loop3A_40 : i32 to index
      %parallel_loop3A_43 = arith.index_cast %parallel_loop3A_7 : i32 to index
      %parallel_loop3A_44 = tpu.vector_load %arg7[%parallel_loop3A_41, %parallel_loop3A_42, %parallel_loop3A_43] {strides = array<i32>} : memref<2x32x1024xf32, #tpu.memory_space<vmem>>, vector<16xf32>,
      tpu.vector_store %arg7[%parallel_loop3A_41, %parallel_loop3A_42, %parallel_loop3A_43], %parallel_loop3A_38 {strides = array<i32>} : memref<2x32x1024xf32, #tpu.memory_space<vmem>>, vector<16xf32>,
      %parallel_loop3A_45 = arith.constant 3 : i32
      %parallel_loop3A_46 = vector.broadcast %parallel_loop3A_45 : i32 to vector<16xi32>
      %parallel_loop3A_47 = arith.addi %parallel_loop3A_14, %parallel_loop3A_46 : vector<16xi32>
      %parallel_loop3A_48 = tpu.vector_load_idx %arg5[%parallel_loop3A_47] : memref<32768xf32, #tpu.memory_space<vmem>>[vector<16xi32>], vector<16xf32>,
      %parallel_loop3A_49 = arith.constant 0 : i32
      %parallel_loop3A_50 = arith.constant 3 : i32
      %parallel_loop3A_51 = arith.index_cast %parallel_loop3A_49 : i32 to index
      %parallel_loop3A_52 = arith.index_cast %parallel_loop3A_50 : i32 to index
      %parallel_loop3A_53 = arith.index_cast %parallel_loop3A_7 : i32 to index
      %parallel_loop3A_54 = tpu.vector_load %arg7[%parallel_loop3A_51, %parallel_loop3A_52, %parallel_loop3A_53] {strides = array<i32>} : memref<2x32x1024xf32, #tpu.memory_space<vmem>>, vector<16xf32>,
      tpu.vector_store %arg7[%parallel_loop3A_51, %parallel_loop3A_52, %parallel_loop3A_53], %parallel_loop3A_48 {strides = array<i32>} : memref<2x32x1024xf32, #tpu.memory_space<vmem>>, vector<16xf32>,
      %parallel_loop3A_55 = arith.constant 4 : i32
      %parallel_loop3A_56 = vector.broadcast %parallel_loop3A_55 : i32 to vector<16xi32>
      %parallel_loop3A_57 = arith.addi %parallel_loop3A_14, %parallel_loop3A_56 : vector<16xi32>
      %parallel_loop3A_58 = tpu.vector_load_idx %arg5[%parallel_loop3A_57] : memref<32768xf32, #tpu.memory_space<vmem>>[vector<16xi32>], vector<16xf32>,
      %parallel_loop3A_59 = arith.constant 0 : i32
      %parallel_loop3A_60 = arith.constant 4 : i32
      %parallel_loop3A_61 = arith.index_cast %parallel_loop3A_59 : i32 to index
      %parallel_loop3A_62 = arith.index_cast %parallel_loop3A_60 : i32 to index
      %parallel_loop3A_63 = arith.index_cast %parallel_loop3A_7 : i32 to index
      %parallel_loop3A_64 = tpu.vector_load %arg7[%parallel_loop3A_61, %parallel_loop3A_62, %parallel_loop3A_63] {strides = array<i32>} : memref<2x32x1024xf32, #tpu.memory_space<vmem>>, vector<16xf32>,
      tpu.vector_store %arg7[%parallel_loop3A_61, %parallel_loop3A_62, %parallel_loop3A_63], %parallel_loop3A_58 {strides = array<i32>} : memref<2x32x1024xf32, #tpu.memory_space<vmem>>, vector<16xf32>,
      %parallel_loop3A_65 = arith.constant 5 : i32
      %parallel_loop3A_66 = vector.broadcast %parallel_loop3A_65 : i32 to vector<16xi32>
      %parallel_loop3A_67 = arith.addi %parallel_loop3A_14, %parallel_loop3A_66 : vector<16xi32>
      %parallel_loop3A_68 = tpu.vector_load_idx %arg5[%parallel_loop3A_67] : memref<32768xf32, #tpu.memory_space<vmem>>[vector<16xi32>], vector<16xf32>,
      %parallel_loop3A_69 = arith.constant 0 : i32
      %parallel_loop3A_70 = arith.constant 5 : i32
      %parallel_loop3A_71 = arith.index_cast %parallel_loop3A_69 : i32 to index
      %parallel_loop3A_72 = arith.index_cast %parallel_loop3A_70 : i32 to index
      %parallel_loop3A_73 = arith.index_cast %parallel_loop3A_7 : i32 to index
      %parallel_loop3A_74 = tpu.vector_load %arg7[%parallel_loop3A_71, %parallel_loop3A_72, %parallel_loop3A_73] {strides = array<i32>} : memref<2x32x1024xf32, #tpu.memory_space<vmem>>, vector<16xf32>,
      tpu.vector_store %arg7[%parallel_loop3A_71, %parallel_loop3A_72, %parallel_loop3A_73], %parallel_loop3A_68 {strides = array<i32>} : memref<2x32x1024xf32, #tpu.memory_space<vmem>>, vector<16xf32>,
      %parallel_loop3A_75 = arith.constant 6 : i32
      %parallel_loop3A_76 = vector.broadcast %parallel_loop3A_75 : i32 to vector<16xi32>
      %parallel_loop3A_77 = arith.addi %parallel_loop3A_14, %parallel_loop3A_76 : vector<16xi32>
      %parallel_loop3A_78 = tpu.vector_load_idx %arg5[%parallel_loop3A_77] : memref<32768xf32, #tpu.memory_space<vmem>>[vector<16xi32>], vector<16xf32>,
      %parallel_loop3A_79 = arith.constant 0 : i32
      %parallel_loop3A_80 = arith.constant 6 : i32
      %parallel_loop3A_81 = arith.index_cast %parallel_loop3A_79 : i32 to index
      %parallel_loop3A_82 = arith.index_cast %parallel_loop3A_80 : i32 to index
      %parallel_loop3A_83 = arith.index_cast %parallel_loop3A_7 : i32 to index
      %parallel_loop3A_84 = tpu.vector_load %arg7[%parallel_loop3A_81, %parallel_loop3A_82, %parallel_loop3A_83] {strides = array<i32>} : memref<2x32x1024xf32, #tpu.memory_space<vmem>>, vector<16xf32>,
      tpu.vector_store %arg7[%parallel_loop3A_81, %parallel_loop3A_82, %parallel_loop3A_83], %parallel_loop3A_78 {strides = array<i32>} : memref<2x32x1024xf32, #tpu.memory_space<vmem>>, vector<16xf32>,
      %parallel_loop3A_85 = arith.constant 7 : i32
      %parallel_loop3A_86 = vector.broadcast %parallel_loop3A_85 : i32 to vector<16xi32>
      %parallel_loop3A_87 = arith.addi %parallel_loop3A_14, %parallel_loop3A_86 : vector<16xi32>
      %parallel_loop3A_88 = tpu.vector_load_idx %arg5[%parallel_loop3A_87] : memref<32768xf32, #tpu.memory_space<vmem>>[vector<16xi32>], vector<16xf32>,
      %parallel_loop3A_89 = arith.constant 0 : i32
      %parallel_loop3A_90 = arith.constant 7 : i32
      %parallel_loop3A_91 = arith.index_cast %parallel_loop3A_89 : i32 to index
      %parallel_loop3A_92 = arith.index_cast %parallel_loop3A_90 : i32 to index
      %parallel_loop3A_93 = arith.index_cast %parallel_loop3A_7 : i32 to index
      %parallel_loop3A_94 = tpu.vector_load %arg7[%parallel_loop3A_91, %parallel_loop3A_92, %parallel_loop3A_93] {strides = array<i32>} : memref<2x32x1024xf32, #tpu.memory_space<vmem>>, vector<16xf32>,
      tpu.vector_store %arg7[%parallel_loop3A_91, %parallel_loop3A_92, %parallel_loop3A_93], %parallel_loop3A_88 {strides = array<i32>} : memref<2x32x1024xf32, #tpu.memory_space<vmem>>, vector<16xf32>,
      %parallel_loop3A_95 = arith.constant 8 : i32
      %parallel_loop3A_96 = vector.broadcast %parallel_loop3A_95 : i32 to vector<16xi32>
      %parallel_loop3A_97 = arith.addi %parallel_loop3A_14, %parallel_loop3A_96 : vector<16xi32>
      %parallel_loop3A_98 = tpu.vector_load_idx %arg5[%parallel_loop3A_97] : memref<32768xf32, #tpu.memory_space<vmem>>[vector<16xi32>], vector<16xf32>,
      %parallel_loop3A_99 = arith.constant 0 : i32
      %parallel_loop3A_100 = arith.constant 8 : i32
      %parallel_loop3A_101 = arith.index_cast %parallel_loop3A_99 : i32 to index
      %parallel_loop3A_102 = arith.index_cast %parallel_loop3A_100 : i32 to index
      %parallel_loop3A_103 = arith.index_cast %parallel_loop3A_7 : i32 to index
      %parallel_loop3A_104 = tpu.vector_load %arg7[%parallel_loop3A_101, %parallel_loop3A_102, %parallel_loop3A_103] {strides = array<i32>} : memref<2x32x1024xf32, #tpu.memory_space<vmem>>, vector<16xf32>,
      tpu.vector_store %arg7[%parallel_loop3A_101, %parallel_loop3A_102, %parallel_loop3A_103], %parallel_loop3A_98 {strides = array<i32>} : memref<2x32x1024xf32, #tpu.memory_space<vmem>>, vector<16xf32>,
      %parallel_loop3A_105 = arith.constant 9 : i32
      %parallel_loop3A_106 = vector.broadcast %parallel_loop3A_105 : i32 to vector<16xi32>
      %parallel_loop3A_107 = arith.addi %parallel_loop3A_14, %parallel_loop3A_106 : vector<16xi32>
      %parallel_loop3A_108 = tpu.vector_load_idx %arg5[%parallel_loop3A_107] : memref<32768xf32, #tpu.memory_space<vmem>>[vector<16xi32>], vector<16xf32>,
      %parallel_loop3A_109 = arith.constant 0 : i32
      %parallel_loop3A_110 = arith.constant 9 : i32
      %parallel_loop3A_111 = arith.index_cast %parallel_loop3A_109 : i32 to index
      %parallel_loop3A_112 = arith.index_cast %parallel_loop3A_110 : i32 to index
      %parallel_loop3A_113 = arith.index_cast %parallel_loop3A_7 : i32 to index
      %parallel_loop3A_114 = tpu.vector_load %arg7[%parallel_loop3A_111, %parallel_loop3A_112, %parallel_loop3A_113] {strides = array<i32>} : memref<2x32x1024xf32, #tpu.memory_space<vmem>>, vector<16xf32>,
      tpu.vector_store %arg7[%parallel_loop3A_111, %parallel_loop3A_112, %parallel_loop3A_113], %parallel_loop3A_108 {strides = array<i32>} : memref<2x32x1024xf32, #tpu.memory_space<vmem>>, vector<16xf32>,
      %parallel_loop3A_115 = arith.constant 10 : i32
      %parallel_loop3A_116 = vector.broadcast %parallel_loop3A_115 : i32 to vector<16xi32>
      %parallel_loop3A_117 = arith.addi %parallel_loop3A_14, %parallel_loop3A_116 : vector<16xi32>
      %parallel_loop3A_118 = tpu.vector_load_idx %arg5[%parallel_loop3A_117] : memref<32768xf32, #tpu.memory_space<vmem>>[vector<16xi32>], vector<16xf32>,
      %parallel_loop3A_119 = arith.constant 0 : i32
      %parallel_loop3A_120 = arith.constant 10 : i32
      %parallel_loop3A_121 = arith.index_cast %parallel_loop3A_119 : i32 to index
      %parallel_loop3A_122 = arith.index_cast %parallel_loop3A_120 : i32 to index
      %parallel_loop3A_123 = arith.index_cast %parallel_loop3A_7 : i32 to index
      %parallel_loop3A_124 = tpu.vector_load %arg7[%parallel_loop3A_121, %parallel_loop3A_122, %parallel_loop3A_123] {strides = array<i32>} : memref<2x32x1024xf32, #tpu.memory_space<vmem>>, vector<16xf32>,
      tpu.vector_store %arg7[%parallel_loop3A_121, %parallel_loop3A_122, %parallel_loop3A_123], %parallel_loop3A_118 {strides = array<i32>} : memref<2x32x1024xf32, #tpu.memory_space<vmem>>, vector<16xf32>,
      %parallel_loop3A_125 = arith.constant 11 : i32
      %parallel_loop3A_126 = vector.broadcast %parallel_loop3A_125 : i32 to vector<16xi32>
      %parallel_loop3A_127 = arith.addi %parallel_loop3A_14, %parallel_loop3A_126 : vector<16xi32>
      %parallel_loop3A_128 = tpu.vector_load_idx %arg5[%parallel_loop3A_127] : memref<32768xf32, #tpu.memory_space<vmem>>[vector<16xi32>], vector<16xf32>,
      %parallel_loop3A_129 = arith.constant 0 : i32
      %parallel_loop3A_130 = arith.constant 11 : i32
      %parallel_loop3A_131 = arith.index_cast %parallel_loop3A_129 : i32 to index
      %parallel_loop3A_132 = arith.index_cast %parallel_loop3A_130 : i32 to index
      %parallel_loop3A_133 = arith.index_cast %parallel_loop3A_7 : i32 to index
      %parallel_loop3A_134 = tpu.vector_load %arg7[%parallel_loop3A_131, %parallel_loop3A_132, %parallel_loop3A_133] {strides = array<i32>} : memref<2x32x1024xf32, #tpu.memory_space<vmem>>, vector<16xf32>,
      tpu.vector_store %arg7[%parallel_loop3A_131, %parallel_loop3A_132, %parallel_loop3A_133], %parallel_loop3A_128 {strides = array<i32>} : memref<2x32x1024xf32, #tpu.memory_space<vmem>>, vector<16xf32>,
      %parallel_loop3A_135 = arith.constant 12 : i32
      %parallel_loop3A_136 = vector.broadcast %parallel_loop3A_135 : i32 to vector<16xi32>
      %parallel_loop3A_137 = arith.addi %parallel_loop3A_14, %parallel_loop3A_136 : vector<16xi32>
      %parallel_loop3A_138 = tpu.vector_load_idx %arg5[%parallel_loop3A_137] : memref<32768xf32, #tpu.memory_space<vmem>>[vector<16xi32>], vector<16xf32>,
      %parallel_loop3A_139 = arith.constant 0 : i32
      %parallel_loop3A_140 = arith.constant 12 : i32
      %parallel_loop3A_141 = arith.index_cast %parallel_loop3A_139 : i32 to index
      %parallel_loop3A_142 = arith.index_cast %parallel_loop3A_140 : i32 to index
      %parallel_loop3A_143 = arith.index_cast %parallel_loop3A_7 : i32 to index
      %parallel_loop3A_144 = tpu.vector_load %arg7[%parallel_loop3A_141, %parallel_loop3A_142, %parallel_loop3A_143] {strides = array<i32>} : memref<2x32x1024xf32, #tpu.memory_space<vmem>>, vector<16xf32>,
      tpu.vector_store %arg7[%parallel_loop3A_141, %parallel_loop3A_142, %parallel_loop3A_143], %parallel_loop3A_138 {strides = array<i32>} : memref<2x32x1024xf32, #tpu.memory_space<vmem>>, vector<16xf32>,
      %parallel_loop3A_145 = arith.constant 13 : i32
      %parallel_loop3A_146 = vector.broadcast %parallel_loop3A_145 : i32 to vector<16xi32>
      %parallel_loop3A_147 = arith.addi %parallel_loop3A_14, %parallel_loop3A_146 : vector<16xi32>
      %parallel_loop3A_148 = tpu.vector_load_idx %arg5[%parallel_loop3A_147] : memref<32768xf32, #tpu.memory_space<vmem>>[vector<16xi32>], vector<16xf32>,
      %parallel_loop3A_149 = arith.constant 0 : i32
      %parallel_loop3A_150 = arith.constant 13 : i32
      %parallel_loop3A_151 = arith.index_cast %parallel_loop3A_149 : i32 to index
      %parallel_loop3A_152 = arith.index_cast %parallel_loop3A_150 : i32 to index
      %parallel_loop3A_153 = arith.index_cast %parallel_loop3A_7 : i32 to index
      %parallel_loop3A_154 = tpu.vector_load %arg7[%parallel_loop3A_151, %parallel_loop3A_152, %parallel_loop3A_153] {strides = array<i32>} : memref<2x32x1024xf32, #tpu.memory_space<vmem>>, vector<16xf32>,
      tpu.vector_store %arg7[%parallel_loop3A_151, %parallel_loop3A_152, %parallel_loop3A_153], %parallel_loop3A_148 {strides = array<i32>} : memref<2x32x1024xf32, #tpu.memory_space<vmem>>, vector<16xf32>,
      %parallel_loop3A_155 = arith.constant 14 : i32
      %parallel_loop3A_156 = vector.broadcast %parallel_loop3A_155 : i32 to vector<16xi32>
      %parallel_loop3A_157 = arith.addi %parallel_loop3A_14, %parallel_loop3A_156 : vector<16xi32>
      %parallel_loop3A_158 = tpu.vector_load_idx %arg5[%parallel_loop3A_157] : memref<32768xf32, #tpu.memory_space<vmem>>[vector<16xi32>], vector<16xf32>,
      %parallel_loop3A_159 = arith.constant 0 : i32
      %parallel_loop3A_160 = arith.constant 14 : i32
      %parallel_loop3A_161 = arith.index_cast %parallel_loop3A_159 : i32 to index
      %parallel_loop3A_162 = arith.index_cast %parallel_loop3A_160 : i32 to index
      %parallel_loop3A_163 = arith.index_cast %parallel_loop3A_7 : i32 to index
      %parallel_loop3A_164 = tpu.vector_load %arg7[%parallel_loop3A_161, %parallel_loop3A_162, %parallel_loop3A_163] {strides = array<i32>} : memref<2x32x1024xf32, #tpu.memory_space<vmem>>, vector<16xf32>,
      tpu.vector_store %arg7[%parallel_loop3A_161, %parallel_loop3A_162, %parallel_loop3A_163], %parallel_loop3A_158 {strides = array<i32>} : memref<2x32x1024xf32, #tpu.memory_space<vmem>>, vector<16xf32>,
      %parallel_loop3A_165 = arith.constant 15 : i32
      %parallel_loop3A_166 = vector.broadcast %parallel_loop3A_165 : i32 to vector<16xi32>
      %parallel_loop3A_167 = arith.addi %parallel_loop3A_14, %parallel_loop3A_166 : vector<16xi32>
      %parallel_loop3A_168 = tpu.vector_load_idx %arg5[%parallel_loop3A_167] : memref<32768xf32, #tpu.memory_space<vmem>>[vector<16xi32>], vector<16xf32>,
      %parallel_loop3A_169 = arith.constant 0 : i32
      %parallel_loop3A_170 = arith.constant 15 : i32
      %parallel_loop3A_171 = arith.index_cast %parallel_loop3A_169 : i32 to index
      %parallel_loop3A_172 = arith.index_cast %parallel_loop3A_170 : i32 to index
      %parallel_loop3A_173 = arith.index_cast %parallel_loop3A_7 : i32 to index
      %parallel_loop3A_174 = tpu.vector_load %arg7[%parallel_loop3A_171, %parallel_loop3A_172, %parallel_loop3A_173] {strides = array<i32>} : memref<2x32x1024xf32, #tpu.memory_space<vmem>>, vector<16xf32>,
      tpu.vector_store %arg7[%parallel_loop3A_171, %parallel_loop3A_172, %parallel_loop3A_173], %parallel_loop3A_168 {strides = array<i32>} : memref<2x32x1024xf32, #tpu.memory_space<vmem>>, vector<16xf32>,
      %parallel_loop3A_175 = arith.constant 16 : i32
      %parallel_loop3A_176 = vector.broadcast %parallel_loop3A_175 : i32 to vector<16xi32>
      %parallel_loop3A_177 = arith.addi %parallel_loop3A_14, %parallel_loop3A_176 : vector<16xi32>
      %parallel_loop3A_178 = tpu.vector_load_idx %arg5[%parallel_loop3A_177] : memref<32768xf32, #tpu.memory_space<vmem>>[vector<16xi32>], vector<16xf32>,
      %parallel_loop3A_179 = arith.constant 0 : i32
      %parallel_loop3A_180 = arith.constant 16 : i32
      %parallel_loop3A_181 = arith.index_cast %parallel_loop3A_179 : i32 to index
      %parallel_loop3A_182 = arith.index_cast %parallel_loop3A_180 : i32 to index
      %parallel_loop3A_183 = arith.index_cast %parallel_loop3A_7 : i32 to index
      %parallel_loop3A_184 = tpu.vector_load %arg7[%parallel_loop3A_181, %parallel_loop3A_182, %parallel_loop3A_183] {strides = array<i32>} : memref<2x32x1024xf32, #tpu.memory_space<vmem>>, vector<16xf32>,
      tpu.vector_store %arg7[%parallel_loop3A_181, %parallel_loop3A_182, %parallel_loop3A_183], %parallel_loop3A_178 {strides = array<i32>} : memref<2x32x1024xf32, #tpu.memory_space<vmem>>, vector<16xf32>,
      %parallel_loop3A_185 = arith.constant 17 : i32
      %parallel_loop3A_186 = vector.broadcast %parallel_loop3A_185 : i32 to vector<16xi32>
      %parallel_loop3A_187 = arith.addi %parallel_loop3A_14, %parallel_loop3A_186 : vector<16xi32>
      %parallel_loop3A_188 = tpu.vector_load_idx %arg5[%parallel_loop3A_187] : memref<32768xf32, #tpu.memory_space<vmem>>[vector<16xi32>], vector<16xf32>,
      %parallel_loop3A_189 = arith.constant 0 : i32
      %parallel_loop3A_190 = arith.constant 17 : i32
      %parallel_loop3A_191 = arith.index_cast %parallel_loop3A_189 : i32 to index
      %parallel_loop3A_192 = arith.index_cast %parallel_loop3A_190 : i32 to index
      %parallel_loop3A_193 = arith.index_cast %parallel_loop3A_7 : i32 to index
      %parallel_loop3A_194 = tpu.vector_load %arg7[%parallel_loop3A_191, %parallel_loop3A_192, %parallel_loop3A_193] {strides = array<i32>} : memref<2x32x1024xf32, #tpu.memory_space<vmem>>, vector<16xf32>,
      tpu.vector_store %arg7[%parallel_loop3A_191, %parallel_loop3A_192, %parallel_loop3A_193], %parallel_loop3A_188 {strides = array<i32>} : memref<2x32x1024xf32, #tpu.memory_space<vmem>>, vector<16xf32>,
      %parallel_loop3A_195 = arith.constant 18 : i32
      %parallel_loop3A_196 = vector.broadcast %parallel_loop3A_195 : i32 to vector<16xi32>
      %parallel_loop3A_197 = arith.addi %parallel_loop3A_14, %parallel_loop3A_196 : vector<16xi32>
      %parallel_loop3A_198 = tpu.vector_load_idx %arg5[%parallel_loop3A_197] : memref<32768xf32, #tpu.memory_space<vmem>>[vector<16xi32>], vector<16xf32>,
      %parallel_loop3A_199 = arith.constant 0 : i32
      %parallel_loop3A_200 = arith.constant 18 : i32
      %parallel_loop3A_201 = arith.index_cast %parallel_loop3A_199 : i32 to index
      %parallel_loop3A_202 = arith.index_cast %parallel_loop3A_200 : i32 to index
      %parallel_loop3A_203 = arith.index_cast %parallel_loop3A_7 : i32 to index
      %parallel_loop3A_204 = tpu.vector_load %arg7[%parallel_loop3A_201, %parallel_loop3A_202, %parallel_loop3A_203] {strides = array<i32>} : memref<2x32x1024xf32, #tpu.memory_space<vmem>>, vector<16xf32>,
      tpu.vector_store %arg7[%parallel_loop3A_201, %parallel_loop3A_202, %parallel_loop3A_203], %parallel_loop3A_198 {strides = array<i32>} : memref<2x32x1024xf32, #tpu.memory_space<vmem>>, vector<16xf32>,
      %parallel_loop3A_205 = arith.constant 19 : i32
      %parallel_loop3A_206 = vector.broadcast %parallel_loop3A_205 : i32 to vector<16xi32>
      %parallel_loop3A_207 = arith.addi %parallel_loop3A_14, %parallel_loop3A_206 : vector<16xi32>
      %parallel_loop3A_208 = tpu.vector_load_idx %arg5[%parallel_loop3A_207] : memref<32768xf32, #tpu.memory_space<vmem>>[vector<16xi32>], vector<16xf32>,
      %parallel_loop3A_209 = arith.constant 0 : i32
      %parallel_loop3A_210 = arith.constant 19 : i32
      %parallel_loop3A_211 = arith.index_cast %parallel_loop3A_209 : i32 to index
      %parallel_loop3A_212 = arith.index_cast %parallel_loop3A_210 : i32 to index
      %parallel_loop3A_213 = arith.index_cast %parallel_loop3A_7 : i32 to index
      %parallel_loop3A_214 = tpu.vector_load %arg7[%parallel_loop3A_211, %parallel_loop3A_212, %parallel_loop3A_213] {strides = array<i32>} : memref<2x32x1024xf32, #tpu.memory_space<vmem>>, vector<16xf32>,
      tpu.vector_store %arg7[%parallel_loop3A_211, %parallel_loop3A_212, %parallel_loop3A_213], %parallel_loop3A_208 {strides = array<i32>} : memref<2x32x1024xf32, #tpu.memory_space<vmem>>, vector<16xf32>,
      %parallel_loop3A_215 = arith.constant 20 : i32
      %parallel_loop3A_216 = vector.broadcast %parallel_loop3A_215 : i32 to vector<16xi32>
      %parallel_loop3A_217 = arith.addi %parallel_loop3A_14, %parallel_loop3A_216 : vector<16xi32>
      %parallel_loop3A_218 = tpu.vector_load_idx %arg5[%parallel_loop3A_217] : memref<32768xf32, #tpu.memory_space<vmem>>[vector<16xi32>], vector<16xf32>,
      %parallel_loop3A_219 = arith.constant 0 : i32
      %parallel_loop3A_220 = arith.constant 20 : i32
      %parallel_loop3A_221 = arith.index_cast %parallel_loop3A_219 : i32 to index
      %parallel_loop3A_222 = arith.index_cast %parallel_loop3A_220 : i32 to index
      %parallel_loop3A_223 = arith.index_cast %parallel_loop3A_7 : i32 to index
      %parallel_loop3A_224 = tpu.vector_load %arg7[%parallel_loop3A_221, %parallel_loop3A_222, %parallel_loop3A_223] {strides = array<i32>} : memref<2x32x1024xf32, #tpu.memory_space<vmem>>, vector<16xf32>,
      tpu.vector_store %arg7[%parallel_loop3A_221, %parallel_loop3A_222, %parallel_loop3A_223], %parallel_loop3A_218 {strides = array<i32>} : memref<2x32x1024xf32, #tpu.memory_space<vmem>>, vector<16xf32>,
      %parallel_loop3A_225 = arith.constant 21 : i32
      %parallel_loop3A_226 = vector.broadcast %parallel_loop3A_225 : i32 to vector<16xi32>
      %parallel_loop3A_227 = arith.addi %parallel_loop3A_14, %parallel_loop3A_226 : vector<16xi32>
      %parallel_loop3A_228 = tpu.vector_load_idx %arg5[%parallel_loop3A_227] : memref<32768xf32, #tpu.memory_space<vmem>>[vector<16xi32>], vector<16xf32>,
      %parallel_loop3A_229 = arith.constant 0 : i32
      %parallel_loop3A_230 = arith.constant 21 : i32
      %parallel_loop3A_231 = arith.index_cast %parallel_loop3A_229 : i32 to index
      %parallel_loop3A_232 = arith.index_cast %parallel_loop3A_230 : i32 to index
      %parallel_loop3A_233 = arith.index_cast %parallel_loop3A_7 : i32 to index
      %parallel_loop3A_234 = tpu.vector_load %arg7[%parallel_loop3A_231, %parallel_loop3A_232, %parallel_loop3A_233] {strides = array<i32>} : memref<2x32x1024xf32, #tpu.memory_space<vmem>>, vector<16xf32>,
      tpu.vector_store %arg7[%parallel_loop3A_231, %parallel_loop3A_232, %parallel_loop3A_233], %parallel_loop3A_228 {strides = array<i32>} : memref<2x32x1024xf32, #tpu.memory_space<vmem>>, vector<16xf32>,
      %parallel_loop3A_235 = arith.constant 22 : i32
      %parallel_loop3A_236 = vector.broadcast %parallel_loop3A_235 : i32 to vector<16xi32>
      %parallel_loop3A_237 = arith.addi %parallel_loop3A_14, %parallel_loop3A_236 : vector<16xi32>
      %parallel_loop3A_238 = tpu.vector_load_idx %arg5[%parallel_loop3A_237] : memref<32768xf32, #tpu.memory_space<vmem>>[vector<16xi32>], vector<16xf32>,
      %parallel_loop3A_239 = arith.constant 0 : i32
      %parallel_loop3A_240 = arith.constant 22 : i32
      %parallel_loop3A_241 = arith.index_cast %parallel_loop3A_239 : i32 to index
      %parallel_loop3A_242 = arith.index_cast %parallel_loop3A_240 : i32 to index
      %parallel_loop3A_243 = arith.index_cast %parallel_loop3A_7 : i32 to index
      %parallel_loop3A_244 = tpu.vector_load %arg7[%parallel_loop3A_241, %parallel_loop3A_242, %parallel_loop3A_243] {strides = array<i32>} : memref<2x32x1024xf32, #tpu.memory_space<vmem>>, vector<16xf32>,
      tpu.vector_store %arg7[%parallel_loop3A_241, %parallel_loop3A_242, %parallel_loop3A_243], %parallel_loop3A_238 {strides = array<i32>} : memref<2x32x1024xf32, #tpu.memory_space<vmem>>, vector<16xf32>,
      %parallel_loop3A_245 = arith.constant 23 : i32
      %parallel_loop3A_246 = vector.broadcast %parallel_loop3A_245 : i32 to vector<16xi32>
      %parallel_loop3A_247 = arith.addi %parallel_loop3A_14, %parallel_loop3A_246 : vector<16xi32>
      %parallel_loop3A_248 = tpu.vector_load_idx %arg5[%parallel_loop3A_247] : memref<32768xf32, #tpu.memory_space<vmem>>[vector<16xi32>], vector<16xf32>,
      %parallel_loop3A_249 = arith.constant 0 : i32
      %parallel_loop3A_250 = arith.constant 23 : i32
      %parallel_loop3A_251 = arith.index_cast %parallel_loop3A_249 : i32 to index
      %parallel_loop3A_252 = arith.index_cast %parallel_loop3A_250 : i32 to index
      %parallel_loop3A_253 = arith.index_cast %parallel_loop3A_7 : i32 to index
      %parallel_loop3A_254 = tpu.vector_load %arg7[%parallel_loop3A_251, %parallel_loop3A_252, %parallel_loop3A_253] {strides = array<i32>} : memref<2x32x1024xf32, #tpu.memory_space<vmem>>, vector<16xf32>,
      tpu.vector_store %arg7[%parallel_loop3A_251, %parallel_loop3A_252, %parallel_loop3A_253], %parallel_loop3A_248 {strides = array<i32>} : memref<2x32x1024xf32, #tpu.memory_space<vmem>>, vector<16xf32>,
      %parallel_loop3A_255 = arith.constant 24 : i32
      %parallel_loop3A_256 = vector.broadcast %parallel_loop3A_255 : i32 to vector<16xi32>
      %parallel_loop3A_257 = arith.addi %parallel_loop3A_14, %parallel_loop3A_256 : vector<16xi32>
      %parallel_loop3A_258 = tpu.vector_load_idx %arg5[%parallel_loop3A_257] : memref<32768xf32, #tpu.memory_space<vmem>>[vector<16xi32>], vector<16xf32>,
      %parallel_loop3A_259 = arith.constant 0 : i32
      %parallel_loop3A_260 = arith.constant 24 : i32
      %parallel_loop3A_261 = arith.index_cast %parallel_loop3A_259 : i32 to index
      %parallel_loop3A_262 = arith.index_cast %parallel_loop3A_260 : i32 to index
      %parallel_loop3A_263 = arith.index_cast %parallel_loop3A_7 : i32 to index
      %parallel_loop3A_264 = tpu.vector_load %arg7[%parallel_loop3A_261, %parallel_loop3A_262, %parallel_loop3A_263] {strides = array<i32>} : memref<2x32x1024xf32, #tpu.memory_space<vmem>>, vector<16xf32>,
      tpu.vector_store %arg7[%parallel_loop3A_261, %parallel_loop3A_262, %parallel_loop3A_263], %parallel_loop3A_258 {strides = array<i32>} : memref<2x32x1024xf32, #tpu.memory_space<vmem>>, vector<16xf32>,
      %parallel_loop3A_265 = arith.constant 25 : i32
      %parallel_loop3A_266 = vector.broadcast %parallel_loop3A_265 : i32 to vector<16xi32>
      %parallel_loop3A_267 = arith.addi %parallel_loop3A_14, %parallel_loop3A_266 : vector<16xi32>
      %parallel_loop3A_268 = tpu.vector_load_idx %arg5[%parallel_loop3A_267] : memref<32768xf32, #tpu.memory_space<vmem>>[vector<16xi32>], vector<16xf32>,
      %parallel_loop3A_269 = arith.constant 0 : i32
      %parallel_loop3A_270 = arith.constant 25 : i32
      %parallel_loop3A_271 = arith.index_cast %parallel_loop3A_269 : i32 to index
      %parallel_loop3A_272 = arith.index_cast %parallel_loop3A_270 : i32 to index
      %parallel_loop3A_273 = arith.index_cast %parallel_loop3A_7 : i32 to index
      %parallel_loop3A_274 = tpu.vector_load %arg7[%parallel_loop3A_271, %parallel_loop3A_272, %parallel_loop3A_273] {strides = array<i32>} : memref<2x32x1024xf32, #tpu.memory_space<vmem>>, vector<16xf32>,
      tpu.vector_store %arg7[%parallel_loop3A_271, %parallel_loop3A_272, %parallel_loop3A_273], %parallel_loop3A_268 {strides = array<i32>} : memref<2x32x1024xf32, #tpu.memory_space<vmem>>, vector<16xf32>,
      %parallel_loop3A_275 = arith.constant 26 : i32
      %parallel_loop3A_276 = vector.broadcast %parallel_loop3A_275 : i32 to vector<16xi32>
      %parallel_loop3A_277 = arith.addi %parallel_loop3A_14, %parallel_loop3A_276 : vector<16xi32>
      %parallel_loop3A_278 = tpu.vector_load_idx %arg5[%parallel_loop3A_277] : memref<32768xf32, #tpu.memory_space<vmem>>[vector<16xi32>], vector<16xf32>,
      %parallel_loop3A_279 = arith.constant 0 : i32
      %parallel_loop3A_280 = arith.constant 26 : i32
      %parallel_loop3A_281 = arith.index_cast %parallel_loop3A_279 : i32 to index
      %parallel_loop3A_282 = arith.index_cast %parallel_loop3A_280 : i32 to index
      %parallel_loop3A_283 = arith.index_cast %parallel_loop3A_7 : i32 to index
      %parallel_loop3A_284 = tpu.vector_load %arg7[%parallel_loop3A_281, %parallel_loop3A_282, %parallel_loop3A_283] {strides = array<i32>} : memref<2x32x1024xf32, #tpu.memory_space<vmem>>, vector<16xf32>,
      tpu.vector_store %arg7[%parallel_loop3A_281, %parallel_loop3A_282, %parallel_loop3A_283], %parallel_loop3A_278 {strides = array<i32>} : memref<2x32x1024xf32, #tpu.memory_space<vmem>>, vector<16xf32>,
      %parallel_loop3A_285 = arith.constant 27 : i32
      %parallel_loop3A_286 = vector.broadcast %parallel_loop3A_285 : i32 to vector<16xi32>
      %parallel_loop3A_287 = arith.addi %parallel_loop3A_14, %parallel_loop3A_286 : vector<16xi32>
      %parallel_loop3A_288 = tpu.vector_load_idx %arg5[%parallel_loop3A_287] : memref<32768xf32, #tpu.memory_space<vmem>>[vector<16xi32>], vector<16xf32>,
      %parallel_loop3A_289 = arith.constant 0 : i32
      %parallel_loop3A_290 = arith.constant 27 : i32
      %parallel_loop3A_291 = arith.index_cast %parallel_loop3A_289 : i32 to index
      %parallel_loop3A_292 = arith.index_cast %parallel_loop3A_290 : i32 to index
      %parallel_loop3A_293 = arith.index_cast %parallel_loop3A_7 : i32 to index
      %parallel_loop3A_294 = tpu.vector_load %arg7[%parallel_loop3A_291, %parallel_loop3A_292, %parallel_loop3A_293] {strides = array<i32>} : memref<2x32x1024xf32, #tpu.memory_space<vmem>>, vector<16xf32>,
      tpu.vector_store %arg7[%parallel_loop3A_291, %parallel_loop3A_292, %parallel_loop3A_293], %parallel_loop3A_288 {strides = array<i32>} : memref<2x32x1024xf32, #tpu.memory_space<vmem>>, vector<16xf32>,
      %parallel_loop3A_295 = arith.constant 28 : i32
      %parallel_loop3A_296 = vector.broadcast %parallel_loop3A_295 : i32 to vector<16xi32>
      %parallel_loop3A_297 = arith.addi %parallel_loop3A_14, %parallel_loop3A_296 : vector<16xi32>
      %parallel_loop3A_298 = tpu.vector_load_idx %arg5[%parallel_loop3A_297] : memref<32768xf32, #tpu.memory_space<vmem>>[vector<16xi32>], vector<16xf32>,
      %parallel_loop3A_299 = arith.constant 0 : i32
      %parallel_loop3A_300 = arith.constant 28 : i32
      %parallel_loop3A_301 = arith.index_cast %parallel_loop3A_299 : i32 to index
      %parallel_loop3A_302 = arith.index_cast %parallel_loop3A_300 : i32 to index
      %parallel_loop3A_303 = arith.index_cast %parallel_loop3A_7 : i32 to index
      %parallel_loop3A_304 = tpu.vector_load %arg7[%parallel_loop3A_301, %parallel_loop3A_302, %parallel_loop3A_303] {strides = array<i32>} : memref<2x32x1024xf32, #tpu.memory_space<vmem>>, vector<16xf32>,
      tpu.vector_store %arg7[%parallel_loop3A_301, %parallel_loop3A_302, %parallel_loop3A_303], %parallel_loop3A_298 {strides = array<i32>} : memref<2x32x1024xf32, #tpu.memory_space<vmem>>, vector<16xf32>,
      %parallel_loop3A_305 = arith.constant 29 : i32
      %parallel_loop3A_306 = vector.broadcast %parallel_loop3A_305 : i32 to vector<16xi32>
      %parallel_loop3A_307 = arith.addi %parallel_loop3A_14, %parallel_loop3A_306 : vector<16xi32>
      %parallel_loop3A_308 = tpu.vector_load_idx %arg5[%parallel_loop3A_307] : memref<32768xf32, #tpu.memory_space<vmem>>[vector<16xi32>], vector<16xf32>,
      %parallel_loop3A_309 = arith.constant 0 : i32
      %parallel_loop3A_310 = arith.constant 29 : i32
      %parallel_loop3A_311 = arith.index_cast %parallel_loop3A_309 : i32 to index
      %parallel_loop3A_312 = arith.index_cast %parallel_loop3A_310 : i32 to index
      %parallel_loop3A_313 = arith.index_cast %parallel_loop3A_7 : i32 to index
      %parallel_loop3A_314 = tpu.vector_load %arg7[%parallel_loop3A_311, %parallel_loop3A_312, %parallel_loop3A_313] {strides = array<i32>} : memref<2x32x1024xf32, #tpu.memory_space<vmem>>, vector<16xf32>,
      tpu.vector_store %arg7[%parallel_loop3A_311, %parallel_loop3A_312, %parallel_loop3A_313], %parallel_loop3A_308 {strides = array<i32>} : memref<2x32x1024xf32, #tpu.memory_space<vmem>>, vector<16xf32>,
      %parallel_loop3A_315 = arith.constant 30 : i32
      %parallel_loop3A_316 = vector.broadcast %parallel_loop3A_315 : i32 to vector<16xi32>
      %parallel_loop3A_317 = arith.addi %parallel_loop3A_14, %parallel_loop3A_316 : vector<16xi32>
      %parallel_loop3A_318 = tpu.vector_load_idx %arg5[%parallel_loop3A_317] : memref<32768xf32, #tpu.memory_space<vmem>>[vector<16xi32>], vector<16xf32>,
      %parallel_loop3A_319 = arith.constant 0 : i32
      %parallel_loop3A_320 = arith.constant 30 : i32
      %parallel_loop3A_321 = arith.index_cast %parallel_loop3A_319 : i32 to index
      %parallel_loop3A_322 = arith.index_cast %parallel_loop3A_320 : i32 to index
      %parallel_loop3A_323 = arith.index_cast %parallel_loop3A_7 : i32 to index
      %parallel_loop3A_324 = tpu.vector_load %arg7[%parallel_loop3A_321, %parallel_loop3A_322, %parallel_loop3A_323] {strides = array<i32>} : memref<2x32x1024xf32, #tpu.memory_space<vmem>>, vector<16xf32>,
      tpu.vector_store %arg7[%parallel_loop3A_321, %parallel_loop3A_322, %parallel_loop3A_323], %parallel_loop3A_318 {strides = array<i32>} : memref<2x32x1024xf32, #tpu.memory_space<vmem>>, vector<16xf32>,
      %parallel_loop3A_325 = arith.constant 31 : i32
      %parallel_loop3A_326 = vector.broadcast %parallel_loop3A_325 : i32 to vector<16xi32>
      %parallel_loop3A_327 = arith.addi %parallel_loop3A_14, %parallel_loop3A_326 : vector<16xi32>
      %parallel_loop3A_328 = tpu.vector_load_idx %arg5[%parallel_loop3A_327] : memref<32768xf32, #tpu.memory_space<vmem>>[vector<16xi32>], vector<16xf32>,
      %parallel_loop3A_329 = arith.constant 0 : i32
      %parallel_loop3A_330 = arith.constant 31 : i32
      %parallel_loop3A_331 = arith.index_cast %parallel_loop3A_329 : i32 to index
      %parallel_loop3A_332 = arith.index_cast %parallel_loop3A_330 : i32 to index
      %parallel_loop3A_333 = arith.index_cast %parallel_loop3A_7 : i32 to index
      %parallel_loop3A_334 = tpu.vector_load %arg7[%parallel_loop3A_331, %parallel_loop3A_332, %parallel_loop3A_333] {strides = array<i32>} : memref<2x32x1024xf32, #tpu.memory_space<vmem>>, vector<16xf32>,
      tpu.vector_store %arg7[%parallel_loop3A_331, %parallel_loop3A_332, %parallel_loop3A_333], %parallel_loop3A_328 {strides = array<i32>} : memref<2x32x1024xf32, #tpu.memory_space<vmem>>, vector<16xf32>,
      %parallel_loop3A_335 = arith.constant 1 : i32
      %parallel_loop3A_336 = arith.index_cast %parallel_loop3A_335 : i32 to index
      %parallel_loop3A_337 = arith.index_cast %parallel_loop3A_7 : i32 to index
      %parallel_loop3A_338 = tpu.vector_load %arg6[%parallel_loop3A_336, %parallel_loop3A_337] {strides = array<i32>} : memref<2x1024xi32, #tpu.memory_space<vmem>>, vector<16xi32>,
      %parallel_loop3A_339 = arith.constant 32 : i32
      %parallel_loop3A_340 = vector.broadcast %parallel_loop3A_339 : i32 to vector<16xi32>
      %parallel_loop3A_341 = arith.muli %parallel_loop3A_338, %parallel_loop3A_340 : vector<16xi32>
      %parallel_loop3A_342 = arith.constant 0 : i32
      %parallel_loop3A_343 = vector.broadcast %parallel_loop3A_342 : i32 to vector<16xi32>
      %parallel_loop3A_344 = arith.addi %parallel_loop3A_341, %parallel_loop3A_343 : vector<16xi32>
      %parallel_loop3A_345 = tpu.vector_load_idx %arg5[%parallel_loop3A_344] : memref<32768xf32, #tpu.memory_space<vmem>>[vector<16xi32>], vector<16xf32>,
      %parallel_loop3A_346 = arith.constant 1 : i32
      %parallel_loop3A_347 = arith.constant 0 : i32
      %parallel_loop3A_348 = arith.index_cast %parallel_loop3A_346 : i32 to index
      %parallel_loop3A_349 = arith.index_cast %parallel_loop3A_347 : i32 to index
      %parallel_loop3A_350 = arith.index_cast %parallel_loop3A_7 : i32 to index
      %parallel_loop3A_351 = tpu.vector_load %arg7[%parallel_loop3A_348, %parallel_loop3A_349, %parallel_loop3A_350] {strides = array<i32>} : memref<2x32x1024xf32, #tpu.memory_space<vmem>>, vector<16xf32>,
      tpu.vector_store %arg7[%parallel_loop3A_348, %parallel_loop3A_349, %parallel_loop3A_350], %parallel_loop3A_345 {strides = array<i32>} : memref<2x32x1024xf32, #tpu.memory_space<vmem>>, vector<16xf32>,
      %parallel_loop3A_352 = arith.constant 1 : i32
      %parallel_loop3A_353 = vector.broadcast %parallel_loop3A_352 : i32 to vector<16xi32>
      %parallel_loop3A_354 = arith.addi %parallel_loop3A_341, %parallel_loop3A_353 : vector<16xi32>
      %parallel_loop3A_355 = tpu.vector_load_idx %arg5[%parallel_loop3A_354] : memref<32768xf32, #tpu.memory_space<vmem>>[vector<16xi32>], vector<16xf32>,
      %parallel_loop3A_356 = arith.constant 1 : i32
      %parallel_loop3A_357 = arith.constant 1 : i32
      %parallel_loop3A_358 = arith.index_cast %parallel_loop3A_356 : i32 to index
      %parallel_loop3A_359 = arith.index_cast %parallel_loop3A_357 : i32 to index
      %parallel_loop3A_360 = arith.index_cast %parallel_loop3A_7 : i32 to index
      %parallel_loop3A_361 = tpu.vector_load %arg7[%parallel_loop3A_358, %parallel_loop3A_359, %parallel_loop3A_360] {strides = array<i32>} : memref<2x32x1024xf32, #tpu.memory_space<vmem>>, vector<16xf32>,
      tpu.vector_store %arg7[%parallel_loop3A_358, %parallel_loop3A_359, %parallel_loop3A_360], %parallel_loop3A_355 {strides = array<i32>} : memref<2x32x1024xf32, #tpu.memory_space<vmem>>, vector<16xf32>,
      %parallel_loop3A_362 = arith.constant 2 : i32
      %parallel_loop3A_363 = vector.broadcast %parallel_loop3A_362 : i32 to vector<16xi32>
      %parallel_loop3A_364 = arith.addi %parallel_loop3A_341, %parallel_loop3A_363 : vector<16xi32>
      %parallel_loop3A_365 = tpu.vector_load_idx %arg5[%parallel_loop3A_364] : memref<32768xf32, #tpu.memory_space<vmem>>[vector<16xi32>], vector<16xf32>,
      %parallel_loop3A_366 = arith.constant 1 : i32
      %parallel_loop3A_367 = arith.constant 2 : i32
      %parallel_loop3A_368 = arith.index_cast %parallel_loop3A_366 : i32 to index
      %parallel_loop3A_369 = arith.index_cast %parallel_loop3A_367 : i32 to index
      %parallel_loop3A_370 = arith.index_cast %parallel_loop3A_7 : i32 to index
      %parallel_loop3A_371 = tpu.vector_load %arg7[%parallel_loop3A_368, %parallel_loop3A_369, %parallel_loop3A_370] {strides = array<i32>} : memref<2x32x1024xf32, #tpu.memory_space<vmem>>, vector<16xf32>,
      tpu.vector_store %arg7[%parallel_loop3A_368, %parallel_loop3A_369, %parallel_loop3A_370], %parallel_loop3A_365 {strides = array<i32>} : memref<2x32x1024xf32, #tpu.memory_space<vmem>>, vector<16xf32>,
      %parallel_loop3A_372 = arith.constant 3 : i32
      %parallel_loop3A_373 = vector.broadcast %parallel_loop3A_372 : i32 to vector<16xi32>
      %parallel_loop3A_374 = arith.addi %parallel_loop3A_341, %parallel_loop3A_373 : vector<16xi32>
      %parallel_loop3A_375 = tpu.vector_load_idx %arg5[%parallel_loop3A_374] : memref<32768xf32, #tpu.memory_space<vmem>>[vector<16xi32>], vector<16xf32>,
      %parallel_loop3A_376 = arith.constant 1 : i32
      %parallel_loop3A_377 = arith.constant 3 : i32
      %parallel_loop3A_378 = arith.index_cast %parallel_loop3A_376 : i32 to index
      %parallel_loop3A_379 = arith.index_cast %parallel_loop3A_377 : i32 to index
      %parallel_loop3A_380 = arith.index_cast %parallel_loop3A_7 : i32 to index
      %parallel_loop3A_381 = tpu.vector_load %arg7[%parallel_loop3A_378, %parallel_loop3A_379, %parallel_loop3A_380] {strides = array<i32>} : memref<2x32x1024xf32, #tpu.memory_space<vmem>>, vector<16xf32>,
      tpu.vector_store %arg7[%parallel_loop3A_378, %parallel_loop3A_379, %parallel_loop3A_380], %parallel_loop3A_375 {strides = array<i32>} : memref<2x32x1024xf32, #tpu.memory_space<vmem>>, vector<16xf32>,
      %parallel_loop3A_382 = arith.constant 4 : i32
      %parallel_loop3A_383 = vector.broadcast %parallel_loop3A_382 : i32 to vector<16xi32>
      %parallel_loop3A_384 = arith.addi %parallel_loop3A_341, %parallel_loop3A_383 : vector<16xi32>
      %parallel_loop3A_385 = tpu.vector_load_idx %arg5[%parallel_loop3A_384] : memref<32768xf32, #tpu.memory_space<vmem>>[vector<16xi32>], vector<16xf32>,
      %parallel_loop3A_386 = arith.constant 1 : i32
      %parallel_loop3A_387 = arith.constant 4 : i32
      %parallel_loop3A_388 = arith.index_cast %parallel_loop3A_386 : i32 to index
      %parallel_loop3A_389 = arith.index_cast %parallel_loop3A_387 : i32 to index
      %parallel_loop3A_390 = arith.index_cast %parallel_loop3A_7 : i32 to index
      %parallel_loop3A_391 = tpu.vector_load %arg7[%parallel_loop3A_388, %parallel_loop3A_389, %parallel_loop3A_390] {strides = array<i32>} : memref<2x32x1024xf32, #tpu.memory_space<vmem>>, vector<16xf32>,
      tpu.vector_store %arg7[%parallel_loop3A_388, %parallel_loop3A_389, %parallel_loop3A_390], %parallel_loop3A_385 {strides = array<i32>} : memref<2x32x1024xf32, #tpu.memory_space<vmem>>, vector<16xf32>,
      %parallel_loop3A_392 = arith.constant 5 : i32
      %parallel_loop3A_393 = vector.broadcast %parallel_loop3A_392 : i32 to vector<16xi32>
      %parallel_loop3A_394 = arith.addi %parallel_loop3A_341, %parallel_loop3A_393 : vector<16xi32>
      %parallel_loop3A_395 = tpu.vector_load_idx %arg5[%parallel_loop3A_394] : memref<32768xf32, #tpu.memory_space<vmem>>[vector<16xi32>], vector<16xf32>,
      %parallel_loop3A_396 = arith.constant 1 : i32
      %parallel_loop3A_397 = arith.constant 5 : i32
      %parallel_loop3A_398 = arith.index_cast %parallel_loop3A_396 : i32 to index
      %parallel_loop3A_399 = arith.index_cast %parallel_loop3A_397 : i32 to index
      %parallel_loop3A_400 = arith.index_cast %parallel_loop3A_7 : i32 to index
      %parallel_loop3A_401 = tpu.vector_load %arg7[%parallel_loop3A_398, %parallel_loop3A_399, %parallel_loop3A_400] {strides = array<i32>} : memref<2x32x1024xf32, #tpu.memory_space<vmem>>, vector<16xf32>,
      tpu.vector_store %arg7[%parallel_loop3A_398, %parallel_loop3A_399, %parallel_loop3A_400], %parallel_loop3A_395 {strides = array<i32>} : memref<2x32x1024xf32, #tpu.memory_space<vmem>>, vector<16xf32>,
      %parallel_loop3A_402 = arith.constant 6 : i32
      %parallel_loop3A_403 = vector.broadcast %parallel_loop3A_402 : i32 to vector<16xi32>
      %parallel_loop3A_404 = arith.addi %parallel_loop3A_341, %parallel_loop3A_403 : vector<16xi32>
      %parallel_loop3A_405 = tpu.vector_load_idx %arg5[%parallel_loop3A_404] : memref<32768xf32, #tpu.memory_space<vmem>>[vector<16xi32>], vector<16xf32>,
      %parallel_loop3A_406 = arith.constant 1 : i32
      %parallel_loop3A_407 = arith.constant 6 : i32
      %parallel_loop3A_408 = arith.index_cast %parallel_loop3A_406 : i32 to index
      %parallel_loop3A_409 = arith.index_cast %parallel_loop3A_407 : i32 to index
      %parallel_loop3A_410 = arith.index_cast %parallel_loop3A_7 : i32 to index
      %parallel_loop3A_411 = tpu.vector_load %arg7[%parallel_loop3A_408, %parallel_loop3A_409, %parallel_loop3A_410] {strides = array<i32>} : memref<2x32x1024xf32, #tpu.memory_space<vmem>>, vector<16xf32>,
      tpu.vector_store %arg7[%parallel_loop3A_408, %parallel_loop3A_409, %parallel_loop3A_410], %parallel_loop3A_405 {strides = array<i32>} : memref<2x32x1024xf32, #tpu.memory_space<vmem>>, vector<16xf32>,
      %parallel_loop3A_412 = arith.constant 7 : i32
      %parallel_loop3A_413 = vector.broadcast %parallel_loop3A_412 : i32 to vector<16xi32>
      %parallel_loop3A_414 = arith.addi %parallel_loop3A_341, %parallel_loop3A_413 : vector<16xi32>
      %parallel_loop3A_415 = tpu.vector_load_idx %arg5[%parallel_loop3A_414] : memref<32768xf32, #tpu.memory_space<vmem>>[vector<16xi32>], vector<16xf32>,
      %parallel_loop3A_416 = arith.constant 1 : i32
      %parallel_loop3A_417 = arith.constant 7 : i32
      %parallel_loop3A_418 = arith.index_cast %parallel_loop3A_416 : i32 to index
      %parallel_loop3A_419 = arith.index_cast %parallel_loop3A_417 : i32 to index
      %parallel_loop3A_420 = arith.index_cast %parallel_loop3A_7 : i32 to index
      %parallel_loop3A_421 = tpu.vector_load %arg7[%parallel_loop3A_418, %parallel_loop3A_419, %parallel_loop3A_420] {strides = array<i32>} : memref<2x32x1024xf32, #tpu.memory_space<vmem>>, vector<16xf32>,
      tpu.vector_store %arg7[%parallel_loop3A_418, %parallel_loop3A_419, %parallel_loop3A_420], %parallel_loop3A_415 {strides = array<i32>} : memref<2x32x1024xf32, #tpu.memory_space<vmem>>, vector<16xf32>,
      %parallel_loop3A_422 = arith.constant 8 : i32
      %parallel_loop3A_423 = vector.broadcast %parallel_loop3A_422 : i32 to vector<16xi32>
      %parallel_loop3A_424 = arith.addi %parallel_loop3A_341, %parallel_loop3A_423 : vector<16xi32>
      %parallel_loop3A_425 = tpu.vector_load_idx %arg5[%parallel_loop3A_424] : memref<32768xf32, #tpu.memory_space<vmem>>[vector<16xi32>], vector<16xf32>,
      %parallel_loop3A_426 = arith.constant 1 : i32
      %parallel_loop3A_427 = arith.constant 8 : i32
      %parallel_loop3A_428 = arith.index_cast %parallel_loop3A_426 : i32 to index
      %parallel_loop3A_429 = arith.index_cast %parallel_loop3A_427 : i32 to index
      %parallel_loop3A_430 = arith.index_cast %parallel_loop3A_7 : i32 to index
      %parallel_loop3A_431 = tpu.vector_load %arg7[%parallel_loop3A_428, %parallel_loop3A_429, %parallel_loop3A_430] {strides = array<i32>} : memref<2x32x1024xf32, #tpu.memory_space<vmem>>, vector<16xf32>,
      tpu.vector_store %arg7[%parallel_loop3A_428, %parallel_loop3A_429, %parallel_loop3A_430], %parallel_loop3A_425 {strides = array<i32>} : memref<2x32x1024xf32, #tpu.memory_space<vmem>>, vector<16xf32>,
      %parallel_loop3A_432 = arith.constant 9 : i32
      %parallel_loop3A_433 = vector.broadcast %parallel_loop3A_432 : i32 to vector<16xi32>
      %parallel_loop3A_434 = arith.addi %parallel_loop3A_341, %parallel_loop3A_433 : vector<16xi32>
      %parallel_loop3A_435 = tpu.vector_load_idx %arg5[%parallel_loop3A_434] : memref<32768xf32, #tpu.memory_space<vmem>>[vector<16xi32>], vector<16xf32>,
      %parallel_loop3A_436 = arith.constant 1 : i32
      %parallel_loop3A_437 = arith.constant 9 : i32
      %parallel_loop3A_438 = arith.index_cast %parallel_loop3A_436 : i32 to index
      %parallel_loop3A_439 = arith.index_cast %parallel_loop3A_437 : i32 to index
      %parallel_loop3A_440 = arith.index_cast %parallel_loop3A_7 : i32 to index
      %parallel_loop3A_441 = tpu.vector_load %arg7[%parallel_loop3A_438, %parallel_loop3A_439, %parallel_loop3A_440] {strides = array<i32>} : memref<2x32x1024xf32, #tpu.memory_space<vmem>>, vector<16xf32>,
      tpu.vector_store %arg7[%parallel_loop3A_438, %parallel_loop3A_439, %parallel_loop3A_440], %parallel_loop3A_435 {strides = array<i32>} : memref<2x32x1024xf32, #tpu.memory_space<vmem>>, vector<16xf32>,
      %parallel_loop3A_442 = arith.constant 10 : i32
      %parallel_loop3A_443 = vector.broadcast %parallel_loop3A_442 : i32 to vector<16xi32>
      %parallel_loop3A_444 = arith.addi %parallel_loop3A_341, %parallel_loop3A_443 : vector<16xi32>
      %parallel_loop3A_445 = tpu.vector_load_idx %arg5[%parallel_loop3A_444] : memref<32768xf32, #tpu.memory_space<vmem>>[vector<16xi32>], vector<16xf32>,
      %parallel_loop3A_446 = arith.constant 1 : i32
      %parallel_loop3A_447 = arith.constant 10 : i32
      %parallel_loop3A_448 = arith.index_cast %parallel_loop3A_446 : i32 to index
      %parallel_loop3A_449 = arith.index_cast %parallel_loop3A_447 : i32 to index
      %parallel_loop3A_450 = arith.index_cast %parallel_loop3A_7 : i32 to index
      %parallel_loop3A_451 = tpu.vector_load %arg7[%parallel_loop3A_448, %parallel_loop3A_449, %parallel_loop3A_450] {strides = array<i32>} : memref<2x32x1024xf32, #tpu.memory_space<vmem>>, vector<16xf32>,
      tpu.vector_store %arg7[%parallel_loop3A_448, %parallel_loop3A_449, %parallel_loop3A_450], %parallel_loop3A_445 {strides = array<i32>} : memref<2x32x1024xf32, #tpu.memory_space<vmem>>, vector<16xf32>,
      %parallel_loop3A_452 = arith.constant 11 : i32
      %parallel_loop3A_453 = vector.broadcast %parallel_loop3A_452 : i32 to vector<16xi32>
      %parallel_loop3A_454 = arith.addi %parallel_loop3A_341, %parallel_loop3A_453 : vector<16xi32>
      %parallel_loop3A_455 = tpu.vector_load_idx %arg5[%parallel_loop3A_454] : memref<32768xf32, #tpu.memory_space<vmem>>[vector<16xi32>], vector<16xf32>,
      %parallel_loop3A_456 = arith.constant 1 : i32
      %parallel_loop3A_457 = arith.constant 11 : i32
      %parallel_loop3A_458 = arith.index_cast %parallel_loop3A_456 : i32 to index
      %parallel_loop3A_459 = arith.index_cast %parallel_loop3A_457 : i32 to index
      %parallel_loop3A_460 = arith.index_cast %parallel_loop3A_7 : i32 to index
      %parallel_loop3A_461 = tpu.vector_load %arg7[%parallel_loop3A_458, %parallel_loop3A_459, %parallel_loop3A_460] {strides = array<i32>} : memref<2x32x1024xf32, #tpu.memory_space<vmem>>, vector<16xf32>,
      tpu.vector_store %arg7[%parallel_loop3A_458, %parallel_loop3A_459, %parallel_loop3A_460], %parallel_loop3A_455 {strides = array<i32>} : memref<2x32x1024xf32, #tpu.memory_space<vmem>>, vector<16xf32>,
      %parallel_loop3A_462 = arith.constant 12 : i32
      %parallel_loop3A_463 = vector.broadcast %parallel_loop3A_462 : i32 to vector<16xi32>
      %parallel_loop3A_464 = arith.addi %parallel_loop3A_341, %parallel_loop3A_463 : vector<16xi32>
      %parallel_loop3A_465 = tpu.vector_load_idx %arg5[%parallel_loop3A_464] : memref<32768xf32, #tpu.memory_space<vmem>>[vector<16xi32>], vector<16xf32>,
      %parallel_loop3A_466 = arith.constant 1 : i32
      %parallel_loop3A_467 = arith.constant 12 : i32
      %parallel_loop3A_468 = arith.index_cast %parallel_loop3A_466 : i32 to index
      %parallel_loop3A_469 = arith.index_cast %parallel_loop3A_467 : i32 to index
      %parallel_loop3A_470 = arith.index_cast %parallel_loop3A_7 : i32 to index
      %parallel_loop3A_471 = tpu.vector_load %arg7[%parallel_loop3A_468, %parallel_loop3A_469, %parallel_loop3A_470] {strides = array<i32>} : memref<2x32x1024xf32, #tpu.memory_space<vmem>>, vector<16xf32>,
      tpu.vector_store %arg7[%parallel_loop3A_468, %parallel_loop3A_469, %parallel_loop3A_470], %parallel_loop3A_465 {strides = array<i32>} : memref<2x32x1024xf32, #tpu.memory_space<vmem>>, vector<16xf32>,
      %parallel_loop3A_472 = arith.constant 13 : i32
      %parallel_loop3A_473 = vector.broadcast %parallel_loop3A_472 : i32 to vector<16xi32>
      %parallel_loop3A_474 = arith.addi %parallel_loop3A_341, %parallel_loop3A_473 : vector<16xi32>
      %parallel_loop3A_475 = tpu.vector_load_idx %arg5[%parallel_loop3A_474] : memref<32768xf32, #tpu.memory_space<vmem>>[vector<16xi32>], vector<16xf32>,
      %parallel_loop3A_476 = arith.constant 1 : i32
      %parallel_loop3A_477 = arith.constant 13 : i32
      %parallel_loop3A_478 = arith.index_cast %parallel_loop3A_476 : i32 to index
      %parallel_loop3A_479 = arith.index_cast %parallel_loop3A_477 : i32 to index
      %parallel_loop3A_480 = arith.index_cast %parallel_loop3A_7 : i32 to index
      %parallel_loop3A_481 = tpu.vector_load %arg7[%parallel_loop3A_478, %parallel_loop3A_479, %parallel_loop3A_480] {strides = array<i32>} : memref<2x32x1024xf32, #tpu.memory_space<vmem>>, vector<16xf32>,
      tpu.vector_store %arg7[%parallel_loop3A_478, %parallel_loop3A_479, %parallel_loop3A_480], %parallel_loop3A_475 {strides = array<i32>} : memref<2x32x1024xf32, #tpu.memory_space<vmem>>, vector<16xf32>,
      %parallel_loop3A_482 = arith.constant 14 : i32
      %parallel_loop3A_483 = vector.broadcast %parallel_loop3A_482 : i32 to vector<16xi32>
      %parallel_loop3A_484 = arith.addi %parallel_loop3A_341, %parallel_loop3A_483 : vector<16xi32>
      %parallel_loop3A_485 = tpu.vector_load_idx %arg5[%parallel_loop3A_484] : memref<32768xf32, #tpu.memory_space<vmem>>[vector<16xi32>], vector<16xf32>,
      %parallel_loop3A_486 = arith.constant 1 : i32
      %parallel_loop3A_487 = arith.constant 14 : i32
      %parallel_loop3A_488 = arith.index_cast %parallel_loop3A_486 : i32 to index
      %parallel_loop3A_489 = arith.index_cast %parallel_loop3A_487 : i32 to index
      %parallel_loop3A_490 = arith.index_cast %parallel_loop3A_7 : i32 to index
      %parallel_loop3A_491 = tpu.vector_load %arg7[%parallel_loop3A_488, %parallel_loop3A_489, %parallel_loop3A_490] {strides = array<i32>} : memref<2x32x1024xf32, #tpu.memory_space<vmem>>, vector<16xf32>,
      tpu.vector_store %arg7[%parallel_loop3A_488, %parallel_loop3A_489, %parallel_loop3A_490], %parallel_loop3A_485 {strides = array<i32>} : memref<2x32x1024xf32, #tpu.memory_space<vmem>>, vector<16xf32>,
      %parallel_loop3A_492 = arith.constant 15 : i32
      %parallel_loop3A_493 = vector.broadcast %parallel_loop3A_492 : i32 to vector<16xi32>
      %parallel_loop3A_494 = arith.addi %parallel_loop3A_341, %parallel_loop3A_493 : vector<16xi32>
      %parallel_loop3A_495 = tpu.vector_load_idx %arg5[%parallel_loop3A_494] : memref<32768xf32, #tpu.memory_space<vmem>>[vector<16xi32>], vector<16xf32>,
      %parallel_loop3A_496 = arith.constant 1 : i32
      %parallel_loop3A_497 = arith.constant 15 : i32
      %parallel_loop3A_498 = arith.index_cast %parallel_loop3A_496 : i32 to index
      %parallel_loop3A_499 = arith.index_cast %parallel_loop3A_497 : i32 to index
      %parallel_loop3A_500 = arith.index_cast %parallel_loop3A_7 : i32 to index
      %parallel_loop3A_501 = tpu.vector_load %arg7[%parallel_loop3A_498, %parallel_loop3A_499, %parallel_loop3A_500] {strides = array<i32>} : memref<2x32x1024xf32, #tpu.memory_space<vmem>>, vector<16xf32>,
      tpu.vector_store %arg7[%parallel_loop3A_498, %parallel_loop3A_499, %parallel_loop3A_500], %parallel_loop3A_495 {strides = array<i32>} : memref<2x32x1024xf32, #tpu.memory_space<vmem>>, vector<16xf32>,
      %parallel_loop3A_502 = arith.constant 16 : i32
      %parallel_loop3A_503 = vector.broadcast %parallel_loop3A_502 : i32 to vector<16xi32>
      %parallel_loop3A_504 = arith.addi %parallel_loop3A_341, %parallel_loop3A_503 : vector<16xi32>
      %parallel_loop3A_505 = tpu.vector_load_idx %arg5[%parallel_loop3A_504] : memref<32768xf32, #tpu.memory_space<vmem>>[vector<16xi32>], vector<16xf32>,
      %parallel_loop3A_506 = arith.constant 1 : i32
      %parallel_loop3A_507 = arith.constant 16 : i32
      %parallel_loop3A_508 = arith.index_cast %parallel_loop3A_506 : i32 to index
      %parallel_loop3A_509 = arith.index_cast %parallel_loop3A_507 : i32 to index
      %parallel_loop3A_510 = arith.index_cast %parallel_loop3A_7 : i32 to index
      %parallel_loop3A_511 = tpu.vector_load %arg7[%parallel_loop3A_508, %parallel_loop3A_509, %parallel_loop3A_510] {strides = array<i32>} : memref<2x32x1024xf32, #tpu.memory_space<vmem>>, vector<16xf32>,
      tpu.vector_store %arg7[%parallel_loop3A_508, %parallel_loop3A_509, %parallel_loop3A_510], %parallel_loop3A_505 {strides = array<i32>} : memref<2x32x1024xf32, #tpu.memory_space<vmem>>, vector<16xf32>,
      %parallel_loop3A_512 = arith.constant 17 : i32
      %parallel_loop3A_513 = vector.broadcast %parallel_loop3A_512 : i32 to vector<16xi32>
      %parallel_loop3A_514 = arith.addi %parallel_loop3A_341, %parallel_loop3A_513 : vector<16xi32>
      %parallel_loop3A_515 = tpu.vector_load_idx %arg5[%parallel_loop3A_514] : memref<32768xf32, #tpu.memory_space<vmem>>[vector<16xi32>], vector<16xf32>,
      %parallel_loop3A_516 = arith.constant 1 : i32
      %parallel_loop3A_517 = arith.constant 17 : i32
      %parallel_loop3A_518 = arith.index_cast %parallel_loop3A_516 : i32 to index
      %parallel_loop3A_519 = arith.index_cast %parallel_loop3A_517 : i32 to index
      %parallel_loop3A_520 = arith.index_cast %parallel_loop3A_7 : i32 to index
      %parallel_loop3A_521 = tpu.vector_load %arg7[%parallel_loop3A_518, %parallel_loop3A_519, %parallel_loop3A_520] {strides = array<i32>} : memref<2x32x1024xf32, #tpu.memory_space<vmem>>, vector<16xf32>,
      tpu.vector_store %arg7[%parallel_loop3A_518, %parallel_loop3A_519, %parallel_loop3A_520], %parallel_loop3A_515 {strides = array<i32>} : memref<2x32x1024xf32, #tpu.memory_space<vmem>>, vector<16xf32>,
      %parallel_loop3A_522 = arith.constant 18 : i32
      %parallel_loop3A_523 = vector.broadcast %parallel_loop3A_522 : i32 to vector<16xi32>
      %parallel_loop3A_524 = arith.addi %parallel_loop3A_341, %parallel_loop3A_523 : vector<16xi32>
      %parallel_loop3A_525 = tpu.vector_load_idx %arg5[%parallel_loop3A_524] : memref<32768xf32, #tpu.memory_space<vmem>>[vector<16xi32>], vector<16xf32>,
      %parallel_loop3A_526 = arith.constant 1 : i32
      %parallel_loop3A_527 = arith.constant 18 : i32
      %parallel_loop3A_528 = arith.index_cast %parallel_loop3A_526 : i32 to index
      %parallel_loop3A_529 = arith.index_cast %parallel_loop3A_527 : i32 to index
      %parallel_loop3A_530 = arith.index_cast %parallel_loop3A_7 : i32 to index
      %parallel_loop3A_531 = tpu.vector_load %arg7[%parallel_loop3A_528, %parallel_loop3A_529, %parallel_loop3A_530] {strides = array<i32>} : memref<2x32x1024xf32, #tpu.memory_space<vmem>>, vector<16xf32>,
      tpu.vector_store %arg7[%parallel_loop3A_528, %parallel_loop3A_529, %parallel_loop3A_530], %parallel_loop3A_525 {strides = array<i32>} : memref<2x32x1024xf32, #tpu.memory_space<vmem>>, vector<16xf32>,
      %parallel_loop3A_532 = arith.constant 19 : i32
      %parallel_loop3A_533 = vector.broadcast %parallel_loop3A_532 : i32 to vector<16xi32>
      %parallel_loop3A_534 = arith.addi %parallel_loop3A_341, %parallel_loop3A_533 : vector<16xi32>
      %parallel_loop3A_535 = tpu.vector_load_idx %arg5[%parallel_loop3A_534] : memref<32768xf32, #tpu.memory_space<vmem>>[vector<16xi32>], vector<16xf32>,
      %parallel_loop3A_536 = arith.constant 1 : i32
      %parallel_loop3A_537 = arith.constant 19 : i32
      %parallel_loop3A_538 = arith.index_cast %parallel_loop3A_536 : i32 to index
      %parallel_loop3A_539 = arith.index_cast %parallel_loop3A_537 : i32 to index
      %parallel_loop3A_540 = arith.index_cast %parallel_loop3A_7 : i32 to index
      %parallel_loop3A_541 = tpu.vector_load %arg7[%parallel_loop3A_538, %parallel_loop3A_539, %parallel_loop3A_540] {strides = array<i32>} : memref<2x32x1024xf32, #tpu.memory_space<vmem>>, vector<16xf32>,
      tpu.vector_store %arg7[%parallel_loop3A_538, %parallel_loop3A_539, %parallel_loop3A_540], %parallel_loop3A_535 {strides = array<i32>} : memref<2x32x1024xf32, #tpu.memory_space<vmem>>, vector<16xf32>,
      %parallel_loop3A_542 = arith.constant 20 : i32
      %parallel_loop3A_543 = vector.broadcast %parallel_loop3A_542 : i32 to vector<16xi32>
      %parallel_loop3A_544 = arith.addi %parallel_loop3A_341, %parallel_loop3A_543 : vector<16xi32>
      %parallel_loop3A_545 = tpu.vector_load_idx %arg5[%parallel_loop3A_544] : memref<32768xf32, #tpu.memory_space<vmem>>[vector<16xi32>], vector<16xf32>,
      %parallel_loop3A_546 = arith.constant 1 : i32
      %parallel_loop3A_547 = arith.constant 20 : i32
      %parallel_loop3A_548 = arith.index_cast %parallel_loop3A_546 : i32 to index
      %parallel_loop3A_549 = arith.index_cast %parallel_loop3A_547 : i32 to index
      %parallel_loop3A_550 = arith.index_cast %parallel_loop3A_7 : i32 to index
      %parallel_loop3A_551 = tpu.vector_load %arg7[%parallel_loop3A_548, %parallel_loop3A_549, %parallel_loop3A_550] {strides = array<i32>} : memref<2x32x1024xf32, #tpu.memory_space<vmem>>, vector<16xf32>,
      tpu.vector_store %arg7[%parallel_loop3A_548, %parallel_loop3A_549, %parallel_loop3A_550], %parallel_loop3A_545 {strides = array<i32>} : memref<2x32x1024xf32, #tpu.memory_space<vmem>>, vector<16xf32>,
      %parallel_loop3A_552 = arith.constant 21 : i32
      %parallel_loop3A_553 = vector.broadcast %parallel_loop3A_552 : i32 to vector<16xi32>
      %parallel_loop3A_554 = arith.addi %parallel_loop3A_341, %parallel_loop3A_553 : vector<16xi32>
      %parallel_loop3A_555 = tpu.vector_load_idx %arg5[%parallel_loop3A_554] : memref<32768xf32, #tpu.memory_space<vmem>>[vector<16xi32>], vector<16xf32>,
      %parallel_loop3A_556 = arith.constant 1 : i32
      %parallel_loop3A_557 = arith.constant 21 : i32
      %parallel_loop3A_558 = arith.index_cast %parallel_loop3A_556 : i32 to index
      %parallel_loop3A_559 = arith.index_cast %parallel_loop3A_557 : i32 to index
      %parallel_loop3A_560 = arith.index_cast %parallel_loop3A_7 : i32 to index
      %parallel_loop3A_561 = tpu.vector_load %arg7[%parallel_loop3A_558, %parallel_loop3A_559, %parallel_loop3A_560] {strides = array<i32>} : memref<2x32x1024xf32, #tpu.memory_space<vmem>>, vector<16xf32>,
      tpu.vector_store %arg7[%parallel_loop3A_558, %parallel_loop3A_559, %parallel_loop3A_560], %parallel_loop3A_555 {strides = array<i32>} : memref<2x32x1024xf32, #tpu.memory_space<vmem>>, vector<16xf32>,
      %parallel_loop3A_562 = arith.constant 22 : i32
      %parallel_loop3A_563 = vector.broadcast %parallel_loop3A_562 : i32 to vector<16xi32>
      %parallel_loop3A_564 = arith.addi %parallel_loop3A_341, %parallel_loop3A_563 : vector<16xi32>
      %parallel_loop3A_565 = tpu.vector_load_idx %arg5[%parallel_loop3A_564] : memref<32768xf32, #tpu.memory_space<vmem>>[vector<16xi32>], vector<16xf32>,
      %parallel_loop3A_566 = arith.constant 1 : i32
      %parallel_loop3A_567 = arith.constant 22 : i32
      %parallel_loop3A_568 = arith.index_cast %parallel_loop3A_566 : i32 to index
      %parallel_loop3A_569 = arith.index_cast %parallel_loop3A_567 : i32 to index
      %parallel_loop3A_570 = arith.index_cast %parallel_loop3A_7 : i32 to index
      %parallel_loop3A_571 = tpu.vector_load %arg7[%parallel_loop3A_568, %parallel_loop3A_569, %parallel_loop3A_570] {strides = array<i32>} : memref<2x32x1024xf32, #tpu.memory_space<vmem>>, vector<16xf32>,
      tpu.vector_store %arg7[%parallel_loop3A_568, %parallel_loop3A_569, %parallel_loop3A_570], %parallel_loop3A_565 {strides = array<i32>} : memref<2x32x1024xf32, #tpu.memory_space<vmem>>, vector<16xf32>,
      %parallel_loop3A_572 = arith.constant 23 : i32
      %parallel_loop3A_573 = vector.broadcast %parallel_loop3A_572 : i32 to vector<16xi32>
      %parallel_loop3A_574 = arith.addi %parallel_loop3A_341, %parallel_loop3A_573 : vector<16xi32>
      %parallel_loop3A_575 = tpu.vector_load_idx %arg5[%parallel_loop3A_574] : memref<32768xf32, #tpu.memory_space<vmem>>[vector<16xi32>], vector<16xf32>,
      %parallel_loop3A_576 = arith.constant 1 : i32
      %parallel_loop3A_577 = arith.constant 23 : i32
      %parallel_loop3A_578 = arith.index_cast %parallel_loop3A_576 : i32 to index
      %parallel_loop3A_579 = arith.index_cast %parallel_loop3A_577 : i32 to index
      %parallel_loop3A_580 = arith.index_cast %parallel_loop3A_7 : i32 to index
      %parallel_loop3A_581 = tpu.vector_load %arg7[%parallel_loop3A_578, %parallel_loop3A_579, %parallel_loop3A_580] {strides = array<i32>} : memref<2x32x1024xf32, #tpu.memory_space<vmem>>, vector<16xf32>,
      tpu.vector_store %arg7[%parallel_loop3A_578, %parallel_loop3A_579, %parallel_loop3A_580], %parallel_loop3A_575 {strides = array<i32>} : memref<2x32x1024xf32, #tpu.memory_space<vmem>>, vector<16xf32>,
      %parallel_loop3A_582 = arith.constant 24 : i32
      %parallel_loop3A_583 = vector.broadcast %parallel_loop3A_582 : i32 to vector<16xi32>
      %parallel_loop3A_584 = arith.addi %parallel_loop3A_341, %parallel_loop3A_583 : vector<16xi32>
      %parallel_loop3A_585 = tpu.vector_load_idx %arg5[%parallel_loop3A_584] : memref<32768xf32, #tpu.memory_space<vmem>>[vector<16xi32>], vector<16xf32>,
      %parallel_loop3A_586 = arith.constant 1 : i32
      %parallel_loop3A_587 = arith.constant 24 : i32
      %parallel_loop3A_588 = arith.index_cast %parallel_loop3A_586 : i32 to index
      %parallel_loop3A_589 = arith.index_cast %parallel_loop3A_587 : i32 to index
      %parallel_loop3A_590 = arith.index_cast %parallel_loop3A_7 : i32 to index
      %parallel_loop3A_591 = tpu.vector_load %arg7[%parallel_loop3A_588, %parallel_loop3A_589, %parallel_loop3A_590] {strides = array<i32>} : memref<2x32x1024xf32, #tpu.memory_space<vmem>>, vector<16xf32>,
      tpu.vector_store %arg7[%parallel_loop3A_588, %parallel_loop3A_589, %parallel_loop3A_590], %parallel_loop3A_585 {strides = array<i32>} : memref<2x32x1024xf32, #tpu.memory_space<vmem>>, vector<16xf32>,
      %parallel_loop3A_592 = arith.constant 25 : i32
      %parallel_loop3A_593 = vector.broadcast %parallel_loop3A_592 : i32 to vector<16xi32>
      %parallel_loop3A_594 = arith.addi %parallel_loop3A_341, %parallel_loop3A_593 : vector<16xi32>
      %parallel_loop3A_595 = tpu.vector_load_idx %arg5[%parallel_loop3A_594] : memref<32768xf32, #tpu.memory_space<vmem>>[vector<16xi32>], vector<16xf32>,
      %parallel_loop3A_596 = arith.constant 1 : i32
      %parallel_loop3A_597 = arith.constant 25 : i32
      %parallel_loop3A_598 = arith.index_cast %parallel_loop3A_596 : i32 to index
      %parallel_loop3A_599 = arith.index_cast %parallel_loop3A_597 : i32 to index
      %parallel_loop3A_600 = arith.index_cast %parallel_loop3A_7 : i32 to index
      %parallel_loop3A_601 = tpu.vector_load %arg7[%parallel_loop3A_598, %parallel_loop3A_599, %parallel_loop3A_600] {strides = array<i32>} : memref<2x32x1024xf32, #tpu.memory_space<vmem>>, vector<16xf32>,
      tpu.vector_store %arg7[%parallel_loop3A_598, %parallel_loop3A_599, %parallel_loop3A_600], %parallel_loop3A_595 {strides = array<i32>} : memref<2x32x1024xf32, #tpu.memory_space<vmem>>, vector<16xf32>,
      %parallel_loop3A_602 = arith.constant 26 : i32
      %parallel_loop3A_603 = vector.broadcast %parallel_loop3A_602 : i32 to vector<16xi32>
      %parallel_loop3A_604 = arith.addi %parallel_loop3A_341, %parallel_loop3A_603 : vector<16xi32>
      %parallel_loop3A_605 = tpu.vector_load_idx %arg5[%parallel_loop3A_604] : memref<32768xf32, #tpu.memory_space<vmem>>[vector<16xi32>], vector<16xf32>,
      %parallel_loop3A_606 = arith.constant 1 : i32
      %parallel_loop3A_607 = arith.constant 26 : i32
      %parallel_loop3A_608 = arith.index_cast %parallel_loop3A_606 : i32 to index
      %parallel_loop3A_609 = arith.index_cast %parallel_loop3A_607 : i32 to index
      %parallel_loop3A_610 = arith.index_cast %parallel_loop3A_7 : i32 to index
      %parallel_loop3A_611 = tpu.vector_load %arg7[%parallel_loop3A_608, %parallel_loop3A_609, %parallel_loop3A_610] {strides = array<i32>} : memref<2x32x1024xf32, #tpu.memory_space<vmem>>, vector<16xf32>,
      tpu.vector_store %arg7[%parallel_loop3A_608, %parallel_loop3A_609, %parallel_loop3A_610], %parallel_loop3A_605 {strides = array<i32>} : memref<2x32x1024xf32, #tpu.memory_space<vmem>>, vector<16xf32>,
      %parallel_loop3A_612 = arith.constant 27 : i32
      %parallel_loop3A_613 = vector.broadcast %parallel_loop3A_612 : i32 to vector<16xi32>
      %parallel_loop3A_614 = arith.addi %parallel_loop3A_341, %parallel_loop3A_613 : vector<16xi32>
      %parallel_loop3A_615 = tpu.vector_load_idx %arg5[%parallel_loop3A_614] : memref<32768xf32, #tpu.memory_space<vmem>>[vector<16xi32>], vector<16xf32>,
      %parallel_loop3A_616 = arith.constant 1 : i32
      %parallel_loop3A_617 = arith.constant 27 : i32
      %parallel_loop3A_618 = arith.index_cast %parallel_loop3A_616 : i32 to index
      %parallel_loop3A_619 = arith.index_cast %parallel_loop3A_617 : i32 to index
      %parallel_loop3A_620 = arith.index_cast %parallel_loop3A_7 : i32 to index
      %parallel_loop3A_621 = tpu.vector_load %arg7[%parallel_loop3A_618, %parallel_loop3A_619, %parallel_loop3A_620] {strides = array<i32>} : memref<2x32x1024xf32, #tpu.memory_space<vmem>>, vector<16xf32>,
      tpu.vector_store %arg7[%parallel_loop3A_618, %parallel_loop3A_619, %parallel_loop3A_620], %parallel_loop3A_615 {strides = array<i32>} : memref<2x32x1024xf32, #tpu.memory_space<vmem>>, vector<16xf32>,
      %parallel_loop3A_622 = arith.constant 28 : i32
      %parallel_loop3A_623 = vector.broadcast %parallel_loop3A_622 : i32 to vector<16xi32>
      %parallel_loop3A_624 = arith.addi %parallel_loop3A_341, %parallel_loop3A_623 : vector<16xi32>
      %parallel_loop3A_625 = tpu.vector_load_idx %arg5[%parallel_loop3A_624] : memref<32768xf32, #tpu.memory_space<vmem>>[vector<16xi32>], vector<16xf32>,
      %parallel_loop3A_626 = arith.constant 1 : i32
      %parallel_loop3A_627 = arith.constant 28 : i32
      %parallel_loop3A_628 = arith.index_cast %parallel_loop3A_626 : i32 to index
      %parallel_loop3A_629 = arith.index_cast %parallel_loop3A_627 : i32 to index
      %parallel_loop3A_630 = arith.index_cast %parallel_loop3A_7 : i32 to index
      %parallel_loop3A_631 = tpu.vector_load %arg7[%parallel_loop3A_628, %parallel_loop3A_629, %parallel_loop3A_630] {strides = array<i32>} : memref<2x32x1024xf32, #tpu.memory_space<vmem>>, vector<16xf32>,
      tpu.vector_store %arg7[%parallel_loop3A_628, %parallel_loop3A_629, %parallel_loop3A_630], %parallel_loop3A_625 {strides = array<i32>} : memref<2x32x1024xf32, #tpu.memory_space<vmem>>, vector<16xf32>,
      %parallel_loop3A_632 = arith.constant 29 : i32
      %parallel_loop3A_633 = vector.broadcast %parallel_loop3A_632 : i32 to vector<16xi32>
      %parallel_loop3A_634 = arith.addi %parallel_loop3A_341, %parallel_loop3A_633 : vector<16xi32>
      %parallel_loop3A_635 = tpu.vector_load_idx %arg5[%parallel_loop3A_634] : memref<32768xf32, #tpu.memory_space<vmem>>[vector<16xi32>], vector<16xf32>,
      %parallel_loop3A_636 = arith.constant 1 : i32
      %parallel_loop3A_637 = arith.constant 29 : i32
      %parallel_loop3A_638 = arith.index_cast %parallel_loop3A_636 : i32 to index
      %parallel_loop3A_639 = arith.index_cast %parallel_loop3A_637 : i32 to index
      %parallel_loop3A_640 = arith.index_cast %parallel_loop3A_7 : i32 to index
      %parallel_loop3A_641 = tpu.vector_load %arg7[%parallel_loop3A_638, %parallel_loop3A_639, %parallel_loop3A_640] {strides = array<i32>} : memref<2x32x1024xf32, #tpu.memory_space<vmem>>, vector<16xf32>,
      tpu.vector_store %arg7[%parallel_loop3A_638, %parallel_loop3A_639, %parallel_loop3A_640], %parallel_loop3A_635 {strides = array<i32>} : memref<2x32x1024xf32, #tpu.memory_space<vmem>>, vector<16xf32>,
      %parallel_loop3A_642 = arith.constant 30 : i32
      %parallel_loop3A_643 = vector.broadcast %parallel_loop3A_642 : i32 to vector<16xi32>
      %parallel_loop3A_644 = arith.addi %parallel_loop3A_341, %parallel_loop3A_643 : vector<16xi32>
      %parallel_loop3A_645 = tpu.vector_load_idx %arg5[%parallel_loop3A_644] : memref<32768xf32, #tpu.memory_space<vmem>>[vector<16xi32>], vector<16xf32>,
      %parallel_loop3A_646 = arith.constant 1 : i32
      %parallel_loop3A_647 = arith.constant 30 : i32
      %parallel_loop3A_648 = arith.index_cast %parallel_loop3A_646 : i32 to index
      %parallel_loop3A_649 = arith.index_cast %parallel_loop3A_647 : i32 to index
      %parallel_loop3A_650 = arith.index_cast %parallel_loop3A_7 : i32 to index
      %parallel_loop3A_651 = tpu.vector_load %arg7[%parallel_loop3A_648, %parallel_loop3A_649, %parallel_loop3A_650] {strides = array<i32>} : memref<2x32x1024xf32, #tpu.memory_space<vmem>>, vector<16xf32>,
      tpu.vector_store %arg7[%parallel_loop3A_648, %parallel_loop3A_649, %parallel_loop3A_650], %parallel_loop3A_645 {strides = array<i32>} : memref<2x32x1024xf32, #tpu.memory_space<vmem>>, vector<16xf32>,
      %parallel_loop3A_652 = arith.constant 31 : i32
      %parallel_loop3A_653 = vector.broadcast %parallel_loop3A_652 : i32 to vector<16xi32>
      %parallel_loop3A_654 = arith.addi %parallel_loop3A_341, %parallel_loop3A_653 : vector<16xi32>
      %parallel_loop3A_655 = tpu.vector_load_idx %arg5[%parallel_loop3A_654] : memref<32768xf32, #tpu.memory_space<vmem>>[vector<16xi32>], vector<16xf32>,
      %parallel_loop3A_656 = arith.constant 1 : i32
      %parallel_loop3A_657 = arith.constant 31 : i32
      %parallel_loop3A_658 = arith.index_cast %parallel_loop3A_656 : i32 to index
      %parallel_loop3A_659 = arith.index_cast %parallel_loop3A_657 : i32 to index
      %parallel_loop3A_660 = arith.index_cast %parallel_loop3A_7 : i32 to index
      %parallel_loop3A_661 = tpu.vector_load %arg7[%parallel_loop3A_658, %parallel_loop3A_659, %parallel_loop3A_660] {strides = array<i32>} : memref<2x32x1024xf32, #tpu.memory_space<vmem>>, vector<16xf32>,
      tpu.vector_store %arg7[%parallel_loop3A_658, %parallel_loop3A_659, %parallel_loop3A_660], %parallel_loop3A_655 {strides = array<i32>} : memref<2x32x1024xf32, #tpu.memory_space<vmem>>, vector<16xf32>,
    } {sc.loop_unroll_factor = 2 : i64, sc.parallel_access}
    "tpu.region"() ({
      %run_scoped3A = tpu.sem_alloc : memref<!tpu.dma_semaphore, #tpu.memory_space<semaphore_mem>>
      %dma_start3A = arith.constant 0 : i32
      %dma_start3A_5 = arith.constant 0 : i32
      %dma_start3A_6 = tpu.memref_slice %arg4[%mul3A_2, %dma_start3A, %dma_start3A_5] : memref<64x32x1024xf32, #tpu.memory_space<hbm>> -> memref<2x32x1024xf32, #tpu.memory_space<hbm>>
      %dma_start3A_7 = arith.constant 0 : i32
      %dma_start3A_8 = arith.constant 0 : i32
      %dma_start3A_9 = tpu.memref_slice %arg4[%mul3A_2, %dma_start3A_7, %dma_start3A_8] : memref<64x32x1024xf32, #tpu.memory_space<hbm>> -> memref<2x32x1024xf32, #tpu.memory_space<hbm>>
      tpu.enqueue_dma source(%arg7 : memref<2x32x1024xf32, #tpu.memory_space<vmem>>) target(%dma_start3A_9 : memref<2x32x1024xf32, #tpu.memory_space<hbm>>) target_semaphore(%run_scoped3A : memref<!tpu.dma_semaphore, #tpu.memory_space<semaphore_mem>>)
      %dma_wait3A = arith.constant 0 : i32
      %dma_wait3A_10 = arith.constant 0 : i32
      %dma_wait3A_11 = tpu.memref_slice %arg4[%mul3A_2, %dma_wait3A, %dma_wait3A_10] : memref<64x32x1024xf32, #tpu.memory_space<hbm>> -> memref<2x32x1024xf32, #tpu.memory_space<hbm>>
      %dma_wait3A_12 = arith.constant 0 : i32
      %dma_wait3A_13 = arith.constant 0 : i32
      %dma_wait3A_14 = tpu.memref_slice %arg4[%mul3A_2, %dma_wait3A_12, %dma_wait3A_13] : memref<64x32x1024xf32, #tpu.memory_space<hbm>> -> memref<2x32x1024xf32, #tpu.memory_space<hbm>>
      tpu.wait_dma2 semaphore(%run_scoped3A : memref<!tpu.dma_semaphore, #tpu.memory_space<semaphore_mem>>) src(%arg7 : memref<2x32x1024xf32, #tpu.memory_space<vmem>>) dst(%dma_wait3A_14 : memref<2x32x1024xf32, #tpu.memory_space<hbm>>)
      tpu.yield
    }) : () -> ()
    return
  }
}

module attributes {stable_mosaic.version = 14 : i64} {
  func.func @_vq_idx_body(%arg0: i32, %arg1: memref<16x32x1024xf32, #tpu.memory_space<vmem>>, %arg2: memref<1024x32xf32, #tpu.memory_space<vmem>>, %arg3: memref<16x1x1024xi32, #tpu.memory_space<vmem>>, %arg4: memref<1024x1xf32, #tpu.memory_space<vmem>>) attributes {dimension_semantics = [#tpu.dimension_semantics<arbitrary>], iteration_bounds = array<i64: 4>, scalar_prefetch = 0 : i64, scratch_operands = 1 : i64, tpu.core_type = #tpu.core_type<tc>, window_params = [{transform_indices = @transform_0, window_bounds = array<i64: 16, 32, 1024>}, {pipeline_mode = #tpu.pipeline_mode<synchronous>, transform_indices = @transform_1, window_bounds = array<i64: 1024, 32>}, {transform_indices = @transform_2, window_bounds = array<i64: 16, 1, 1024>}]} {
    %eq3A = arith.constant 0 : i32
    %eq3A_0 = arith.cmpi eq, %arg0, %eq3A : i32
    %convert_element_type3A = arith.extui %eq3A_0 : i1 to i32
    %cond3A = arith.constant 0 : i32
    %cond3A_1 = arith.cmpi ne, %convert_element_type3A, %cond3A : i32
    scf.if %cond3A_1 {
      %get3A_349 = arith.constant 0 : index
      %get3A_350 = arith.constant 0 : index
      %get3A_351 = vector.load %arg2[%get3A_349, %get3A_350] : memref<1024x32xf32, #tpu.memory_space<vmem>>, vector<1024x32xf32>
      %mul3A = arith.mulf %get3A_351, %get3A_351 : vector<1024x32xf32>
      %reduce_sum3A = arith.constant dense<0.000000e+00> : vector<1024xf32>
      %reduce_sum3A_352 = vector.multi_reduction <add>, %mul3A, %reduce_sum3A [1] : vector<1024x32xf32> to vector<1024xf32>
      %broadcast_in_dim3A = vector.shape_cast %reduce_sum3A_352 : vector<1024xf32> to vector<1024x1xf32>
      %mul3A_353 = arith.constant 5.000000e-01 : f32
      %mul3A_354 = vector.broadcast %mul3A_353 : f32 to vector<1024x1xf32>
      %mul3A_355 = arith.mulf %mul3A_354, %broadcast_in_dim3A : vector<1024x1xf32>
      %swap3A_356 = arith.constant 0 : index
      %swap3A_357 = arith.constant 0 : index
      %swap3A_358 = vector.load %arg4[%swap3A_356, %swap3A_357] : memref<1024x1xf32, #tpu.memory_space<vmem>>, vector<1024x1xf32>
      tpu.vector_store %arg4[%swap3A_356, %swap3A_357], %mul3A_355 {strides = array<i32>} : memref<1024x1xf32, #tpu.memory_space<vmem>>, vector<1024x1xf32>,
    } else {
    }
    %get3A = arith.constant 0 : index
    %get3A_2 = arith.constant 0 : index
    %get3A_3 = arith.constant 0 : index
    %get3A_4 = vector.load %arg1[%get3A, %get3A_2, %get3A_3] : memref<16x32x1024xf32, #tpu.memory_space<vmem>>, vector<1x32x1024xf32>
    %get3A_5 = vector.shape_cast %get3A_4 : vector<1x32x1024xf32> to vector<32x1024xf32>
    %get3A_6 = arith.constant 0 : index
    %get3A_7 = arith.constant 0 : index
    %get3A_8 = vector.load %arg2[%get3A_6, %get3A_7] : memref<1024x32xf32, #tpu.memory_space<vmem>>, vector<1024x32xf32>
    %dot_general3A = arith.constant dense<0.000000e+00> : vector<1024x1024xf32>
    %dot_general3A_9 = tpu.matmul %get3A_8, %get3A_5, %dot_general3A {dimension_numbers = #tpu.dot_dimension_numbers<[1], [0], [0], [1], [0, 0, 1, 1], [], []>, transpose_lhs_hint = false} : vector<1024x32xf32>, vector<32x1024xf32>, vector<1024x1024xf32> -> vector<1024x1024xf32>
    %get3A_10 = arith.constant 0 : index
    %get3A_11 = arith.constant 0 : index
    %get3A_12 = vector.load %arg4[%get3A_10, %get3A_11] : memref<1024x1xf32, #tpu.memory_space<vmem>>, vector<1024x1xf32>
    %sub3A = vector.broadcast %get3A_12 : vector<1024x1xf32> to vector<1024x1024xf32>
    %sub3A_13 = arith.subf %sub3A, %dot_general3A_9 : vector<1024x1024xf32>
    %argmin3A = tpu.reduce_index %sub3A_13 {axis = 0 : i32, kind = #tpu.reduction_kind<arg_min>} : vector<1024x1024xf32> -> vector<1024xi32>
    %swap3A = arith.constant 0 : index
    %swap3A_14 = arith.constant 0 : index
    %swap3A_15 = arith.constant 0 : index
    %swap3A_16 = vector.load %arg3[%swap3A, %swap3A_14, %swap3A_15] : memref<16x1x1024xi32, #tpu.memory_space<vmem>>, vector<1x1x1024xi32>
    %swap3A_17 = vector.shape_cast %swap3A_16 : vector<1x1x1024xi32> to vector<1024xi32>
    %swap3A_18 = vector.shape_cast %argmin3A : vector<1024xi32> to vector<1x1x1024xi32>
    tpu.vector_store %arg3[%swap3A, %swap3A_14, %swap3A_15], %swap3A_18 {strides = array<i32>} : memref<16x1x1024xi32, #tpu.memory_space<vmem>>, vector<1x1x1024xi32>,
    %get3A_19 = arith.constant 1 : index
    %get3A_20 = arith.constant 0 : index
    %get3A_21 = arith.constant 0 : index
    %get3A_22 = vector.load %arg1[%get3A_19, %get3A_20, %get3A_21] : memref<16x32x1024xf32, #tpu.memory_space<vmem>>, vector<1x32x1024xf32>
    %get3A_23 = vector.shape_cast %get3A_22 : vector<1x32x1024xf32> to vector<32x1024xf32>
    %get3A_24 = arith.constant 0 : index
    %get3A_25 = arith.constant 0 : index
    %get3A_26 = vector.load %arg2[%get3A_24, %get3A_25] : memref<1024x32xf32, #tpu.memory_space<vmem>>, vector<1024x32xf32>
    %dot_general3A_27 = arith.constant dense<0.000000e+00> : vector<1024x1024xf32>
    %dot_general3A_28 = tpu.matmul %get3A_26, %get3A_23, %dot_general3A_27 {dimension_numbers = #tpu.dot_dimension_numbers<[1], [0], [0], [1], [0, 0, 1, 1], [], []>, transpose_lhs_hint = false} : vector<1024x32xf32>, vector<32x1024xf32>, vector<1024x1024xf32> -> vector<1024x1024xf32>
    %get3A_29 = arith.constant 0 : index
    %get3A_30 = arith.constant 0 : index
    %get3A_31 = vector.load %arg4[%get3A_29, %get3A_30] : memref<1024x1xf32, #tpu.memory_space<vmem>>, vector<1024x1xf32>
    %sub3A_32 = vector.broadcast %get3A_31 : vector<1024x1xf32> to vector<1024x1024xf32>
    %sub3A_33 = arith.subf %sub3A_32, %dot_general3A_28 : vector<1024x1024xf32>
    %argmin3A_34 = tpu.reduce_index %sub3A_33 {axis = 0 : i32, kind = #tpu.reduction_kind<arg_min>} : vector<1024x1024xf32> -> vector<1024xi32>
    %swap3A_35 = arith.constant 1 : index
    %swap3A_36 = arith.constant 0 : index
    %swap3A_37 = arith.constant 0 : index
    %swap3A_38 = vector.load %arg3[%swap3A_35, %swap3A_36, %swap3A_37] : memref<16x1x1024xi32, #tpu.memory_space<vmem>>, vector<1x1x1024xi32>
    %swap3A_39 = vector.shape_cast %swap3A_38 : vector<1x1x1024xi32> to vector<1024xi32>
    %swap3A_40 = vector.shape_cast %argmin3A_34 : vector<1024xi32> to vector<1x1x1024xi32>
    tpu.vector_store %arg3[%swap3A_35, %swap3A_36, %swap3A_37], %swap3A_40 {strides = array<i32>} : memref<16x1x1024xi32, #tpu.memory_space<vmem>>, vector<1x1x1024xi32>,
    %get3A_41 = arith.constant 2 : index
    %get3A_42 = arith.constant 0 : index
    %get3A_43 = arith.constant 0 : index
    %get3A_44 = vector.load %arg1[%get3A_41, %get3A_42, %get3A_43] : memref<16x32x1024xf32, #tpu.memory_space<vmem>>, vector<1x32x1024xf32>
    %get3A_45 = vector.shape_cast %get3A_44 : vector<1x32x1024xf32> to vector<32x1024xf32>
    %get3A_46 = arith.constant 0 : index
    %get3A_47 = arith.constant 0 : index
    %get3A_48 = vector.load %arg2[%get3A_46, %get3A_47] : memref<1024x32xf32, #tpu.memory_space<vmem>>, vector<1024x32xf32>
    %dot_general3A_49 = arith.constant dense<0.000000e+00> : vector<1024x1024xf32>
    %dot_general3A_50 = tpu.matmul %get3A_48, %get3A_45, %dot_general3A_49 {dimension_numbers = #tpu.dot_dimension_numbers<[1], [0], [0], [1], [0, 0, 1, 1], [], []>, transpose_lhs_hint = false} : vector<1024x32xf32>, vector<32x1024xf32>, vector<1024x1024xf32> -> vector<1024x1024xf32>
    %get3A_51 = arith.constant 0 : index
    %get3A_52 = arith.constant 0 : index
    %get3A_53 = vector.load %arg4[%get3A_51, %get3A_52] : memref<1024x1xf32, #tpu.memory_space<vmem>>, vector<1024x1xf32>
    %sub3A_54 = vector.broadcast %get3A_53 : vector<1024x1xf32> to vector<1024x1024xf32>
    %sub3A_55 = arith.subf %sub3A_54, %dot_general3A_50 : vector<1024x1024xf32>
    %argmin3A_56 = tpu.reduce_index %sub3A_55 {axis = 0 : i32, kind = #tpu.reduction_kind<arg_min>} : vector<1024x1024xf32> -> vector<1024xi32>
    %swap3A_57 = arith.constant 2 : index
    %swap3A_58 = arith.constant 0 : index
    %swap3A_59 = arith.constant 0 : index
    %swap3A_60 = vector.load %arg3[%swap3A_57, %swap3A_58, %swap3A_59] : memref<16x1x1024xi32, #tpu.memory_space<vmem>>, vector<1x1x1024xi32>
    %swap3A_61 = vector.shape_cast %swap3A_60 : vector<1x1x1024xi32> to vector<1024xi32>
    %swap3A_62 = vector.shape_cast %argmin3A_56 : vector<1024xi32> to vector<1x1x1024xi32>
    tpu.vector_store %arg3[%swap3A_57, %swap3A_58, %swap3A_59], %swap3A_62 {strides = array<i32>} : memref<16x1x1024xi32, #tpu.memory_space<vmem>>, vector<1x1x1024xi32>,
    %get3A_63 = arith.constant 3 : index
    %get3A_64 = arith.constant 0 : index
    %get3A_65 = arith.constant 0 : index
    %get3A_66 = vector.load %arg1[%get3A_63, %get3A_64, %get3A_65] : memref<16x32x1024xf32, #tpu.memory_space<vmem>>, vector<1x32x1024xf32>
    %get3A_67 = vector.shape_cast %get3A_66 : vector<1x32x1024xf32> to vector<32x1024xf32>
    %get3A_68 = arith.constant 0 : index
    %get3A_69 = arith.constant 0 : index
    %get3A_70 = vector.load %arg2[%get3A_68, %get3A_69] : memref<1024x32xf32, #tpu.memory_space<vmem>>, vector<1024x32xf32>
    %dot_general3A_71 = arith.constant dense<0.000000e+00> : vector<1024x1024xf32>
    %dot_general3A_72 = tpu.matmul %get3A_70, %get3A_67, %dot_general3A_71 {dimension_numbers = #tpu.dot_dimension_numbers<[1], [0], [0], [1], [0, 0, 1, 1], [], []>, transpose_lhs_hint = false} : vector<1024x32xf32>, vector<32x1024xf32>, vector<1024x1024xf32> -> vector<1024x1024xf32>
    %get3A_73 = arith.constant 0 : index
    %get3A_74 = arith.constant 0 : index
    %get3A_75 = vector.load %arg4[%get3A_73, %get3A_74] : memref<1024x1xf32, #tpu.memory_space<vmem>>, vector<1024x1xf32>
    %sub3A_76 = vector.broadcast %get3A_75 : vector<1024x1xf32> to vector<1024x1024xf32>
    %sub3A_77 = arith.subf %sub3A_76, %dot_general3A_72 : vector<1024x1024xf32>
    %argmin3A_78 = tpu.reduce_index %sub3A_77 {axis = 0 : i32, kind = #tpu.reduction_kind<arg_min>} : vector<1024x1024xf32> -> vector<1024xi32>
    %swap3A_79 = arith.constant 3 : index
    %swap3A_80 = arith.constant 0 : index
    %swap3A_81 = arith.constant 0 : index
    %swap3A_82 = vector.load %arg3[%swap3A_79, %swap3A_80, %swap3A_81] : memref<16x1x1024xi32, #tpu.memory_space<vmem>>, vector<1x1x1024xi32>
    %swap3A_83 = vector.shape_cast %swap3A_82 : vector<1x1x1024xi32> to vector<1024xi32>
    %swap3A_84 = vector.shape_cast %argmin3A_78 : vector<1024xi32> to vector<1x1x1024xi32>
    tpu.vector_store %arg3[%swap3A_79, %swap3A_80, %swap3A_81], %swap3A_84 {strides = array<i32>} : memref<16x1x1024xi32, #tpu.memory_space<vmem>>, vector<1x1x1024xi32>,
    %get3A_85 = arith.constant 4 : index
    %get3A_86 = arith.constant 0 : index
    %get3A_87 = arith.constant 0 : index
    %get3A_88 = vector.load %arg1[%get3A_85, %get3A_86, %get3A_87] : memref<16x32x1024xf32, #tpu.memory_space<vmem>>, vector<1x32x1024xf32>
    %get3A_89 = vector.shape_cast %get3A_88 : vector<1x32x1024xf32> to vector<32x1024xf32>
    %get3A_90 = arith.constant 0 : index
    %get3A_91 = arith.constant 0 : index
    %get3A_92 = vector.load %arg2[%get3A_90, %get3A_91] : memref<1024x32xf32, #tpu.memory_space<vmem>>, vector<1024x32xf32>
    %dot_general3A_93 = arith.constant dense<0.000000e+00> : vector<1024x1024xf32>
    %dot_general3A_94 = tpu.matmul %get3A_92, %get3A_89, %dot_general3A_93 {dimension_numbers = #tpu.dot_dimension_numbers<[1], [0], [0], [1], [0, 0, 1, 1], [], []>, transpose_lhs_hint = false} : vector<1024x32xf32>, vector<32x1024xf32>, vector<1024x1024xf32> -> vector<1024x1024xf32>
    %get3A_95 = arith.constant 0 : index
    %get3A_96 = arith.constant 0 : index
    %get3A_97 = vector.load %arg4[%get3A_95, %get3A_96] : memref<1024x1xf32, #tpu.memory_space<vmem>>, vector<1024x1xf32>
    %sub3A_98 = vector.broadcast %get3A_97 : vector<1024x1xf32> to vector<1024x1024xf32>
    %sub3A_99 = arith.subf %sub3A_98, %dot_general3A_94 : vector<1024x1024xf32>
    %argmin3A_100 = tpu.reduce_index %sub3A_99 {axis = 0 : i32, kind = #tpu.reduction_kind<arg_min>} : vector<1024x1024xf32> -> vector<1024xi32>
    %swap3A_101 = arith.constant 4 : index
    %swap3A_102 = arith.constant 0 : index
    %swap3A_103 = arith.constant 0 : index
    %swap3A_104 = vector.load %arg3[%swap3A_101, %swap3A_102, %swap3A_103] : memref<16x1x1024xi32, #tpu.memory_space<vmem>>, vector<1x1x1024xi32>
    %swap3A_105 = vector.shape_cast %swap3A_104 : vector<1x1x1024xi32> to vector<1024xi32>
    %swap3A_106 = vector.shape_cast %argmin3A_100 : vector<1024xi32> to vector<1x1x1024xi32>
    tpu.vector_store %arg3[%swap3A_101, %swap3A_102, %swap3A_103], %swap3A_106 {strides = array<i32>} : memref<16x1x1024xi32, #tpu.memory_space<vmem>>, vector<1x1x1024xi32>,
    %get3A_107 = arith.constant 5 : index
    %get3A_108 = arith.constant 0 : index
    %get3A_109 = arith.constant 0 : index
    %get3A_110 = vector.load %arg1[%get3A_107, %get3A_108, %get3A_109] : memref<16x32x1024xf32, #tpu.memory_space<vmem>>, vector<1x32x1024xf32>
    %get3A_111 = vector.shape_cast %get3A_110 : vector<1x32x1024xf32> to vector<32x1024xf32>
    %get3A_112 = arith.constant 0 : index
    %get3A_113 = arith.constant 0 : index
    %get3A_114 = vector.load %arg2[%get3A_112, %get3A_113] : memref<1024x32xf32, #tpu.memory_space<vmem>>, vector<1024x32xf32>
    %dot_general3A_115 = arith.constant dense<0.000000e+00> : vector<1024x1024xf32>
    %dot_general3A_116 = tpu.matmul %get3A_114, %get3A_111, %dot_general3A_115 {dimension_numbers = #tpu.dot_dimension_numbers<[1], [0], [0], [1], [0, 0, 1, 1], [], []>, transpose_lhs_hint = false} : vector<1024x32xf32>, vector<32x1024xf32>, vector<1024x1024xf32> -> vector<1024x1024xf32>
    %get3A_117 = arith.constant 0 : index
    %get3A_118 = arith.constant 0 : index
    %get3A_119 = vector.load %arg4[%get3A_117, %get3A_118] : memref<1024x1xf32, #tpu.memory_space<vmem>>, vector<1024x1xf32>
    %sub3A_120 = vector.broadcast %get3A_119 : vector<1024x1xf32> to vector<1024x1024xf32>
    %sub3A_121 = arith.subf %sub3A_120, %dot_general3A_116 : vector<1024x1024xf32>
    %argmin3A_122 = tpu.reduce_index %sub3A_121 {axis = 0 : i32, kind = #tpu.reduction_kind<arg_min>} : vector<1024x1024xf32> -> vector<1024xi32>
    %swap3A_123 = arith.constant 5 : index
    %swap3A_124 = arith.constant 0 : index
    %swap3A_125 = arith.constant 0 : index
    %swap3A_126 = vector.load %arg3[%swap3A_123, %swap3A_124, %swap3A_125] : memref<16x1x1024xi32, #tpu.memory_space<vmem>>, vector<1x1x1024xi32>
    %swap3A_127 = vector.shape_cast %swap3A_126 : vector<1x1x1024xi32> to vector<1024xi32>
    %swap3A_128 = vector.shape_cast %argmin3A_122 : vector<1024xi32> to vector<1x1x1024xi32>
    tpu.vector_store %arg3[%swap3A_123, %swap3A_124, %swap3A_125], %swap3A_128 {strides = array<i32>} : memref<16x1x1024xi32, #tpu.memory_space<vmem>>, vector<1x1x1024xi32>,
    %get3A_129 = arith.constant 6 : index
    %get3A_130 = arith.constant 0 : index
    %get3A_131 = arith.constant 0 : index
    %get3A_132 = vector.load %arg1[%get3A_129, %get3A_130, %get3A_131] : memref<16x32x1024xf32, #tpu.memory_space<vmem>>, vector<1x32x1024xf32>
    %get3A_133 = vector.shape_cast %get3A_132 : vector<1x32x1024xf32> to vector<32x1024xf32>
    %get3A_134 = arith.constant 0 : index
    %get3A_135 = arith.constant 0 : index
    %get3A_136 = vector.load %arg2[%get3A_134, %get3A_135] : memref<1024x32xf32, #tpu.memory_space<vmem>>, vector<1024x32xf32>
    %dot_general3A_137 = arith.constant dense<0.000000e+00> : vector<1024x1024xf32>
    %dot_general3A_138 = tpu.matmul %get3A_136, %get3A_133, %dot_general3A_137 {dimension_numbers = #tpu.dot_dimension_numbers<[1], [0], [0], [1], [0, 0, 1, 1], [], []>, transpose_lhs_hint = false} : vector<1024x32xf32>, vector<32x1024xf32>, vector<1024x1024xf32> -> vector<1024x1024xf32>
    %get3A_139 = arith.constant 0 : index
    %get3A_140 = arith.constant 0 : index
    %get3A_141 = vector.load %arg4[%get3A_139, %get3A_140] : memref<1024x1xf32, #tpu.memory_space<vmem>>, vector<1024x1xf32>
    %sub3A_142 = vector.broadcast %get3A_141 : vector<1024x1xf32> to vector<1024x1024xf32>
    %sub3A_143 = arith.subf %sub3A_142, %dot_general3A_138 : vector<1024x1024xf32>
    %argmin3A_144 = tpu.reduce_index %sub3A_143 {axis = 0 : i32, kind = #tpu.reduction_kind<arg_min>} : vector<1024x1024xf32> -> vector<1024xi32>
    %swap3A_145 = arith.constant 6 : index
    %swap3A_146 = arith.constant 0 : index
    %swap3A_147 = arith.constant 0 : index
    %swap3A_148 = vector.load %arg3[%swap3A_145, %swap3A_146, %swap3A_147] : memref<16x1x1024xi32, #tpu.memory_space<vmem>>, vector<1x1x1024xi32>
    %swap3A_149 = vector.shape_cast %swap3A_148 : vector<1x1x1024xi32> to vector<1024xi32>
    %swap3A_150 = vector.shape_cast %argmin3A_144 : vector<1024xi32> to vector<1x1x1024xi32>
    tpu.vector_store %arg3[%swap3A_145, %swap3A_146, %swap3A_147], %swap3A_150 {strides = array<i32>} : memref<16x1x1024xi32, #tpu.memory_space<vmem>>, vector<1x1x1024xi32>,
    %get3A_151 = arith.constant 7 : index
    %get3A_152 = arith.constant 0 : index
    %get3A_153 = arith.constant 0 : index
    %get3A_154 = vector.load %arg1[%get3A_151, %get3A_152, %get3A_153] : memref<16x32x1024xf32, #tpu.memory_space<vmem>>, vector<1x32x1024xf32>
    %get3A_155 = vector.shape_cast %get3A_154 : vector<1x32x1024xf32> to vector<32x1024xf32>
    %get3A_156 = arith.constant 0 : index
    %get3A_157 = arith.constant 0 : index
    %get3A_158 = vector.load %arg2[%get3A_156, %get3A_157] : memref<1024x32xf32, #tpu.memory_space<vmem>>, vector<1024x32xf32>
    %dot_general3A_159 = arith.constant dense<0.000000e+00> : vector<1024x1024xf32>
    %dot_general3A_160 = tpu.matmul %get3A_158, %get3A_155, %dot_general3A_159 {dimension_numbers = #tpu.dot_dimension_numbers<[1], [0], [0], [1], [0, 0, 1, 1], [], []>, transpose_lhs_hint = false} : vector<1024x32xf32>, vector<32x1024xf32>, vector<1024x1024xf32> -> vector<1024x1024xf32>
    %get3A_161 = arith.constant 0 : index
    %get3A_162 = arith.constant 0 : index
    %get3A_163 = vector.load %arg4[%get3A_161, %get3A_162] : memref<1024x1xf32, #tpu.memory_space<vmem>>, vector<1024x1xf32>
    %sub3A_164 = vector.broadcast %get3A_163 : vector<1024x1xf32> to vector<1024x1024xf32>
    %sub3A_165 = arith.subf %sub3A_164, %dot_general3A_160 : vector<1024x1024xf32>
    %argmin3A_166 = tpu.reduce_index %sub3A_165 {axis = 0 : i32, kind = #tpu.reduction_kind<arg_min>} : vector<1024x1024xf32> -> vector<1024xi32>
    %swap3A_167 = arith.constant 7 : index
    %swap3A_168 = arith.constant 0 : index
    %swap3A_169 = arith.constant 0 : index
    %swap3A_170 = vector.load %arg3[%swap3A_167, %swap3A_168, %swap3A_169] : memref<16x1x1024xi32, #tpu.memory_space<vmem>>, vector<1x1x1024xi32>
    %swap3A_171 = vector.shape_cast %swap3A_170 : vector<1x1x1024xi32> to vector<1024xi32>
    %swap3A_172 = vector.shape_cast %argmin3A_166 : vector<1024xi32> to vector<1x1x1024xi32>
    tpu.vector_store %arg3[%swap3A_167, %swap3A_168, %swap3A_169], %swap3A_172 {strides = array<i32>} : memref<16x1x1024xi32, #tpu.memory_space<vmem>>, vector<1x1x1024xi32>,
    %get3A_173 = arith.constant 8 : index
    %get3A_174 = arith.constant 0 : index
    %get3A_175 = arith.constant 0 : index
    %get3A_176 = vector.load %arg1[%get3A_173, %get3A_174, %get3A_175] : memref<16x32x1024xf32, #tpu.memory_space<vmem>>, vector<1x32x1024xf32>
    %get3A_177 = vector.shape_cast %get3A_176 : vector<1x32x1024xf32> to vector<32x1024xf32>
    %get3A_178 = arith.constant 0 : index
    %get3A_179 = arith.constant 0 : index
    %get3A_180 = vector.load %arg2[%get3A_178, %get3A_179] : memref<1024x32xf32, #tpu.memory_space<vmem>>, vector<1024x32xf32>
    %dot_general3A_181 = arith.constant dense<0.000000e+00> : vector<1024x1024xf32>
    %dot_general3A_182 = tpu.matmul %get3A_180, %get3A_177, %dot_general3A_181 {dimension_numbers = #tpu.dot_dimension_numbers<[1], [0], [0], [1], [0, 0, 1, 1], [], []>, transpose_lhs_hint = false} : vector<1024x32xf32>, vector<32x1024xf32>, vector<1024x1024xf32> -> vector<1024x1024xf32>
    %get3A_183 = arith.constant 0 : index
    %get3A_184 = arith.constant 0 : index
    %get3A_185 = vector.load %arg4[%get3A_183, %get3A_184] : memref<1024x1xf32, #tpu.memory_space<vmem>>, vector<1024x1xf32>
    %sub3A_186 = vector.broadcast %get3A_185 : vector<1024x1xf32> to vector<1024x1024xf32>
    %sub3A_187 = arith.subf %sub3A_186, %dot_general3A_182 : vector<1024x1024xf32>
    %argmin3A_188 = tpu.reduce_index %sub3A_187 {axis = 0 : i32, kind = #tpu.reduction_kind<arg_min>} : vector<1024x1024xf32> -> vector<1024xi32>
    %swap3A_189 = arith.constant 8 : index
    %swap3A_190 = arith.constant 0 : index
    %swap3A_191 = arith.constant 0 : index
    %swap3A_192 = vector.load %arg3[%swap3A_189, %swap3A_190, %swap3A_191] : memref<16x1x1024xi32, #tpu.memory_space<vmem>>, vector<1x1x1024xi32>
    %swap3A_193 = vector.shape_cast %swap3A_192 : vector<1x1x1024xi32> to vector<1024xi32>
    %swap3A_194 = vector.shape_cast %argmin3A_188 : vector<1024xi32> to vector<1x1x1024xi32>
    tpu.vector_store %arg3[%swap3A_189, %swap3A_190, %swap3A_191], %swap3A_194 {strides = array<i32>} : memref<16x1x1024xi32, #tpu.memory_space<vmem>>, vector<1x1x1024xi32>,
    %get3A_195 = arith.constant 9 : index
    %get3A_196 = arith.constant 0 : index
    %get3A_197 = arith.constant 0 : index
    %get3A_198 = vector.load %arg1[%get3A_195, %get3A_196, %get3A_197] : memref<16x32x1024xf32, #tpu.memory_space<vmem>>, vector<1x32x1024xf32>
    %get3A_199 = vector.shape_cast %get3A_198 : vector<1x32x1024xf32> to vector<32x1024xf32>
    %get3A_200 = arith.constant 0 : index
    %get3A_201 = arith.constant 0 : index
    %get3A_202 = vector.load %arg2[%get3A_200, %get3A_201] : memref<1024x32xf32, #tpu.memory_space<vmem>>, vector<1024x32xf32>
    %dot_general3A_203 = arith.constant dense<0.000000e+00> : vector<1024x1024xf32>
    %dot_general3A_204 = tpu.matmul %get3A_202, %get3A_199, %dot_general3A_203 {dimension_numbers = #tpu.dot_dimension_numbers<[1], [0], [0], [1], [0, 0, 1, 1], [], []>, transpose_lhs_hint = false} : vector<1024x32xf32>, vector<32x1024xf32>, vector<1024x1024xf32> -> vector<1024x1024xf32>
    %get3A_205 = arith.constant 0 : index
    %get3A_206 = arith.constant 0 : index
    %get3A_207 = vector.load %arg4[%get3A_205, %get3A_206] : memref<1024x1xf32, #tpu.memory_space<vmem>>, vector<1024x1xf32>
    %sub3A_208 = vector.broadcast %get3A_207 : vector<1024x1xf32> to vector<1024x1024xf32>
    %sub3A_209 = arith.subf %sub3A_208, %dot_general3A_204 : vector<1024x1024xf32>
    %argmin3A_210 = tpu.reduce_index %sub3A_209 {axis = 0 : i32, kind = #tpu.reduction_kind<arg_min>} : vector<1024x1024xf32> -> vector<1024xi32>
    %swap3A_211 = arith.constant 9 : index
    %swap3A_212 = arith.constant 0 : index
    %swap3A_213 = arith.constant 0 : index
    %swap3A_214 = vector.load %arg3[%swap3A_211, %swap3A_212, %swap3A_213] : memref<16x1x1024xi32, #tpu.memory_space<vmem>>, vector<1x1x1024xi32>
    %swap3A_215 = vector.shape_cast %swap3A_214 : vector<1x1x1024xi32> to vector<1024xi32>
    %swap3A_216 = vector.shape_cast %argmin3A_210 : vector<1024xi32> to vector<1x1x1024xi32>
    tpu.vector_store %arg3[%swap3A_211, %swap3A_212, %swap3A_213], %swap3A_216 {strides = array<i32>} : memref<16x1x1024xi32, #tpu.memory_space<vmem>>, vector<1x1x1024xi32>,
    %get3A_217 = arith.constant 10 : index
    %get3A_218 = arith.constant 0 : index
    %get3A_219 = arith.constant 0 : index
    %get3A_220 = vector.load %arg1[%get3A_217, %get3A_218, %get3A_219] : memref<16x32x1024xf32, #tpu.memory_space<vmem>>, vector<1x32x1024xf32>
    %get3A_221 = vector.shape_cast %get3A_220 : vector<1x32x1024xf32> to vector<32x1024xf32>
    %get3A_222 = arith.constant 0 : index
    %get3A_223 = arith.constant 0 : index
    %get3A_224 = vector.load %arg2[%get3A_222, %get3A_223] : memref<1024x32xf32, #tpu.memory_space<vmem>>, vector<1024x32xf32>
    %dot_general3A_225 = arith.constant dense<0.000000e+00> : vector<1024x1024xf32>
    %dot_general3A_226 = tpu.matmul %get3A_224, %get3A_221, %dot_general3A_225 {dimension_numbers = #tpu.dot_dimension_numbers<[1], [0], [0], [1], [0, 0, 1, 1], [], []>, transpose_lhs_hint = false} : vector<1024x32xf32>, vector<32x1024xf32>, vector<1024x1024xf32> -> vector<1024x1024xf32>
    %get3A_227 = arith.constant 0 : index
    %get3A_228 = arith.constant 0 : index
    %get3A_229 = vector.load %arg4[%get3A_227, %get3A_228] : memref<1024x1xf32, #tpu.memory_space<vmem>>, vector<1024x1xf32>
    %sub3A_230 = vector.broadcast %get3A_229 : vector<1024x1xf32> to vector<1024x1024xf32>
    %sub3A_231 = arith.subf %sub3A_230, %dot_general3A_226 : vector<1024x1024xf32>
    %argmin3A_232 = tpu.reduce_index %sub3A_231 {axis = 0 : i32, kind = #tpu.reduction_kind<arg_min>} : vector<1024x1024xf32> -> vector<1024xi32>
    %swap3A_233 = arith.constant 10 : index
    %swap3A_234 = arith.constant 0 : index
    %swap3A_235 = arith.constant 0 : index
    %swap3A_236 = vector.load %arg3[%swap3A_233, %swap3A_234, %swap3A_235] : memref<16x1x1024xi32, #tpu.memory_space<vmem>>, vector<1x1x1024xi32>
    %swap3A_237 = vector.shape_cast %swap3A_236 : vector<1x1x1024xi32> to vector<1024xi32>
    %swap3A_238 = vector.shape_cast %argmin3A_232 : vector<1024xi32> to vector<1x1x1024xi32>
    tpu.vector_store %arg3[%swap3A_233, %swap3A_234, %swap3A_235], %swap3A_238 {strides = array<i32>} : memref<16x1x1024xi32, #tpu.memory_space<vmem>>, vector<1x1x1024xi32>,
    %get3A_239 = arith.constant 11 : index
    %get3A_240 = arith.constant 0 : index
    %get3A_241 = arith.constant 0 : index
    %get3A_242 = vector.load %arg1[%get3A_239, %get3A_240, %get3A_241] : memref<16x32x1024xf32, #tpu.memory_space<vmem>>, vector<1x32x1024xf32>
    %get3A_243 = vector.shape_cast %get3A_242 : vector<1x32x1024xf32> to vector<32x1024xf32>
    %get3A_244 = arith.constant 0 : index
    %get3A_245 = arith.constant 0 : index
    %get3A_246 = vector.load %arg2[%get3A_244, %get3A_245] : memref<1024x32xf32, #tpu.memory_space<vmem>>, vector<1024x32xf32>
    %dot_general3A_247 = arith.constant dense<0.000000e+00> : vector<1024x1024xf32>
    %dot_general3A_248 = tpu.matmul %get3A_246, %get3A_243, %dot_general3A_247 {dimension_numbers = #tpu.dot_dimension_numbers<[1], [0], [0], [1], [0, 0, 1, 1], [], []>, transpose_lhs_hint = false} : vector<1024x32xf32>, vector<32x1024xf32>, vector<1024x1024xf32> -> vector<1024x1024xf32>
    %get3A_249 = arith.constant 0 : index
    %get3A_250 = arith.constant 0 : index
    %get3A_251 = vector.load %arg4[%get3A_249, %get3A_250] : memref<1024x1xf32, #tpu.memory_space<vmem>>, vector<1024x1xf32>
    %sub3A_252 = vector.broadcast %get3A_251 : vector<1024x1xf32> to vector<1024x1024xf32>
    %sub3A_253 = arith.subf %sub3A_252, %dot_general3A_248 : vector<1024x1024xf32>
    %argmin3A_254 = tpu.reduce_index %sub3A_253 {axis = 0 : i32, kind = #tpu.reduction_kind<arg_min>} : vector<1024x1024xf32> -> vector<1024xi32>
    %swap3A_255 = arith.constant 11 : index
    %swap3A_256 = arith.constant 0 : index
    %swap3A_257 = arith.constant 0 : index
    %swap3A_258 = vector.load %arg3[%swap3A_255, %swap3A_256, %swap3A_257] : memref<16x1x1024xi32, #tpu.memory_space<vmem>>, vector<1x1x1024xi32>
    %swap3A_259 = vector.shape_cast %swap3A_258 : vector<1x1x1024xi32> to vector<1024xi32>
    %swap3A_260 = vector.shape_cast %argmin3A_254 : vector<1024xi32> to vector<1x1x1024xi32>
    tpu.vector_store %arg3[%swap3A_255, %swap3A_256, %swap3A_257], %swap3A_260 {strides = array<i32>} : memref<16x1x1024xi32, #tpu.memory_space<vmem>>, vector<1x1x1024xi32>,
    %get3A_261 = arith.constant 12 : index
    %get3A_262 = arith.constant 0 : index
    %get3A_263 = arith.constant 0 : index
    %get3A_264 = vector.load %arg1[%get3A_261, %get3A_262, %get3A_263] : memref<16x32x1024xf32, #tpu.memory_space<vmem>>, vector<1x32x1024xf32>
    %get3A_265 = vector.shape_cast %get3A_264 : vector<1x32x1024xf32> to vector<32x1024xf32>
    %get3A_266 = arith.constant 0 : index
    %get3A_267 = arith.constant 0 : index
    %get3A_268 = vector.load %arg2[%get3A_266, %get3A_267] : memref<1024x32xf32, #tpu.memory_space<vmem>>, vector<1024x32xf32>
    %dot_general3A_269 = arith.constant dense<0.000000e+00> : vector<1024x1024xf32>
    %dot_general3A_270 = tpu.matmul %get3A_268, %get3A_265, %dot_general3A_269 {dimension_numbers = #tpu.dot_dimension_numbers<[1], [0], [0], [1], [0, 0, 1, 1], [], []>, transpose_lhs_hint = false} : vector<1024x32xf32>, vector<32x1024xf32>, vector<1024x1024xf32> -> vector<1024x1024xf32>
    %get3A_271 = arith.constant 0 : index
    %get3A_272 = arith.constant 0 : index
    %get3A_273 = vector.load %arg4[%get3A_271, %get3A_272] : memref<1024x1xf32, #tpu.memory_space<vmem>>, vector<1024x1xf32>
    %sub3A_274 = vector.broadcast %get3A_273 : vector<1024x1xf32> to vector<1024x1024xf32>
    %sub3A_275 = arith.subf %sub3A_274, %dot_general3A_270 : vector<1024x1024xf32>
    %argmin3A_276 = tpu.reduce_index %sub3A_275 {axis = 0 : i32, kind = #tpu.reduction_kind<arg_min>} : vector<1024x1024xf32> -> vector<1024xi32>
    %swap3A_277 = arith.constant 12 : index
    %swap3A_278 = arith.constant 0 : index
    %swap3A_279 = arith.constant 0 : index
    %swap3A_280 = vector.load %arg3[%swap3A_277, %swap3A_278, %swap3A_279] : memref<16x1x1024xi32, #tpu.memory_space<vmem>>, vector<1x1x1024xi32>
    %swap3A_281 = vector.shape_cast %swap3A_280 : vector<1x1x1024xi32> to vector<1024xi32>
    %swap3A_282 = vector.shape_cast %argmin3A_276 : vector<1024xi32> to vector<1x1x1024xi32>
    tpu.vector_store %arg3[%swap3A_277, %swap3A_278, %swap3A_279], %swap3A_282 {strides = array<i32>} : memref<16x1x1024xi32, #tpu.memory_space<vmem>>, vector<1x1x1024xi32>,
    %get3A_283 = arith.constant 13 : index
    %get3A_284 = arith.constant 0 : index
    %get3A_285 = arith.constant 0 : index
    %get3A_286 = vector.load %arg1[%get3A_283, %get3A_284, %get3A_285] : memref<16x32x1024xf32, #tpu.memory_space<vmem>>, vector<1x32x1024xf32>
    %get3A_287 = vector.shape_cast %get3A_286 : vector<1x32x1024xf32> to vector<32x1024xf32>
    %get3A_288 = arith.constant 0 : index
    %get3A_289 = arith.constant 0 : index
    %get3A_290 = vector.load %arg2[%get3A_288, %get3A_289] : memref<1024x32xf32, #tpu.memory_space<vmem>>, vector<1024x32xf32>
    %dot_general3A_291 = arith.constant dense<0.000000e+00> : vector<1024x1024xf32>
    %dot_general3A_292 = tpu.matmul %get3A_290, %get3A_287, %dot_general3A_291 {dimension_numbers = #tpu.dot_dimension_numbers<[1], [0], [0], [1], [0, 0, 1, 1], [], []>, transpose_lhs_hint = false} : vector<1024x32xf32>, vector<32x1024xf32>, vector<1024x1024xf32> -> vector<1024x1024xf32>
    %get3A_293 = arith.constant 0 : index
    %get3A_294 = arith.constant 0 : index
    %get3A_295 = vector.load %arg4[%get3A_293, %get3A_294] : memref<1024x1xf32, #tpu.memory_space<vmem>>, vector<1024x1xf32>
    %sub3A_296 = vector.broadcast %get3A_295 : vector<1024x1xf32> to vector<1024x1024xf32>
    %sub3A_297 = arith.subf %sub3A_296, %dot_general3A_292 : vector<1024x1024xf32>
    %argmin3A_298 = tpu.reduce_index %sub3A_297 {axis = 0 : i32, kind = #tpu.reduction_kind<arg_min>} : vector<1024x1024xf32> -> vector<1024xi32>
    %swap3A_299 = arith.constant 13 : index
    %swap3A_300 = arith.constant 0 : index
    %swap3A_301 = arith.constant 0 : index
    %swap3A_302 = vector.load %arg3[%swap3A_299, %swap3A_300, %swap3A_301] : memref<16x1x1024xi32, #tpu.memory_space<vmem>>, vector<1x1x1024xi32>
    %swap3A_303 = vector.shape_cast %swap3A_302 : vector<1x1x1024xi32> to vector<1024xi32>
    %swap3A_304 = vector.shape_cast %argmin3A_298 : vector<1024xi32> to vector<1x1x1024xi32>
    tpu.vector_store %arg3[%swap3A_299, %swap3A_300, %swap3A_301], %swap3A_304 {strides = array<i32>} : memref<16x1x1024xi32, #tpu.memory_space<vmem>>, vector<1x1x1024xi32>,
    %get3A_305 = arith.constant 14 : index
    %get3A_306 = arith.constant 0 : index
    %get3A_307 = arith.constant 0 : index
    %get3A_308 = vector.load %arg1[%get3A_305, %get3A_306, %get3A_307] : memref<16x32x1024xf32, #tpu.memory_space<vmem>>, vector<1x32x1024xf32>
    %get3A_309 = vector.shape_cast %get3A_308 : vector<1x32x1024xf32> to vector<32x1024xf32>
    %get3A_310 = arith.constant 0 : index
    %get3A_311 = arith.constant 0 : index
    %get3A_312 = vector.load %arg2[%get3A_310, %get3A_311] : memref<1024x32xf32, #tpu.memory_space<vmem>>, vector<1024x32xf32>
    %dot_general3A_313 = arith.constant dense<0.000000e+00> : vector<1024x1024xf32>
    %dot_general3A_314 = tpu.matmul %get3A_312, %get3A_309, %dot_general3A_313 {dimension_numbers = #tpu.dot_dimension_numbers<[1], [0], [0], [1], [0, 0, 1, 1], [], []>, transpose_lhs_hint = false} : vector<1024x32xf32>, vector<32x1024xf32>, vector<1024x1024xf32> -> vector<1024x1024xf32>
    %get3A_315 = arith.constant 0 : index
    %get3A_316 = arith.constant 0 : index
    %get3A_317 = vector.load %arg4[%get3A_315, %get3A_316] : memref<1024x1xf32, #tpu.memory_space<vmem>>, vector<1024x1xf32>
    %sub3A_318 = vector.broadcast %get3A_317 : vector<1024x1xf32> to vector<1024x1024xf32>
    %sub3A_319 = arith.subf %sub3A_318, %dot_general3A_314 : vector<1024x1024xf32>
    %argmin3A_320 = tpu.reduce_index %sub3A_319 {axis = 0 : i32, kind = #tpu.reduction_kind<arg_min>} : vector<1024x1024xf32> -> vector<1024xi32>
    %swap3A_321 = arith.constant 14 : index
    %swap3A_322 = arith.constant 0 : index
    %swap3A_323 = arith.constant 0 : index
    %swap3A_324 = vector.load %arg3[%swap3A_321, %swap3A_322, %swap3A_323] : memref<16x1x1024xi32, #tpu.memory_space<vmem>>, vector<1x1x1024xi32>
    %swap3A_325 = vector.shape_cast %swap3A_324 : vector<1x1x1024xi32> to vector<1024xi32>
    %swap3A_326 = vector.shape_cast %argmin3A_320 : vector<1024xi32> to vector<1x1x1024xi32>
    tpu.vector_store %arg3[%swap3A_321, %swap3A_322, %swap3A_323], %swap3A_326 {strides = array<i32>} : memref<16x1x1024xi32, #tpu.memory_space<vmem>>, vector<1x1x1024xi32>,
    %get3A_327 = arith.constant 15 : index
    %get3A_328 = arith.constant 0 : index
    %get3A_329 = arith.constant 0 : index
    %get3A_330 = vector.load %arg1[%get3A_327, %get3A_328, %get3A_329] : memref<16x32x1024xf32, #tpu.memory_space<vmem>>, vector<1x32x1024xf32>
    %get3A_331 = vector.shape_cast %get3A_330 : vector<1x32x1024xf32> to vector<32x1024xf32>
    %get3A_332 = arith.constant 0 : index
    %get3A_333 = arith.constant 0 : index
    %get3A_334 = vector.load %arg2[%get3A_332, %get3A_333] : memref<1024x32xf32, #tpu.memory_space<vmem>>, vector<1024x32xf32>
    %dot_general3A_335 = arith.constant dense<0.000000e+00> : vector<1024x1024xf32>
    %dot_general3A_336 = tpu.matmul %get3A_334, %get3A_331, %dot_general3A_335 {dimension_numbers = #tpu.dot_dimension_numbers<[1], [0], [0], [1], [0, 0, 1, 1], [], []>, transpose_lhs_hint = false} : vector<1024x32xf32>, vector<32x1024xf32>, vector<1024x1024xf32> -> vector<1024x1024xf32>
    %get3A_337 = arith.constant 0 : index
    %get3A_338 = arith.constant 0 : index
    %get3A_339 = vector.load %arg4[%get3A_337, %get3A_338] : memref<1024x1xf32, #tpu.memory_space<vmem>>, vector<1024x1xf32>
    %sub3A_340 = vector.broadcast %get3A_339 : vector<1024x1xf32> to vector<1024x1024xf32>
    %sub3A_341 = arith.subf %sub3A_340, %dot_general3A_336 : vector<1024x1024xf32>
    %argmin3A_342 = tpu.reduce_index %sub3A_341 {axis = 0 : i32, kind = #tpu.reduction_kind<arg_min>} : vector<1024x1024xf32> -> vector<1024xi32>
    %swap3A_343 = arith.constant 15 : index
    %swap3A_344 = arith.constant 0 : index
    %swap3A_345 = arith.constant 0 : index
    %swap3A_346 = vector.load %arg3[%swap3A_343, %swap3A_344, %swap3A_345] : memref<16x1x1024xi32, #tpu.memory_space<vmem>>, vector<1x1x1024xi32>
    %swap3A_347 = vector.shape_cast %swap3A_346 : vector<1x1x1024xi32> to vector<1024xi32>
    %swap3A_348 = vector.shape_cast %argmin3A_342 : vector<1024xi32> to vector<1x1x1024xi32>
    tpu.vector_store %arg3[%swap3A_343, %swap3A_344, %swap3A_345], %swap3A_348 {strides = array<i32>} : memref<16x1x1024xi32, #tpu.memory_space<vmem>>, vector<1x1x1024xi32>,
    return
  }
  func.func @transform_0(%arg0: i32) -> (i32, i32, i32) {
    %c0_i32 = arith.constant 0 : i32
    %c0_i32_0 = arith.constant 0 : i32
    %c0_i32_1 = arith.constant 0 : i32
    return %arg0, %c0_i32, %c0_i32_0 : i32, i32, i32
  }
  func.func @transform_1(%arg0: i32) -> (i32, i32) {
    %c0_i32 = arith.constant 0 : i32
    %c0_i32_0 = arith.constant 0 : i32
    %c0_i32_1 = arith.constant 0 : i32
    return %c0_i32, %c0_i32_0 : i32, i32
  }
  func.func @transform_2(%arg0: i32) -> (i32, i32, i32) {
    %c0_i32 = arith.constant 0 : i32
    %c0_i32_0 = arith.constant 0 : i32
    %c0_i32_1 = arith.constant 0 : i32
    return %arg0, %c0_i32, %c0_i32_0 : i32, i32, i32
  }
}

</mosaic_0001>

<sc_bundles>
// kernel: kernel.4.cloned.1.call-start
scs
__scs_entry_jumppad:
0x0: {  	(pc) =	sbr.rel $0x88, $3  }
0x1: {  	(tag) =	ssettag $0x0;
	lr =	simm.s32 $0x1  }
0x2: {  	[smem:$0x3F9F] =	sst lr;
	_ =	strace $0xD0000000  }
0x3: {  	_ = 	snop  }
0x4: {  	_ = 	snop  }
0x5: {  	_ = 	snop  }
0x6: {  	_ = 	snop  }
0x7: {  	_ = 	snop  }
__scs_overlays_trampoline_lowered:
0x8: {  	[smem:$0x3FAE] =	sst s0  }
0x9: {  	[smem:$0x3FAF] =	sst s1  }
0xa: {  	[smem:$0x3FB0] =	sst s2  }
0xb: {  	[smem:$0x3FB1] =	sst s3  }
0xc: {  	[smem:$0x3FB2] =	sst s4  }
0xd: {  	[smem:$0x3FB3] =	sst s5  }
0xe: {  	[smem:$0x3FB4] =	sst s6  }
0xf: {  	[smem:$0x3FB5] =	sst s7  }
0x10: {  	[smem:$0x3FB6] =	sst s8  }
0x11: {  	[smem:$0x3FB7] =	sst s9;
	s0 =	simm.s32 @!p0 $0x0  }
0x12: {  	s1 =	sld [smem:$0x3F9D];
	s0 =	simm.s32 @p0 $0x1  }
0x13: {  	[smem:$0x3FB8] =	sst s0;
	s0 =	simm.s32 @!p1 $0x0  }
0x14: {  	s2 =	sld [smem:$0x3F9C];
	s0 =	simm.s32 @p1 $0x1  }
0x15: {  	[smem:$0x3FB9] =	sst s0;
	s0 =	simm.s32 @!p2 $0x0  }
0x16: {  	s3 =	sld [smem:$0x3FDB];
	s0 =	simm.s32 @p2 $0x1  }
0x17: {  	s4 =	simm.s32 $0x1BF5;
	[smem:$0x3FBB] =	sst s0  }
0x18: {  	s0 =	sld [smem:$0x3F9E];
	_ =	swait.ge [sflag:s4], $0x0  }
0x19: {  	s7 =	sld [smem:$0x3F9F]  }
0x1a: {  	s8 =	sadd.s32 $0xFFFFE003, lr  }
0x1b: {  	s9 =	sadd.s32 $0xFFFFFEF7, lr;
	s5 =	simm.s32 $0xFFFFFFFF;
	p2 =	slt.u32 s8, $0xFFFFF086  }
0x1c: {  	p1 =	slt.u32 s9, $0xF7A;
	s5 =	simm.s32 @!p2 $0x0  }
0x1d: {  	s5 =	simm.s32 @p1 $0x1;
	p0 =	seq.s32 s7, s2  }
0x1e: {  	s7 =	smul.u32 @!p0 $0xF7A, s2;
	p2 =	seq.s32 @!p0 s5, $0x0  }
0x1f: {  	s9 =	smul.u32 $0xF7A, s1;
	s8 =	simm.s32 @!p0 $0x1BF5;
	p2 =	por !p2, p0  }
0x20: {  	[sflag:s8] =	ssyncset.s32 @!p0 $0xFFFFF086;
	s6 =	sadd.s32 @!p0 s3, s7;
	s7 =	simm.s32 @!p0 $0x108  }
0x21: {  	s3 =	sadd.s32 s3, s9;
	s6 =	sadd.s32 @!p0 $0x88, s6;
	s7 =	simm.s32 @p2 $0x1082  }
0x22: {  	[simem:s7], [sflag:s8] =	dma.local @!p0 [hbm:s6], $0xF7A  }
0x23: {  	s9 =	sor.u32 $0xD0000000, s2;
	s6 =	simm.s32 $0x108;
	_ =	swait.ge @!p0 [sflag:s8], $0x0  }
0x24: {  	s3 =	sadd.s32 $0x88, s3;
	s6 =	simm.s32 @!p1 $0x1082;
	[sflag:s4] =	ssyncset.s32 $0xFFFFF086  }
0x25: {  	[simem:s6], [sflag:s4] =	dma.local [hbm:s3], $0xF7A  }
0x26: {  	[smem:$0x3F9F] =	sst s1;
	(tag) =	ssettag s2;
	_ =	strace s9  }
0x27: {  	s1 =	sld [smem:$0x3FAF]  }
0x28: {  	s2 =	sld [smem:$0x3FB0]  }
0x29: {  	s4 =	sld [smem:$0x3FB2]  }
0x2a: {  	p0 =	seq.s32 s5, $0x0;
	s5 =	sld [smem:$0x3FB3]  }
0x2b: {  	s6 =	sld [smem:$0x3FB4]  }
0x2c: {  	s7 =	sld [smem:$0x3FB5]  }
0x2d: {  	s3 =	simm.s32 $0x108;
	s8 =	sld [smem:$0x3FB6]  }
0x2e: {  	s3 =	simm.s32 @!p0 $0x1082;
	s9 =	sld [smem:$0x3FB7]  }
0x2f: {  	lr =	sadd.s32 s0, s3;
	s0 =	sld [smem:$0x3FAE]  }
0x30: {  	s3 =	sld [smem:$0x3FB1]  }
0x31: {  	[smem:$0x3FBA] =	sst s10  }
0x32: {  	s10 =	sld [smem:$0x3FB8];
	_ =	sdelay $0x3  }
0x33: {  	p0 =	seq.s32 s10, $0x1;
	s10 =	sld [smem:$0x3FBA];
	_ =	sdelay $0x3  }
0x34: {  	[smem:$0x3FBA] =	sst s10  }
0x35: {  	s10 =	sld [smem:$0x3FB9];
	_ =	sdelay $0x3  }
0x36: {  	p1 =	seq.s32 s10, $0x1;
	s10 =	sld [smem:$0x3FBA];
	_ =	sdelay $0x3  }
0x37: {  	[smem:$0x3FBA] =	sst s10  }
0x38: {  	s10 =	sld [smem:$0x3FBB]  }
0x39: {  	_ = 	snop;
	(pc) =	sbr.ind lr, $3  }
0x3a: {  	_ = 	snop  }
0x3b: {  	_ = 	snop  }
0x3c: {  	p2 =	seq.s32 s10, $0x1;
	s10 =	sld [smem:$0x3FBA]  }
0x3d: {  	_ =	shalt  }
0x3e: {  	_ =	shalt  }
0x3f: {  	_ =	shalt  }
0x40: {  	_ =	shalt  }
0x41: {  	_ =	shalt  }
0x42: {  	_ =	shalt  }
0x43: {  	_ =	shalt  }
0x44: {  	_ =	shalt  }
0x45: {  	_ =	shalt  }
0x46: {  	_ =	shalt  }
0x47: {  	_ =	shalt  }
0x48: {  	_ =	shalt  }
0x49: {  	_ =	shalt  }
0x4a: {  	_ =	shalt  }
0x4b: {  	_ =	shalt  }
0x4c: {  	_ =	shalt  }
0x4d: {  	_ =	shalt  }
0x4e: {  	_ =	shalt  }
0x4f: {  	_ =	shalt  }
0x50: {  	_ =	shalt  }
0x51: {  	_ =	shalt  }
0x52: {  	_ =	shalt  }
0x53: {  	_ =	shalt  }
0x54: {  	_ =	shalt  }
0x55: {  	_ =	shalt  }
0x56: {  	_ =	shalt  }
0x57: {  	_ =	shalt  }
0x58: {  	_ =	shalt  }
0x59: {  	_ =	shalt  }
0x5a: {  	_ =	shalt  }
0x5b: {  	_ =	shalt  }
0x5c: {  	_ =	shalt  }
0x5d: {  	_ =	shalt  }
0x5e: {  	_ =	shalt  }
0x5f: {  	_ =	shalt  }
0x60: {  	_ =	shalt  }
0x61: {  	_ =	shalt  }
0x62: {  	_ =	shalt  }
0x63: {  	_ =	shalt  }
0x64: {  	_ =	shalt  }
0x65: {  	_ =	shalt  }
0x66: {  	_ =	shalt  }
0x67: {  	_ =	shalt  }
0x68: {  	_ =	shalt  }
0x69: {  	_ =	shalt  }
0x6a: {  	_ =	shalt  }
0x6b: {  	_ =	shalt  }
0x6c: {  	_ =	shalt  }
0x6d: {  	_ =	shalt  }
0x6e: {  	_ =	shalt  }
0x6f: {  	_ =	shalt  }
0x70: {  	_ =	shalt  }
0x71: {  	_ =	shalt  }
0x72: {  	_ =	shalt  }
0x73: {  	_ =	shalt  }
0x74: {  	_ =	shalt  }
0x75: {  	_ =	shalt  }
0x76: {  	_ =	shalt  }
0x77: {  	_ =	shalt  }
0x78: {  	_ =	shalt  }
0x79: {  	_ =	shalt  }
0x7a: {  	_ =	shalt  }
0x7b: {  	_ =	shalt  }
0x7c: {  	_ =	shalt  }
0x7d: {  	_ =	shalt  }
0x7e: {  	_ =	shalt  }
0x7f: {  	_ =	shalt  }
0x80: {  	_ =	shalt  }
0x81: {  	_ =	shalt  }
0x82: {  	_ =	shalt  }
0x83: {  	_ =	shalt  }
0x84: {  	_ =	shalt  }
0x85: {  	_ =	shalt  }
0x86: {  	_ =	shalt  }
0x87: {  	_ =	shalt  }
.Lfunc_end0:
.L_simem_size_0:
called_computation_lowered:
.L_overlay_start_0:
0x88: {  	s2 =	sld [smem:$0x3FD9]  }
0x89: {  	s3 =	sld [smem:$0x3FFE];
	_ =	sdelay $0x1  }
0x8a: {  	s1 =	srdreg.scid  }
0x8b: {  	s0 =	sand.u32 $0x1, s1  }
0x8c: {  	s14 =	sshll.u32 s0, $0xA;
	s2 =	sadd.s32 s3, s2  }
0x8d: {  	s2 =	sadd.s32 s2, s14  }
0x8e: {  	[smem:$0x3FC6] =	sst s2  }
0x8f: {  	_ = 	snop  }
0x90: {  	s2 =	sld [smem:$0x3FD0];
	_ =	sdelay $0x2  }
0x91: {  	s15 =	simm.s32 $0xA;
	s4 =	simm.s32 $0x10  }
0x92: {  	[smem:s4], [sflag:s15] =	dma.local [hbm:s2], $0x1  }
0x93: {  	_ =	swait.eq [sflag:s15], $0x1  }
0x94: {  	[sflag:s15] =	ssyncset.done $0x0  }
0x95: {  	[sflag:s15] =	ssyncadd.s32 $0xFFFFFFFF  }
0x96: {  	s16 =	sld [smem:$0x10];
	(tm) =	ssettm $0x1  }
0x97: {  	s17 =	sld [smem:$0x3FFB];
	_ =	sdelay $0x3  }
0x98: {  	_ =	strace s17  }
0x99: {  	s3 =	sld [smem:$0x3FFC];
	_ =	sdelay $0x3  }
0x9a: {  	_ =	strace s3  }
0x9b: {  	s3 =	sld [smem:$0x3FFD];
	_ =	sdelay $0x3  }
0x9c: {  	_ =	strace s3  }
0x9d: {  	_ =	strace $0x8FFFFFFF  }
0x9e: {  	s18 =	sld [smem:$0x3FDB];
	_ =	sdelay $0x1  }
0x9f: {  	s19 =	simm.s32 $_scs_section_size  }
0xa0: {  	s5 =	simm.s32 $_size__tile_overlayer_lowered;
	s6 =	simm.s32 $_tile_overlayer_lowered  }
0xa1: {  	s22 =	simm.s32 $0x1BFF;
	s21 =	sshll.u32 s6, $0x1;
	s3 =	sadd.s32 s19, s18  }
0xa2: {  	s7 =	simm.s32 $0x0;
	s20 =	sshll.u32 s5, $0x1;
	s5 =	sadd.s32 s21, s3  }
0xa3: {  	[timem:s7], [sflag:s22] =	dma.local [hbm:s5], s20  }
0xa4: {  	_ =	swait.ge [sflag:s22], s20  }
0xa5: {  	s4 =	ssub.s32 $0x0, s20;
	[sflag:s22] =	ssyncset.done $0x0  }
0xa6: {  	[sflag:s22] =	ssyncadd.s32 s4;
	_ =	sdelay $0x1  }
0xa7: {  	s23 =	simm.s32 $0x1B8B  }
0xa8: {  	_ =	swait.ge [sflag:s23], $0x1  }
0xa9: {  	[sflag:s23] =	ssyncset.done $0x0  }
0xaa: {  	s25 =	simm.s32 $0x1B8E;
	s24 =	sld [smem:$0x3FFE];
	[sflag:s23] =	ssyncadd.s32 $0xFFFFFFFF  }
0xab: {  	s26 =	simm.s32 $execute0_lowered;
	[smem:$0x3FD2] =	sst s25  }
0xac: {  	s5 =	sshll.u32 s26, $0x1;
	_ =	strace $0x80000046;
	[dreg:$0x1] =	wrdreg $0xFFFFFFFF  }
0xad: {  	s28 =	simm.s32 $_size_execute0_lowered;
	s3 =	sadd.s32 s3, s5;
	[dreg:$0x0] =	wrdreg $0x0  }
0xae: {  	s5 =	sshll.u32 s28, $0x1;
	[dreg:$0x2] =	wrdreg s3  }
0xaf: {  	[dreg:$0x3] =	wrdreg s5  }
0xb0: {  	[dreg:$0x4] =	wrdreg $0xC0  }
0xb1: {  	_ =	task [dreg:s7], $0x5FFFF  }
0xb2: {  	[dreg:$0x1] =	wrdreg $0xFFFFFFFF  }
0xb3: {  	[dreg:$0x0] =	wrdreg $0x60  }
0xb4: {  	[dreg:$0x2] =	wrdreg s24  }
0xb5: {  	[dreg:$0x3] =	wrdreg s16  }
0xb6: {  	[dreg:$0x4] =	wrdreg $0x9  }
0xb7: {  	_ =	task.clear_ibuf [dreg:s7], $0x5FFFF;
	_ =	strace $0x90000046  }
0xb8: {  	s29 =	simm.s32 $0x9;
	_ =	strace $0x80000048  }
0xb9: {  	_ =	swait.ge [sflag:s29], $0x1  }
0xba: {  	[sflag:s29] =	ssyncadd.s32 $0xFFFFFFFF  }
0xbb: {  	_ =	strace $0x90000048  }
0xbc: {  	_ =	sfence  }
0xbd: {  	s30 =	sld [smem:$0x0];
	_ =	sdelay $0x2  }
0xbe: {  	s31 =	sshll.u32 s1, $0xD;
	s1 =	sshrl.u32 s1, $0x2  }
0xbf: {  	s3 =	sand.u32 $0x4000, s31;
	s1 =	sadd.s32 s1, s30  }
0xc0: {  	s0 =	sor.u32 s3, s0;
	s1 =	sshll.u32 s1, $0x11  }
0xc1: {  	s0 =	sor.u32 s1, s0  }
0xc2: {  	s0 =	sadd.s32 $0x8F2B, s0  }
0xc3: {  	[sflag:s0] =	ssyncadd.remote.s32 $0x1  }
0xc4: {  	_ =	sfence.sel $0xFFFF  }
0xc5: {  	[dreg:$0x0] =	wrdreg $0xFFFFFFFF;
	(pc) =	sbr.abs _section_cstart, $3  }
0xc6: {  	[dreg:$0x1] =	wrdreg $0xFFFFFFFF  }
0xc7: {  	_ =	task.clear_ibuf [dreg:s7], $0x2FFFF;
	_ =	strace $0x9FFFFFFF  }
0xc8: {  	(tm) =	ssettm $0x7FFFFFFF  }
0xc9: {  	_ =	shalt  }
tec
execute0_lowered:
.L_overlay_start_1:
0x0: {  	(tag) =	ssettag $0x1  }
0x1: {  	s4 =	rddreg [dreg:$0x0]  }
0x2: {  	s5 =	rddreg [dreg:$0x1];
	s2 =	srdreg.scid  }
0x3: {  	s0 =	rddreg [dreg:$0x2];
	s1 =	stileid.u32  }
0x4: {  	s9 =	simm.s32 $0x8800;
	s10 =	simm.s32 $0x0;
	s3 =	sand.u32 $0x1, s2  }
0x5: {  	s2 =	simm.s32 $0x0;
	s6 =	sshll.u32 s1, $0x2;
	s7 =	sshll.u32 s3, $0x1  }
0x6: {  	[smem:$0x7FF] =	sst s2;
	s8 =	ssub.s32 $0x2, s3;
	s6 =	sor.u32 s7, s6  }
0x7: {  	s3 =	sadd.s32 $0x800, s4;
	_ =	strace $0x80000047;
	s7 =	sshll.u32 s6, $0x7  }
0x8: {  	s31 =	sshrl.u32 s8, $0x1;
	s6 =	sshll.u32 s6, $0xC;
	s4 =	sadd.s32 s7, s4  }
0x9: {  	s7 =	ssub.s32 s8, s31;
	s5 =	sadd.s32 s5, s6;
	s8 =	simm.s32 $0x8000  }
0xa: {  	s4 =	sadd.s32 $0x1800, s4;
	s6 =	smax.u32 s7, $0x1;
	s7 =	simm.s32 $0x1  }
.LBB2_1:
0xb: {  	[tilespmem:s2], [sflag:$0x1] =	stream.linear.gather [hbm4b:s3+s2], $0x8000, $0x38;
	[tilespmem:$0x18800] =	vst v63  }
0xc: {  	_ =	swait.ge [sflag:s7], $0x8000  }
0xd: {  	[sflag:s7] =	ssyncset.done $0x0  }
0xe: {  	[sflag:s7] =	ssyncadd.s32 $0xFFFF8000  }
0xf: {  	[tilespmem:s8], [sflag:$0x1] =	stream.linear.gather [hbm4b:s4+s2], $0x800, $0x38;
	[tilespmem:$0x18800] =	vst v63  }
0x10: {  	_ =	swait.ge [sflag:s7], $0x800  }
0x11: {  	[sflag:s7] =	ssyncset.done $0x0  }
0x12: {  	s12 =	simm.s32 $0x0;
	[sflag:s7] =	ssyncadd.s32 $0xFFFFF800  }
0x13: {  	v0 =	vld [tilespmem:s12+$0x8010];
	_ =	sdelay $0x3  }
0x14: {  	v1 =	vld [tilespmem:s12+$0x8000]  }
0x15: {  	v3 =	vshll.u32 v0, $0x5;
	_ =	sdelay $0x3  }
0x16: {  	v2 =	vshll.u32 v1, $0x5  }
0x17: {  	v0 =	vld.idx.msk [tilespmem:v3+s2+$0x0], $0xffff  }
0x18: {  	v1 =	vor.u32 $0x1, v3;
	_ =	sdelay $0x2  }
0x19: {  	v4 =	vld.idx.msk [tilespmem:v2+s2+$0x0], $0xffff  }
0x1a: {  	v5 =	vor.u32 $0x1, v2;
	[tilespmem:s12+$0x8810] =	vst v0  }
0x1b: {  	v0 =	vld.idx.msk [tilespmem:v1+s2+$0x0], $0xffff  }
0x1c: {  	v6 =	vor.u32 $0x2, v3;
	_ =	sdelay $0x1  }
0x1d: {  	[tilespmem:s12+$0x8800] =	vst v4  }
0x1e: {  	v4 =	vld.idx.msk [tilespmem:v5+s2+$0x0], $0xffff  }
0x1f: {  	v5 =	vor.u32 $0x2, v2;
	[tilespmem:s12+$0x8C10] =	vst v0  }
0x20: {  	v0 =	vld.idx.msk [tilespmem:v6+s2+$0x0], $0xffff  }
0x21: {  	v6 =	vor.u32 $0x3, v3;
	_ =	sdelay $0x1  }
0x22: {  	[tilespmem:s12+$0x8C00] =	vst v4  }
0x23: {  	v4 =	vld.idx.msk [tilespmem:v5+s2+$0x0], $0xffff  }
0x24: {  	v5 =	vor.u32 $0x3, v2;
	[tilespmem:s12+$0x9010] =	vst v0  }
0x25: {  	v0 =	vld.idx.msk [tilespmem:v6+s2+$0x0], $0xffff  }
0x26: {  	v6 =	vor.u32 $0x4, v3;
	_ =	sdelay $0x1  }
0x27: {  	[tilespmem:s12+$0x9000] =	vst v4  }
0x28: {  	v4 =	vld.idx.msk [tilespmem:v5+s2+$0x0], $0xffff  }
0x29: {  	v5 =	vor.u32 $0x4, v2;
	[tilespmem:s12+$0x9410] =	vst v0  }
0x2a: {  	v0 =	vld.idx.msk [tilespmem:v6+s2+$0x0], $0xffff  }
0x2b: {  	v6 =	vor.u32 $0x5, v3;
	_ =	sdelay $0x1  }
0x2c: {  	[tilespmem:s12+$0x9400] =	vst v4  }
0x2d: {  	v4 =	vld.idx.msk [tilespmem:v5+s2+$0x0], $0xffff  }
0x2e: {  	v5 =	vor.u32 $0x5, v2;
	[tilespmem:s12+$0x9810] =	vst v0  }
0x2f: {  	v0 =	vld.idx.msk [tilespmem:v6+s2+$0x0], $0xffff  }
0x30: {  	v6 =	vor.u32 $0x6, v3;
	_ =	sdelay $0x1  }
0x31: {  	[tilespmem:s12+$0x9800] =	vst v4  }
0x32: {  	v4 =	vld.idx.msk [tilespmem:v5+s2+$0x0], $0xffff  }
0x33: {  	v5 =	vor.u32 $0x6, v2;
	[tilespmem:s12+$0x9C10] =	vst v0  }
0x34: {  	v0 =	vld.idx.msk [tilespmem:v6+s2+$0x0], $0xffff  }
0x35: {  	v6 =	vor.u32 $0x7, v3;
	_ =	sdelay $0x1  }
0x36: {  	[tilespmem:s12+$0x9C00] =	vst v4  }
0x37: {  	v4 =	vld.idx.msk [tilespmem:v5+s2+$0x0], $0xffff  }
0x38: {  	v5 =	vor.u32 $0x7, v2;
	[tilespmem:s12+$0xA010] =	vst v0  }
0x39: {  	v0 =	vld.idx.msk [tilespmem:v6+s2+$0x0], $0xffff  }
0x3a: {  	v6 =	vor.u32 $0x8, v3;
	_ =	sdelay $0x1  }
0x3b: {  	[tilespmem:s12+$0xA000] =	vst v4  }
0x3c: {  	v4 =	vld.idx.msk [tilespmem:v5+s2+$0x0], $0xffff  }
0x3d: {  	v5 =	vor.u32 $0x8, v2;
	[tilespmem:s12+$0xA410] =	vst v0  }
0x3e: {  	v0 =	vld.idx.msk [tilespmem:v6+s2+$0x0], $0xffff  }
0x3f: {  	v6 =	vor.u32 $0x9, v3;
	_ =	sdelay $0x1  }
0x40: {  	[tilespmem:s12+$0xA400] =	vst v4  }
0x41: {  	v4 =	vld.idx.msk [tilespmem:v5+s2+$0x0], $0xffff  }
0x42: {  	v5 =	vor.u32 $0x9, v2;
	[tilespmem:s12+$0xA810] =	vst v0  }
0x43: {  	v0 =	vld.idx.msk [tilespmem:v6+s2+$0x0], $0xffff  }
0x44: {  	v6 =	vor.u32 $0xA, v3;
	_ =	sdelay $0x1  }
0x45: {  	[tilespmem:s12+$0xA800] =	vst v4  }
0x46: {  	v4 =	vld.idx.msk [tilespmem:v5+s2+$0x0], $0xffff  }
0x47: {  	v5 =	vor.u32 $0xA, v2;
	[tilespmem:s12+$0xAC10] =	vst v0  }
0x48: {  	v0 =	vld.idx.msk [tilespmem:v6+s2+$0x0], $0xffff  }
0x49: {  	v6 =	vor.u32 $0xB, v3;
	_ =	sdelay $0x1  }
0x4a: {  	[tilespmem:s12+$0xAC00] =	vst v4  }
0x4b: {  	v4 =	vld.idx.msk [tilespmem:v5+s2+$0x0], $0xffff  }
0x4c: {  	v5 =	vor.u32 $0xB, v2;
	[tilespmem:s12+$0xB010] =	vst v0  }
0x4d: {  	v0 =	vld.idx.msk [tilespmem:v6+s2+$0x0], $0xffff  }
0x4e: {  	v6 =	vor.u32 $0xC, v3;
	_ =	sdelay $0x1  }
0x4f: {  	[tilespmem:s12+$0xB000] =	vst v4  }
0x50: {  	v4 =	vld.idx.msk [tilespmem:v5+s2+$0x0], $0xffff  }
0x51: {  	v5 =	vor.u32 $0xC, v2;
	[tilespmem:s12+$0xB410] =	vst v0  }
0x52: {  	v0 =	vld.idx.msk [tilespmem:v6+s2+$0x0], $0xffff  }
0x53: {  	v6 =	vor.u32 $0xD, v3;
	_ =	sdelay $0x1  }
0x54: {  	[tilespmem:s12+$0xB400] =	vst v4  }
0x55: {  	v4 =	vld.idx.msk [tilespmem:v5+s2+$0x0], $0xffff  }
0x56: {  	v5 =	vor.u32 $0xD, v2;
	[tilespmem:s12+$0xB810] =	vst v0  }
0x57: {  	v0 =	vld.idx.msk [tilespmem:v6+s2+$0x0], $0xffff  }
0x58: {  	v6 =	vor.u32 $0xE, v3;
	_ =	sdelay $0x1  }
0x59: {  	[tilespmem:s12+$0xB800] =	vst v4  }
0x5a: {  	v4 =	vld.idx.msk [tilespmem:v5+s2+$0x0], $0xffff  }
0x5b: {  	v5 =	vor.u32 $0xE, v2;
	[tilespmem:s12+$0xBC10] =	vst v0  }
0x5c: {  	v0 =	vld.idx.msk [tilespmem:v6+s2+$0x0], $0xffff  }
0x5d: {  	v6 =	vor.u32 $0xF, v3;
	_ =	sdelay $0x1  }
0x5e: {  	[tilespmem:s12+$0xBC00] =	vst v4  }
0x5f: {  	v4 =	vld.idx.msk [tilespmem:v5+s2+$0x0], $0xffff  }
0x60: {  	v5 =	vor.u32 $0xF, v2;
	[tilespmem:s12+$0xC010] =	vst v0  }
0x61: {  	v0 =	vld.idx.msk [tilespmem:v6+s2+$0x0], $0xffff  }
0x62: {  	v6 =	vor.u32 $0x10, v3;
	_ =	sdelay $0x1  }
0x63: {  	[tilespmem:s12+$0xC000] =	vst v4  }
0x64: {  	v4 =	vld.idx.msk [tilespmem:v5+s2+$0x0], $0xffff  }
0x65: {  	v5 =	vor.u32 $0x10, v2;
	[tilespmem:s12+$0xC410] =	vst v0  }
0x66: {  	v0 =	vld.idx.msk [tilespmem:v6+s2+$0x0], $0xffff  }
0x67: {  	v6 =	vor.u32 $0x11, v3;
	_ =	sdelay $0x1  }
0x68: {  	[tilespmem:s12+$0xC400] =	vst v4  }
0x69: {  	v4 =	vld.idx.msk [tilespmem:v5+s2+$0x0], $0xffff  }
0x6a: {  	v5 =	vor.u32 $0x11, v2;
	[tilespmem:s12+$0xC810] =	vst v0  }
0x6b: {  	s11 =	simm.s32 $0x20;
	v0 =	vld.idx.msk [tilespmem:v6+s2+$0x0], $0xffff  }
0x6c: {  	v7 =	vld [tilespmem:s11+$0x8010];
	v6 =	vor.u32 $0x12, v3;
	_ =	sdelay $0x1  }
0x6d: {  	[tilespmem:s12+$0xC800] =	vst v4  }
0x6e: {  	v5 =	vld.idx.msk [tilespmem:v5+s2+$0x0], $0xffff  }
0x6f: {  	v8 =	vor.u32 $0x12, v2;
	v4 =	vld [tilespmem:s11+$0x8000];
	[tilespmem:s12+$0xCC10] =	vst v0  }
0x70: {  	v7 =	vshll.u32 v7, $0x5;
	v6 =	vld.idx.msk [tilespmem:v6+s2+$0x0], $0xffff  }
0x71: {  	v9 =	vor.u32 $0x13, v3;
	_ =	sdelay $0x1  }
0x72: {  	[tilespmem:s12+$0xCC00] =	vst v5  }
0x73: {  	v0 =	vshll.u32 v4, $0x5;
	v4 =	vld.idx.msk [tilespmem:v8+s2+$0x0], $0xffff  }
0x74: {  	v10 =	vld.idx.msk [tilespmem:v7+s2+$0x0], $0xffff;
	v8 =	vor.u32 $0x13, v2;
	[tilespmem:s12+$0xD010] =	vst v6  }
0x75: {  	v6 =	vld.idx.msk [tilespmem:v9+s2+$0x0], $0xffff;
	v9 =	vor.u32 $0x1, v7  }
0x76: {  	v11 =	vor.u32 $0x14, v3;
	_ =	sdelay $0x1  }
0x77: {  	v12 =	vld.idx.msk [tilespmem:v0+s2+$0x0], $0xffff;
	[tilespmem:s12+$0xD000] =	vst v4  }
0x78: {  	[tilespmem:s11+$0x8810] =	vst v10;
	v13 =	vor.u32 $0x1, v0;
	v4 =	vld.idx.msk [tilespmem:v8+s2+$0x0], $0xffff  }
0x79: {  	v8 =	vor.u32 $0x14, v2;
	v9 =	vld.idx.msk [tilespmem:v9+s2+$0x0], $0xffff;
	[tilespmem:s12+$0xD410] =	vst v6  }
0x7a: {  	v10 =	vor.u32 $0x2, v7;
	v6 =	vld.idx.msk [tilespmem:v11+s2+$0x0], $0xffff  }
0x7b: {  	v11 =	vor.u32 $0x15, v3  }
0x7c: {  	[tilespmem:s11+$0x8800] =	vst v12  }
0x7d: {  	v12 =	vld.idx.msk [tilespmem:v13+s2+$0x0], $0xffff;
	[tilespmem:s12+$0xD400] =	vst v4  }
0x7e: {  	v13 =	vor.u32 $0x2, v0;
	v4 =	vld.idx.msk [tilespmem:v8+s2+$0x0], $0xffff;
	[tilespmem:s11+$0x8C10] =	vst v9  }
0x7f: {  	v8 =	vor.u32 $0x15, v2;
	v9 =	vld.idx.msk [tilespmem:v10+s2+$0x0], $0xffff;
	[tilespmem:s12+$0xD810] =	vst v6  }
0x80: {  	v10 =	vor.u32 $0x3, v7;
	v6 =	vld.idx.msk [tilespmem:v11+s2+$0x0], $0xffff  }
0x81: {  	v11 =	vor.u32 $0x16, v3  }
0x82: {  	[tilespmem:s11+$0x8C00] =	vst v12  }
0x83: {  	v12 =	vld.idx.msk [tilespmem:v13+s2+$0x0], $0xffff;
	[tilespmem:s12+$0xD800] =	vst v4  }
0x84: {  	v13 =	vor.u32 $0x3, v0;
	v4 =	vld.idx.msk [tilespmem:v8+s2+$0x0], $0xffff;
	[tilespmem:s11+$0x9010] =	vst v9  }
0x85: {  	v8 =	vor.u32 $0x16, v2;
	v9 =	vld.idx.msk [tilespmem:v10+s2+$0x0], $0xffff;
	[tilespmem:s12+$0xDC10] =	vst v6  }
0x86: {  	v10 =	vor.u32 $0x4, v7;
	v6 =	vld.idx.msk [tilespmem:v11+s2+$0x0], $0xffff  }
0x87: {  	v11 =	vor.u32 $0x17, v3  }
0x88: {  	[tilespmem:s11+$0x9000] =	vst v12  }
0x89: {  	v12 =	vld.idx.msk [tilespmem:v13+s2+$0x0], $0xffff;
	[tilespmem:s12+$0xDC00] =	vst v4  }
0x8a: {  	v13 =	vor.u32 $0x4, v0;
	v4 =	vld.idx.msk [tilespmem:v8+s2+$0x0], $0xffff;
	[tilespmem:s11+$0x9410] =	vst v9  }
0x8b: {  	v8 =	vor.u32 $0x17, v2;
	v9 =	vld.idx.msk [tilespmem:v10+s2+$0x0], $0xffff;
	[tilespmem:s12+$0xE010] =	vst v6  }
0x8c: {  	v10 =	vor.u32 $0x5, v7;
	v6 =	vld.idx.msk [tilespmem:v11+s2+$0x0], $0xffff  }
0x8d: {  	v11 =	vor.u32 $0x18, v3  }
0x8e: {  	[tilespmem:s11+$0x9400] =	vst v12  }
0x8f: {  	v12 =	vld.idx.msk [tilespmem:v13+s2+$0x0], $0xffff;
	[tilespmem:s12+$0xE000] =	vst v4  }
0x90: {  	v13 =	vor.u32 $0x5, v0;
	v4 =	vld.idx.msk [tilespmem:v8+s2+$0x0], $0xffff;
	[tilespmem:s11+$0x9810] =	vst v9  }
0x91: {  	v8 =	vor.u32 $0x18, v2;
	v9 =	vld.idx.msk [tilespmem:v10+s2+$0x0], $0xffff;
	[tilespmem:s12+$0xE410] =	vst v6  }
0x92: {  	v10 =	vor.u32 $0x6, v7;
	v6 =	vld.idx.msk [tilespmem:v11+s2+$0x0], $0xffff  }
0x93: {  	v11 =	vor.u32 $0x19, v3  }
0x94: {  	[tilespmem:s11+$0x9800] =	vst v12  }
0x95: {  	v12 =	vld.idx.msk [tilespmem:v13+s2+$0x0], $0xffff;
	[tilespmem:s12+$0xE400] =	vst v4  }
0x96: {  	v13 =	vor.u32 $0x6, v0;
	v4 =	vld.idx.msk [tilespmem:v8+s2+$0x0], $0xffff;
	[tilespmem:s11+$0x9C10] =	vst v9  }
0x97: {  	v8 =	vor.u32 $0x19, v2;
	v9 =	vld.idx.msk [tilespmem:v10+s2+$0x0], $0xffff;
	[tilespmem:s12+$0xE810] =	vst v6  }
0x98: {  	v10 =	vor.u32 $0x7, v7;
	v6 =	vld.idx.msk [tilespmem:v11+s2+$0x0], $0xffff  }
0x99: {  	v11 =	vor.u32 $0x1A, v3  }
0x9a: {  	[tilespmem:s11+$0x9C00] =	vst v12  }
0x9b: {  	v12 =	vld.idx.msk [tilespmem:v13+s2+$0x0], $0xffff;
	[tilespmem:s12+$0xE800] =	vst v4  }
0x9c: {  	v13 =	vor.u32 $0x7, v0;
	v4 =	vld.idx.msk [tilespmem:v8+s2+$0x0], $0xffff;
	[tilespmem:s11+$0xA010] =	vst v9  }
0x9d: {  	v8 =	vor.u32 $0x1A, v2;
	v9 =	vld.idx.msk [tilespmem:v10+s2+$0x0], $0xffff;
	[tilespmem:s12+$0xEC10] =	vst v6  }
0x9e: {  	v10 =	vor.u32 $0x8, v7;
	v6 =	vld.idx.msk [tilespmem:v11+s2+$0x0], $0xffff  }
0x9f: {  	v11 =	vor.u32 $0x1B, v3  }
0xa0: {  	[tilespmem:s11+$0xA000] =	vst v12  }
0xa1: {  	v12 =	vld.idx.msk [tilespmem:v13+s2+$0x0], $0xffff;
	[tilespmem:s12+$0xEC00] =	vst v4  }
0xa2: {  	v13 =	vor.u32 $0x8, v0;
	v4 =	vld.idx.msk [tilespmem:v8+s2+$0x0], $0xffff;
	[tilespmem:s11+$0xA410] =	vst v9  }
0xa3: {  	v8 =	vor.u32 $0x1B, v2;
	v9 =	vld.idx.msk [tilespmem:v10+s2+$0x0], $0xffff;
	[tilespmem:s12+$0xF010] =	vst v6  }
0xa4: {  	v10 =	vor.u32 $0x9, v7;
	v6 =	vld.idx.msk [tilespmem:v11+s2+$0x0], $0xffff  }
0xa5: {  	v11 =	vor.u32 $0x1C, v3  }
0xa6: {  	[tilespmem:s11+$0xA400] =	vst v12  }
0xa7: {  	v12 =	vld.idx.msk [tilespmem:v13+s2+$0x0], $0xffff;
	[tilespmem:s12+$0xF000] =	vst v4  }
0xa8: {  	v13 =	vor.u32 $0x9, v0;
	v4 =	vld.idx.msk [tilespmem:v8+s2+$0x0], $0xffff;
	[tilespmem:s11+$0xA810] =	vst v9  }
0xa9: {  	v8 =	vor.u32 $0x1C, v2;
	v9 =	vld.idx.msk [tilespmem:v10+s2+$0x0], $0xffff;
	[tilespmem:s12+$0xF410] =	vst v6  }
0xaa: {  	v10 =	vor.u32 $0xA, v7;
	v6 =	vld.idx.msk [tilespmem:v11+s2+$0x0], $0xffff  }
0xab: {  	v11 =	vor.u32 $0x1D, v3  }
0xac: {  	[tilespmem:s11+$0xA800] =	vst v12  }
0xad: {  	v12 =	vld.idx.msk [tilespmem:v13+s2+$0x0], $0xffff;
	[tilespmem:s12+$0xF400] =	vst v4  }
0xae: {  	v13 =	vor.u32 $0xA, v0;
	v4 =	vld.idx.msk [tilespmem:v8+s2+$0x0], $0xffff;
	[tilespmem:s11+$0xAC10] =	vst v9  }
0xaf: {  	v8 =	vor.u32 $0x1D, v2;
	v9 =	vld.idx.msk [tilespmem:v10+s2+$0x0], $0xffff;
	[tilespmem:s12+$0xF810] =	vst v6  }
0xb0: {  	v10 =	vor.u32 $0xB, v7;
	v6 =	vld.idx.msk [tilespmem:v11+s2+$0x0], $0xffff  }
0xb1: {  	v11 =	vor.u32 $0x1E, v3  }
0xb2: {  	[tilespmem:s11+$0xAC00] =	vst v12  }
0xb3: {  	v12 =	vld.idx.msk [tilespmem:v13+s2+$0x0], $0xffff;
	[tilespmem:s12+$0xF800] =	vst v4  }
0xb4: {  	v13 =	vor.u32 $0xB, v0;
	v4 =	vld.idx.msk [tilespmem:v8+s2+$0x0], $0xffff;
	[tilespmem:s11+$0xB010] =	vst v9  }
0xb5: {  	v8 =	vor.u32 $0x1E, v2;
	v9 =	vld.idx.msk [tilespmem:v10+s2+$0x0], $0xffff;
	[tilespmem:s12+$0xFC10] =	vst v6  }
0xb6: {  	v10 =	vor.u32 $0xC, v7;
	v6 =	vld.idx.msk [tilespmem:v11+s2+$0x0], $0xffff  }
0xb7: {  	v1 =	vld [tilespmem:s12+$0x8400];
	v3 =	vor.u32 $0x1F, v3  }
0xb8: {  	[tilespmem:s11+$0xB000] =	vst v12;
	v12 =	vld [tilespmem:s12+$0x8410]  }
0xb9: {  	[tilespmem:s12+$0xFC00] =	vst v4;
	v11 =	vld.idx.msk [tilespmem:v13+s2+$0x0], $0xffff  }
0xba: {  	v13 =	vor.u32 $0xC, v0;
	v4 =	vld.idx.msk [tilespmem:v8+s2+$0x0], $0xffff;
	[tilespmem:s11+$0xB410] =	vst v9  }
0xbb: {  	v2 =	vor.u32 $0x1F, v2;
	v8 =	vld.idx.msk [tilespmem:v10+s2+$0x0], $0xffff;
	[tilespmem:s12+$0x10010] =	vst v6  }
0xbc: {  	v9 =	vor.u32 $0xD, v7;
	v3 =	vld.idx.msk [tilespmem:v3+s2+$0x0], $0xffff  }
0xbd: {  	v6 =	vshll.u32 v12, $0x5  }
0xbe: {  	[tilespmem:s11+$0xB400] =	vst v11  }
0xbf: {  	[tilespmem:s12+$0x10000] =	vst v4;
	v10 =	vld.idx.msk [tilespmem:v13+s2+$0x0], $0xffff  }
0xc0: {  	v11 =	vor.u32 $0xD, v0;
	v2 =	vld.idx.msk [tilespmem:v2+s2+$0x0], $0xffff;
	[tilespmem:s11+$0xB810] =	vst v8  }
0xc1: {  	v1 =	vshll.u32 v1, $0x5;
	v4 =	vld.idx.msk [tilespmem:v9+s2+$0x0], $0xffff;
	[tilespmem:s12+$0x10410] =	vst v3  }
0xc2: {  	v8 =	vor.u32 $0xE, v7;
	v3 =	vld.idx.msk [tilespmem:v6+s2+$0x0], $0xffff  }
0xc3: {  	v9 =	vor.u32 $0x1, v6  }
0xc4: {  	[tilespmem:s11+$0xB800] =	vst v10  }
0xc5: {  	[tilespmem:s12+$0x10400] =	vst v2;
	v10 =	vld.idx.msk [tilespmem:v11+s2+$0x0], $0xffff  }
0xc6: {  	v11 =	vor.u32 $0xE, v0;
	v2 =	vld.idx.msk [tilespmem:v1+s2+$0x0], $0xffff;
	[tilespmem:s11+$0xBC10] =	vst v4  }
0xc7: {  	v4 =	vld.idx.msk [tilespmem:v8+s2+$0x0], $0xffff;
	[tilespmem:s12+$0x10810] =	vst v3  }
0xc8: {  	v8 =	vor.u32 $0xF, v7;
	v3 =	vld.idx.msk [tilespmem:v9+s2+$0x0], $0xffff  }
0xc9: {  	v9 =	vor.u32 $0x2, v6  }
0xca: {  	[tilespmem:s11+$0xBC00] =	vst v10  }
0xcb: {  	[tilespmem:s12+$0x10800] =	vst v2;
	v10 =	vld.idx.msk [tilespmem:v11+s2+$0x0], $0xffff;
	v11 =	vor.u32 $0x1, v1  }
0xcc: {  	[tilespmem:s11+$0xC010] =	vst v4  }
0xcd: {  	v2 =	vor.u32 $0xF, v0;
	v4 =	vld.idx.msk [tilespmem:v8+s2+$0x0], $0xffff;
	[tilespmem:s12+$0x10C10] =	vst v3  }
0xce: {  	v8 =	vor.u32 $0x10, v7;
	v3 =	vld.idx.msk [tilespmem:v9+s2+$0x0], $0xffff  }
0xcf: {  	v9 =	vor.u32 $0x3, v6  }
0xd0: {  	v11 =	vld.idx.msk [tilespmem:v11+s2+$0x0], $0xffff  }
0xd1: {  	v12 =	vor.u32 $0x2, v1;
	[tilespmem:s11+$0xC000] =	vst v10  }
0xd2: {  	v2 =	vld.idx.msk [tilespmem:v2+s2+$0x0], $0xffff;
	[tilespmem:s11+$0xC410] =	vst v4  }
0xd3: {  	v4 =	vor.u32 $0x10, v0;
	v8 =	vld.idx.msk [tilespmem:v8+s2+$0x0], $0xffff;
	[tilespmem:s12+$0x11010] =	vst v3  }
0xd4: {  	v3 =	vld.idx.msk [tilespmem:v9+s2+$0x0], $0xffff;
	v9 =	vor.u32 $0x11, v7  }
0xd5: {  	v10 =	vor.u32 $0x4, v6;
	[tilespmem:s12+$0x10C00] =	vst v11  }
0xd6: {  	v11 =	vld.idx.msk [tilespmem:v12+s2+$0x0], $0xffff  }
0xd7: {  	v12 =	vor.u32 $0x3, v1;
	[tilespmem:s11+$0xC400] =	vst v2  }
0xd8: {  	v2 =	vld.idx.msk [tilespmem:v4+s2+$0x0], $0xffff;
	[tilespmem:s11+$0xC810] =	vst v8  }
0xd9: {  	v4 =	vor.u32 $0x11, v0;
	v8 =	vld.idx.msk [tilespmem:v9+s2+$0x0], $0xffff;
	[tilespmem:s12+$0x11410] =	vst v3  }
0xda: {  	s13 =	simm.s32 $0x40;
	v3 =	vld.idx.msk [tilespmem:v10+s2+$0x0], $0xffff  }
0xdb: {  	[tilespmem:s12+$0x11000] =	vst v11;
	v9 =	vor.u32 $0x12, v7;
	v10 =	vld [tilespmem:s13+$0x8010]  }
0xdc: {  	v11 =	vld.idx.msk [tilespmem:v12+s2+$0x0], $0xffff;
	v12 =	vor.u32 $0x5, v6  }
0xdd: {  	v13 =	vld [tilespmem:s13+$0x8000];
	[tilespmem:s11+$0xC800] =	vst v2  }
0xde: {  	v14 =	vor.u32 $0x4, v1;
	v15 =	vld.idx.msk [tilespmem:v4+s2+$0x0], $0xffff  }
0xdf: {  	v5 =	vld [tilespmem:s11+$0x8400];
	v16 =	vor.u32 $0x12, v0;
	[tilespmem:s11+$0xCC10] =	vst v8  }
0xe0: {  	v8 =	vld.idx.msk [tilespmem:v9+s2+$0x0], $0xffff;
	[tilespmem:s12+$0x11810] =	vst v3;
	v4 =	vshll.u32 v10, $0x5  }
0xe1: {  	v10 =	vor.u32 $0x13, v7;
	v9 =	vld.idx.msk [tilespmem:v12+s2+$0x0], $0xffff  }
0xe2: {  	v2 =	vld [tilespmem:s13+$0x8400];
	[tilespmem:s12+$0x11400] =	vst v11;
	v11 =	vor.u32 $0x6, v6  }
0xe3: {  	v3 =	vshll.u32 v13, $0x5;
	v12 =	vld.idx.msk [tilespmem:v14+s2+$0x0], $0xffff;
	[tilespmem:s11+$0xCC00] =	vst v15  }
0xe4: {  	v13 =	vor.u32 $0x5, v1;
	v14 =	vld.idx.msk [tilespmem:v16+s2+$0x0], $0xffff  }
0xe5: {  	v15 =	vor.u32 $0x13, v0;
	v16 =	vld.idx.msk [tilespmem:v4+s2+$0x0], $0xffff;
	[tilespmem:s11+$0xD010] =	vst v8  }
0xe6: {  	v8 =	vld.idx.msk [tilespmem:v10+s2+$0x0], $0xffff;
	[tilespmem:s12+$0x11C10] =	vst v9;
	v9 =	vor.u32 $0x1, v4  }
0xe7: {  	v10 =	vld.idx.msk [tilespmem:v11+s2+$0x0], $0xffff;
	v11 =	vor.u32 $0x14, v7  }
0xe8: {  	v17 =	vor.u32 $0x7, v6;
	[tilespmem:s12+$0x11800] =	vst v12;
	v12 =	vld.idx.msk [tilespmem:v3+s2+$0x0], $0xffff  }
0xe9: {  	v18 =	vor.u32 $0x1, v3;
	v13 =	vld.idx.msk [tilespmem:v13+s2+$0x0], $0xffff;
	[tilespmem:s11+$0xD000] =	vst v14  }
0xea: {  	v14 =	vor.u32 $0x6, v1;
	[tilespmem:s13+$0x8810] =	vst v16;
	v15 =	vld.idx.msk [tilespmem:v15+s2+$0x0], $0xffff  }
0xeb: {  	v16 =	vor.u32 $0x14, v0;
	v9 =	vld.idx.msk [tilespmem:v9+s2+$0x0], $0xffff;
	[tilespmem:s11+$0xD410] =	vst v8  }
0xec: {  	v8 =	vld.idx.msk [tilespmem:v11+s2+$0x0], $0xffff;
	[tilespmem:s12+$0x12010] =	vst v10;
	v10 =	vor.u32 $0x2, v4  }
0xed: {  	[tilespmem:s13+$0x8800] =	vst v12;
	v12 =	vor.u32 $0x15, v7;
	v11 =	vld.idx.msk [tilespmem:v17+s2+$0x0], $0xffff  }
0xee: {  	[tilespmem:s12+$0x11C00] =	vst v13;
	v13 =	vor.u32 $0x8, v6;
	v17 =	vld.idx.msk [tilespmem:v18+s2+$0x0], $0xffff  }
0xef: {  	v18 =	vor.u32 $0x2, v3;
	v14 =	vld.idx.msk [tilespmem:v14+s2+$0x0], $0xffff;
	[tilespmem:s11+$0xD400] =	vst v15  }
0xf0: {  	v15 =	vor.u32 $0x7, v1;
	[tilespmem:s13+$0x8C10] =	vst v9;
	v9 =	vld.idx.msk [tilespmem:v16+s2+$0x0], $0xffff  }
0xf1: {  	v16 =	vor.u32 $0x15, v0;
	v10 =	vld.idx.msk [tilespmem:v10+s2+$0x0], $0xffff;
	[tilespmem:s11+$0xD810] =	vst v8  }
0xf2: {  	v8 =	vld.idx.msk [tilespmem:v12+s2+$0x0], $0xffff;
	[tilespmem:s12+$0x12410] =	vst v11;
	v11 =	vor.u32 $0x3, v4  }
0xf3: {  	[tilespmem:s13+$0x8C00] =	vst v17;
	v12 =	vld.idx.msk [tilespmem:v13+s2+$0x0], $0xffff;
	v13 =	vor.u32 $0x16, v7  }
0xf4: {  	v17 =	vld.idx.msk [tilespmem:v18+s2+$0x0], $0xffff;
	[tilespmem:s12+$0x12000] =	vst v14;
	v14 =	vor.u32 $0x9, v6  }
0xf5: {  	v18 =	vor.u32 $0x3, v3;
	[tilespmem:s11+$0xD800] =	vst v9;
	v9 =	vld.idx.msk [tilespmem:v15+s2+$0x0], $0xffff  }
0xf6: {  	v15 =	vor.u32 $0x8, v1;
	[tilespmem:s13+$0x9010] =	vst v10;
	v10 =	vld.idx.msk [tilespmem:v16+s2+$0x0], $0xffff  }
0xf7: {  	v16 =	vor.u32 $0x16, v0;
	v11 =	vld.idx.msk [tilespmem:v11+s2+$0x0], $0xffff;
	[tilespmem:s11+$0xDC10] =	vst v8  }
0xf8: {  	v8 =	vld.idx.msk [tilespmem:v13+s2+$0x0], $0xffff;
	[tilespmem:s12+$0x12810] =	vst v12;
	v12 =	vor.u32 $0x4, v4  }
0xf9: {  	[tilespmem:s13+$0x9000] =	vst v17;
	v13 =	vld.idx.msk [tilespmem:v14+s2+$0x0], $0xffff;
	v14 =	vor.u32 $0x17, v7  }
0xfa: {  	v17 =	vld.idx.msk [tilespmem:v18+s2+$0x0], $0xffff;
	[tilespmem:s12+$0x12400] =	vst v9;
	v9 =	vor.u32 $0xA, v6  }
0xfb: {  	v18 =	vor.u32 $0x4, v3;
	[tilespmem:s11+$0xDC00] =	vst v10;
	v10 =	vld.idx.msk [tilespmem:v15+s2+$0x0], $0xffff  }
0xfc: {  	v15 =	vor.u32 $0x9, v1;
	[tilespmem:s13+$0x9410] =	vst v11;
	v11 =	vld.idx.msk [tilespmem:v16+s2+$0x0], $0xffff  }
0xfd: {  	v16 =	vor.u32 $0x17, v0;
	v12 =	vld.idx.msk [tilespmem:v12+s2+$0x0], $0xffff;
	[tilespmem:s11+$0xE010] =	vst v8  }
0xfe: {  	v8 =	vld.idx.msk [tilespmem:v14+s2+$0x0], $0xffff;
	[tilespmem:s12+$0x12C10] =	vst v13;
	v13 =	vor.u32 $0x5, v4  }
0xff: {  	[tilespmem:s13+$0x9400] =	vst v17;
	v14 =	vor.u32 $0x18, v7;
	v9 =	vld.idx.msk [tilespmem:v9+s2+$0x0], $0xffff  }
0x100: {  	v17 =	vld.idx.msk [tilespmem:v18+s2+$0x0], $0xffff;
	[tilespmem:s12+$0x12800] =	vst v10;
	v10 =	vor.u32 $0xB, v6  }
0x101: {  	v18 =	vor.u32 $0x5, v3;
	[tilespmem:s11+$0xE000] =	vst v11;
	v11 =	vld.idx.msk [tilespmem:v15+s2+$0x0], $0xffff  }
0x102: {  	v15 =	vor.u32 $0xA, v1;
	[tilespmem:s13+$0x9810] =	vst v12;
	v12 =	vld.idx.msk [tilespmem:v16+s2+$0x0], $0xffff  }
0x103: {  	v16 =	vor.u32 $0x18, v0;
	v13 =	vld.idx.msk [tilespmem:v13+s2+$0x0], $0xffff;
	[tilespmem:s11+$0xE410] =	vst v8  }
0x104: {  	v8 =	vld.idx.msk [tilespmem:v14+s2+$0x0], $0xffff;
	[tilespmem:s12+$0x13010] =	vst v9;
	v9 =	vor.u32 $0x6, v4  }
0x105: {  	[tilespmem:s13+$0x9800] =	vst v17;
	v14 =	vor.u32 $0x19, v7;
	v10 =	vld.idx.msk [tilespmem:v10+s2+$0x0], $0xffff  }
0x106: {  	v17 =	vld.idx.msk [tilespmem:v18+s2+$0x0], $0xffff;
	[tilespmem:s12+$0x12C00] =	vst v11;
	v11 =	vor.u32 $0xC, v6  }
0x107: {  	v18 =	vor.u32 $0x6, v3;
	[tilespmem:s11+$0xE400] =	vst v12;
	v12 =	vld.idx.msk [tilespmem:v15+s2+$0x0], $0xffff  }
0x108: {  	v15 =	vor.u32 $0xB, v1;
	[tilespmem:s13+$0x9C10] =	vst v13;
	v13 =	vld.idx.msk [tilespmem:v16+s2+$0x0], $0xffff  }
0x109: {  	v16 =	vor.u32 $0x19, v0;
	v9 =	vld.idx.msk [tilespmem:v9+s2+$0x0], $0xffff;
	[tilespmem:s11+$0xE810] =	vst v8  }
0x10a: {  	v8 =	vld.idx.msk [tilespmem:v14+s2+$0x0], $0xffff;
	[tilespmem:s12+$0x13410] =	vst v10;
	v10 =	vor.u32 $0x7, v4  }
0x10b: {  	[tilespmem:s13+$0x9C00] =	vst v17;
	v14 =	vor.u32 $0x1A, v7;
	v11 =	vld.idx.msk [tilespmem:v11+s2+$0x0], $0xffff  }
0x10c: {  	v17 =	vld.idx.msk [tilespmem:v18+s2+$0x0], $0xffff;
	[tilespmem:s12+$0x13000] =	vst v12;
	v12 =	vor.u32 $0xD, v6  }
0x10d: {  	v18 =	vor.u32 $0x7, v3;
	[tilespmem:s11+$0xE800] =	vst v13;
	v13 =	vld.idx.msk [tilespmem:v15+s2+$0x0], $0xffff  }
0x10e: {  	v15 =	vor.u32 $0xC, v1;
	[tilespmem:s13+$0xA010] =	vst v9;
	v9 =	vld.idx.msk [tilespmem:v16+s2+$0x0], $0xffff  }
0x10f: {  	v16 =	vor.u32 $0x1A, v0;
	v10 =	vld.idx.msk [tilespmem:v10+s2+$0x0], $0xffff;
	[tilespmem:s11+$0xEC10] =	vst v8  }
0x110: {  	v8 =	vld.idx.msk [tilespmem:v14+s2+$0x0], $0xffff;
	[tilespmem:s12+$0x13810] =	vst v11;
	v11 =	vor.u32 $0x8, v4  }
0x111: {  	[tilespmem:s13+$0xA000] =	vst v17;
	v14 =	vor.u32 $0x1B, v7;
	v12 =	vld.idx.msk [tilespmem:v12+s2+$0x0], $0xffff  }
0x112: {  	v17 =	vld.idx.msk [tilespmem:v18+s2+$0x0], $0xffff;
	[tilespmem:s12+$0x13400] =	vst v13;
	v13 =	vor.u32 $0xE, v6  }
0x113: {  	v18 =	vor.u32 $0x8, v3;
	[tilespmem:s11+$0xEC00] =	vst v9;
	v9 =	vld.idx.msk [tilespmem:v15+s2+$0x0], $0xffff  }
0x114: {  	v15 =	vor.u32 $0xD, v1;
	[tilespmem:s13+$0xA410] =	vst v10;
	v10 =	vld.idx.msk [tilespmem:v16+s2+$0x0], $0xffff  }
0x115: {  	v16 =	vor.u32 $0x1B, v0;
	v11 =	vld.idx.msk [tilespmem:v11+s2+$0x0], $0xffff;
	[tilespmem:s11+$0xF010] =	vst v8  }
0x116: {  	v8 =	vld.idx.msk [tilespmem:v14+s2+$0x0], $0xffff;
	[tilespmem:s12+$0x13C10] =	vst v12;
	v12 =	vor.u32 $0x9, v4  }
0x117: {  	[tilespmem:s13+$0xA400] =	vst v17;
	v14 =	vor.u32 $0x1C, v7;
	v13 =	vld.idx.msk [tilespmem:v13+s2+$0x0], $0xffff  }
0x118: {  	v17 =	vld.idx.msk [tilespmem:v18+s2+$0x0], $0xffff;
	[tilespmem:s12+$0x13800] =	vst v9;
	v9 =	vor.u32 $0xF, v6  }
0x119: {  	v18 =	vor.u32 $0x9, v3;
	[tilespmem:s11+$0xF000] =	vst v10;
	v10 =	vld.idx.msk [tilespmem:v15+s2+$0x0], $0xffff  }
0x11a: {  	v15 =	vor.u32 $0xE, v1;
	[tilespmem:s13+$0xA810] =	vst v11;
	v11 =	vld.idx.msk [tilespmem:v16+s2+$0x0], $0xffff  }
0x11b: {  	v16 =	vor.u32 $0x1C, v0;
	v12 =	vld.idx.msk [tilespmem:v12+s2+$0x0], $0xffff;
	[tilespmem:s11+$0xF410] =	vst v8  }
0x11c: {  	v8 =	vld.idx.msk [tilespmem:v14+s2+$0x0], $0xffff;
	[tilespmem:s12+$0x14010] =	vst v13;
	v13 =	vor.u32 $0xA, v4  }
0x11d: {  	[tilespmem:s13+$0xA800] =	vst v17;
	v14 =	vor.u32 $0x1D, v7;
	v9 =	vld.idx.msk [tilespmem:v9+s2+$0x0], $0xffff  }
0x11e: {  	v17 =	vld.idx.msk [tilespmem:v18+s2+$0x0], $0xffff;
	[tilespmem:s12+$0x13C00] =	vst v10;
	v10 =	vor.u32 $0x10, v6  }
0x11f: {  	v18 =	vor.u32 $0xA, v3;
	[tilespmem:s11+$0xF400] =	vst v11;
	v11 =	vld.idx.msk [tilespmem:v15+s2+$0x0], $0xffff  }
0x120: {  	v15 =	vor.u32 $0xF, v1;
	[tilespmem:s13+$0xAC10] =	vst v12;
	v12 =	vld.idx.msk [tilespmem:v16+s2+$0x0], $0xffff  }
0x121: {  	v16 =	vor.u32 $0x1D, v0;
	v13 =	vld.idx.msk [tilespmem:v13+s2+$0x0], $0xffff;
	[tilespmem:s11+$0xF810] =	vst v8  }
0x122: {  	v8 =	vld.idx.msk [tilespmem:v14+s2+$0x0], $0xffff;
	[tilespmem:s12+$0x14410] =	vst v9;
	v9 =	vor.u32 $0xB, v4  }
0x123: {  	[tilespmem:s13+$0xAC00] =	vst v17;
	v14 =	vor.u32 $0x1E, v7;
	v10 =	vld.idx.msk [tilespmem:v10+s2+$0x0], $0xffff  }
0x124: {  	v17 =	vld.idx.msk [tilespmem:v18+s2+$0x0], $0xffff;
	[tilespmem:s12+$0x14000] =	vst v11;
	v11 =	vor.u32 $0x11, v6  }
0x125: {  	[tilespmem:s11+$0xF800] =	vst v12;
	v12 =	vld.idx.msk [tilespmem:v15+s2+$0x0], $0xffff  }
0x126: {  	v15 =	vor.u32 $0xB, v3;
	[tilespmem:s13+$0xB010] =	vst v13;
	v13 =	vld.idx.msk [tilespmem:v16+s2+$0x0], $0xffff  }
0x127: {  	v16 =	vor.u32 $0x1E, v0;
	v9 =	vld.idx.msk [tilespmem:v9+s2+$0x0], $0xffff;
	[tilespmem:s11+$0xFC10] =	vst v8  }
0x128: {  	v8 =	vld.idx.msk [tilespmem:v14+s2+$0x0], $0xffff;
	[tilespmem:s12+$0x14810] =	vst v10;
	v10 =	vor.u32 $0xC, v4  }
0x129: {  	v7 =	vor.u32 $0x1F, v7;
	v11 =	vld.idx.msk [tilespmem:v11+s2+$0x0], $0xffff  }
0x12a: {  	[tilespmem:s13+$0xB000] =	vst v17;
	v14 =	vor.u32 $0x12, v6;
	v17 =	vld [tilespmem:s11+$0x8410]  }
0x12b: {  	v18 =	vor.u32 $0x10, v1;
	v15 =	vld.idx.msk [tilespmem:v15+s2+$0x0], $0xffff;
	[tilespmem:s11+$0xFC00] =	vst v13  }
0x12c: {  	v13 =	vor.u32 $0xC, v3;
	[tilespmem:s13+$0xB410] =	vst v9;
	v9 =	vld.idx.msk [tilespmem:v16+s2+$0x0], $0xffff  }
0x12d: {  	v16 =	vor.u32 $0x1F, v0;
	v10 =	vld.idx.msk [tilespmem:v10+s2+$0x0], $0xffff;
	[tilespmem:s11+$0x10010] =	vst v8  }
0x12e: {  	v8 =	vld.idx.msk [tilespmem:v7+s2+$0x0], $0xffff;
	[tilespmem:s12+$0x14C10] =	vst v11;
	v11 =	vor.u32 $0xD, v4  }
0x12f: {  	[tilespmem:s12+$0x14400] =	vst v12;
	v0 =	vshll.u32 v17, $0x5;
	v12 =	vld.idx.msk [tilespmem:v14+s2+$0x0], $0xffff  }
0x130: {  	[tilespmem:s13+$0xB400] =	vst v15;
	v14 =	vld.idx.msk [tilespmem:v18+s2+$0x0], $0xffff;
	v15 =	vor.u32 $0x13, v6  }
0x131: {  	v17 =	vor.u32 $0x11, v1;
	v13 =	vld.idx.msk [tilespmem:v13+s2+$0x0], $0xffff;
	[tilespmem:s11+$0x10000] =	vst v9  }
0x132: {  	v9 =	vor.u32 $0xD, v3;
	[tilespmem:s13+$0xB810] =	vst v10;
	v10 =	vld.idx.msk [tilespmem:v16+s2+$0x0], $0xffff  }
0x133: {  	v7 =	vshll.u32 v5, $0x5;
	v5 =	vld.idx.msk [tilespmem:v11+s2+$0x0], $0xffff;
	[tilespmem:s11+$0x10410] =	vst v8  }
0x134: {  	v11 =	vor.u32 $0xE, v4;
	v8 =	vld.idx.msk [tilespmem:v0+s2+$0x0], $0xffff;
	[tilespmem:s12+$0x15010] =	vst v12  }
0x135: {  	[tilespmem:s12+$0x14800] =	vst v14;
	v14 =	vor.u32 $0x1, v0;
	v12 =	vld.idx.msk [tilespmem:v15+s2+$0x0], $0xffff  }
0x136: {  	[tilespmem:s13+$0xB800] =	vst v13;
	v13 =	vld.idx.msk [tilespmem:v17+s2+$0x0], $0xffff;
	v15 =	vor.u32 $0x14, v6  }
0x137: {  	v16 =	vor.u32 $0x12, v1;
	v9 =	vld.idx.msk [tilespmem:v9+s2+$0x0], $0xffff;
	[tilespmem:s11+$0x10400] =	vst v10  }
0x138: {  	v10 =	vor.u32 $0xE, v3;
	[tilespmem:s13+$0xBC10] =	vst v5;
	v5 =	vld.idx.msk [tilespmem:v7+s2+$0x0], $0xffff  }
0x139: {  	v17 =	vor.u32 $0x1, v7;
	v11 =	vld.idx.msk [tilespmem:v11+s2+$0x0], $0xffff;
	[tilespmem:s11+$0x10810] =	vst v8  }
0x13a: {  	v8 =	vld.idx.msk [tilespmem:v14+s2+$0x0], $0xffff;
	[tilespmem:s12+$0x15410] =	vst v12;
	v12 =	vor.u32 $0xF, v4  }
0x13b: {  	[tilespmem:s12+$0x14C00] =	vst v13;
	v14 =	vor.u32 $0x2, v0;
	v13 =	vld.idx.msk [tilespmem:v15+s2+$0x0], $0xffff  }
0x13c: {  	[tilespmem:s13+$0xBC00] =	vst v9;
	v9 =	vld.idx.msk [tilespmem:v16+s2+$0x0], $0xffff;
	v15 =	vor.u32 $0x15, v6  }
0x13d: {  	v16 =	vor.u32 $0x13, v1;
	v10 =	vld.idx.msk [tilespmem:v10+s2+$0x0], $0xffff;
	[tilespmem:s11+$0x10800] =	vst v5  }
0x13e: {  	v5 =	vor.u32 $0xF, v3;
	[tilespmem:s13+$0xC010] =	vst v11;
	v11 =	vld.idx.msk [tilespmem:v17+s2+$0x0], $0xffff  }
0x13f: {  	v17 =	vor.u32 $0x2, v7;
	v12 =	vld.idx.msk [tilespmem:v12+s2+$0x0], $0xffff;
	[tilespmem:s11+$0x10C10] =	vst v8  }
0x140: {  	v8 =	vld.idx.msk [tilespmem:v14+s2+$0x0], $0xffff;
	[tilespmem:s12+$0x15810] =	vst v13;
	v13 =	vor.u32 $0x10, v4  }
0x141: {  	[tilespmem:s12+$0x15000] =	vst v9;
	v14 =	vor.u32 $0x3, v0;
	v9 =	vld.idx.msk [tilespmem:v15+s2+$0x0], $0xffff  }
0x142: {  	[tilespmem:s13+$0xC000] =	vst v10;
	v10 =	vld.idx.msk [tilespmem:v16+s2+$0x0], $0xffff;
	v15 =	vor.u32 $0x16, v6  }
0x143: {  	v16 =	vor.u32 $0x14, v1;
	v5 =	vld.idx.msk [tilespmem:v5+s2+$0x0], $0xffff;
	[tilespmem:s11+$0x10C00] =	vst v11  }
0x144: {  	v11 =	vor.u32 $0x10, v3;
	[tilespmem:s13+$0xC410] =	vst v12;
	v12 =	vld.idx.msk [tilespmem:v17+s2+$0x0], $0xffff  }
0x145: {  	v17 =	vor.u32 $0x3, v7;
	v13 =	vld.idx.msk [tilespmem:v13+s2+$0x0], $0xffff;
	[tilespmem:s11+$0x11010] =	vst v8  }
0x146: {  	v8 =	vld.idx.msk [tilespmem:v14+s2+$0x0], $0xffff;
	[tilespmem:s12+$0x15C10] =	vst v9;
	v9 =	vor.u32 $0x11, v4  }
0x147: {  	[tilespmem:s12+$0x15400] =	vst v10;
	v14 =	vor.u32 $0x4, v0;
	v10 =	vld.idx.msk [tilespmem:v15+s2+$0x0], $0xffff  }
0x148: {  	[tilespmem:s13+$0xC400] =	vst v5;
	v15 =	vld.idx.msk [tilespmem:v16+s2+$0x0], $0xffff;
	v5 =	vor.u32 $0x17, v6  }
0x149: {  	v11 =	vld.idx.msk [tilespmem:v11+s2+$0x0], $0xffff;
	[tilespmem:s11+$0x11000] =	vst v12  }
0x14a: {  	[tilespmem:s13+$0xC810] =	vst v13;
	v12 =	vld.idx.msk [tilespmem:v17+s2+$0x0], $0xffff  }
0x14b: {  	v16 =	vld.idx.msk [tilespmem:v9+s2+$0x0], $0xffff;
	[tilespmem:s11+$0x11410] =	vst v8  }
0x14c: {  	v13 =	vor.u32 $0x11, v3;
	v8 =	vld.idx.msk [tilespmem:v14+s2+$0x0], $0xffff;
	[tilespmem:s12+$0x16010] =	vst v10  }
0x14d: {  	s14 =	simm.s32 $0x60;
	v19 =	vor.u32 $0x4, v7;
	v14 =	vld.idx.msk [tilespmem:v5+s2+$0x0], $0xffff  }
0x14e: {  	v10 =	vor.u32 $0x12, v4;
	v5 =	vld [tilespmem:s14+$0x8010]  }
0x14f: {  	v20 =	vor.u32 $0x15, v1;
	v9 =	vld [tilespmem:s14+$0x8400];
	[tilespmem:s12+$0x15800] =	vst v15  }
0x150: {  	v17 =	vor.u32 $0x5, v0;
	[tilespmem:s13+$0xC800] =	vst v11;
	v11 =	vld [tilespmem:s14+$0x8000]  }
0x151: {  	v18 =	vor.u32 $0x18, v6;
	v13 =	vld.idx.msk [tilespmem:v13+s2+$0x0], $0xffff;
	[tilespmem:s11+$0x11400] =	vst v12  }
0x152: {  	[tilespmem:s13+$0xCC10] =	vst v16;
	v16 =	vor.u32 $0x12, v3;
	v15 =	vld.idx.msk [tilespmem:v19+s2+$0x0], $0xffff  }
0x153: {  	v21 =	vld.idx.msk [tilespmem:v10+s2+$0x0], $0xffff;
	v5 =	vshll.u32 v5, $0x5  }
0x154: {  	v12 =	vor.u32 $0x13, v4;
	[tilespmem:s11+$0x11810] =	vst v8;
	v10 =	vld.idx.msk [tilespmem:v20+s2+$0x0], $0xffff  }
0x155: {  	v17 =	vld.idx.msk [tilespmem:v17+s2+$0x0], $0xffff;
	[tilespmem:s12+$0x16410] =	vst v14;
	v8 =	vshll.u32 v11, $0x5  }
0x156: {  	v14 =	vld.idx.msk [tilespmem:v18+s2+$0x0], $0xffff;
	v18 =	vor.u32 $0x6, v0;
	[tilespmem:s13+$0xCC00] =	vst v13  }
0x157: {  	v13 =	vor.u32 $0x19, v6;
	v11 =	vld.idx.msk [tilespmem:v16+s2+$0x0], $0xffff  }
0x158: {  	v16 =	vor.u32 $0x5, v7;
	[tilespmem:s13+$0xD010] =	vst v21;
	v19 =	vld.idx.msk [tilespmem:v5+s2+$0x0], $0xffff  }
0x159: {  	v20 =	vor.u32 $0x13, v3;
	[tilespmem:s11+$0x11800] =	vst v15;
	v12 =	vld.idx.msk [tilespmem:v12+s2+$0x0], $0xffff  }
0x15a: {  	[tilespmem:s11+$0x11C10] =	vst v17;
	v17 =	vor.u32 $0x1, v5;
	v15 =	vld.idx.msk [tilespmem:v8+s2+$0x0], $0xffff  }
0x15b: {  	v18 =	vld.idx.msk [tilespmem:v18+s2+$0x0], $0xffff;
	[tilespmem:s12+$0x16810] =	vst v14;
	v14 =	vor.u32 $0x14, v4  }
0x15c: {  	v21 =	vor.u32 $0x7, v0;
	[tilespmem:s12+$0x15C00] =	vst v10;
	v13 =	vld.idx.msk [tilespmem:v13+s2+$0x0], $0xffff  }
0x15d: {  	[tilespmem:s13+$0xD000] =	vst v11;
	v11 =	vld.idx.msk [tilespmem:v16+s2+$0x0], $0xffff;
	v16 =	vor.u32 $0x1A, v6  }
0x15e: {  	v22 =	vor.u32 $0x1, v8;
	[tilespmem:s14+$0x8810] =	vst v19;
	v19 =	vld.idx.msk [tilespmem:v20+s2+$0x0], $0xffff  }
0x15f: {  	v20 =	vor.u32 $0x6, v7;
	[tilespmem:s13+$0xD410] =	vst v12;
	v17 =	vld.idx.msk [tilespmem:v17+s2+$0x0], $0xffff  }
0x160: {  	v12 =	vor.u32 $0x14, v3;
	v14 =	vld.idx.msk [tilespmem:v14+s2+$0x0], $0xffff;
	[tilespmem:s11+$0x12010] =	vst v18  }
0x161: {  	v18 =	vor.u32 $0x2, v5;
	v21 =	vld.idx.msk [tilespmem:v21+s2+$0x0], $0xffff;
	[tilespmem:s12+$0x16C10] =	vst v13  }
0x162: {  	[tilespmem:s14+$0x8800] =	vst v15;
	v13 =	vor.u32 $0x15, v4;
	v15 =	vld.idx.msk [tilespmem:v16+s2+$0x0], $0xffff  }
0x163: {  	v16 =	vld.idx.msk [tilespmem:v22+s2+$0x0], $0xffff;
	[tilespmem:s11+$0x11C00] =	vst v11;
	v11 =	vor.u32 $0x8, v0  }
0x164: {  	[tilespmem:s13+$0xD400] =	vst v19;
	v19 =	vld.idx.msk [tilespmem:v20+s2+$0x0], $0xffff;
	v20 =	vor.u32 $0x1B, v6  }
0x165: {  	v22 =	vor.u32 $0x2, v8;
	[tilespmem:s14+$0x8C10] =	vst v17;
	v12 =	vld.idx.msk [tilespmem:v12+s2+$0x0], $0xffff  }
0x166: {  	v17 =	vor.u32 $0x7, v7;
	[tilespmem:s13+$0xD810] =	vst v14;
	v18 =	vld.idx.msk [tilespmem:v18+s2+$0x0], $0xffff  }
0x167: {  	v14 =	vor.u32 $0x15, v3;
	v13 =	vld.idx.msk [tilespmem:v13+s2+$0x0], $0xffff;
	[tilespmem:s11+$0x12410] =	vst v21  }
0x168: {  	v21 =	vor.u32 $0x3, v5;
	v11 =	vld.idx.msk [tilespmem:v11+s2+$0x0], $0xffff;
	[tilespmem:s12+$0x17010] =	vst v15  }
0x169: {  	[tilespmem:s14+$0x8C00] =	vst v16;
	v15 =	vor.u32 $0x16, v4;
	v16 =	vld.idx.msk [tilespmem:v20+s2+$0x0], $0xffff  }
0x16a: {  	v20 =	vld.idx.msk [tilespmem:v22+s2+$0x0], $0xffff;
	[tilespmem:s11+$0x12000] =	vst v19;
	v19 =	vor.u32 $0x9, v0  }
0x16b: {  	[tilespmem:s13+$0xD800] =	vst v12;
	v12 =	vld.idx.msk [tilespmem:v17+s2+$0x0], $0xffff;
	v17 =	vor.u32 $0x1C, v6  }
0x16c: {  	v22 =	vor.u32 $0x3, v8;
	[tilespmem:s14+$0x9010] =	vst v18;
	v14 =	vld.idx.msk [tilespmem:v14+s2+$0x0], $0xffff  }
0x16d: {  	v18 =	vor.u32 $0x8, v7;
	[tilespmem:s13+$0xDC10] =	vst v13;
	v21 =	vld.idx.msk [tilespmem:v21+s2+$0x0], $0xffff  }
0x16e: {  	v13 =	vor.u32 $0x16, v3;
	v15 =	vld.idx.msk [tilespmem:v15+s2+$0x0], $0xffff;
	[tilespmem:s11+$0x12810] =	vst v11  }
0x16f: {  	v11 =	vor.u32 $0x4, v5;
	v19 =	vld.idx.msk [tilespmem:v19+s2+$0x0], $0xffff;
	[tilespmem:s12+$0x17410] =	vst v16  }
0x170: {  	[tilespmem:s14+$0x9000] =	vst v20;
	v16 =	vor.u32 $0x17, v4;
	v17 =	vld.idx.msk [tilespmem:v17+s2+$0x0], $0xffff  }
0x171: {  	v20 =	vld.idx.msk [tilespmem:v22+s2+$0x0], $0xffff;
	[tilespmem:s11+$0x12400] =	vst v12;
	v12 =	vor.u32 $0xA, v0  }
0x172: {  	[tilespmem:s13+$0xDC00] =	vst v14;
	v14 =	vld.idx.msk [tilespmem:v18+s2+$0x0], $0xffff;
	v18 =	vor.u32 $0x1D, v6  }
0x173: {  	v22 =	vor.u32 $0x4, v8;
	[tilespmem:s14+$0x9410] =	vst v21;
	v13 =	vld.idx.msk [tilespmem:v13+s2+$0x0], $0xffff  }
0x174: {  	v21 =	vor.u32 $0x9, v7;
	[tilespmem:s13+$0xE010] =	vst v15;
	v11 =	vld.idx.msk [tilespmem:v11+s2+$0x0], $0xffff  }
0x175: {  	v15 =	vor.u32 $0x17, v3;
	v16 =	vld.idx.msk [tilespmem:v16+s2+$0x0], $0xffff;
	[tilespmem:s11+$0x12C10] =	vst v19  }
0x176: {  	v19 =	vor.u32 $0x5, v5;
	v12 =	vld.idx.msk [tilespmem:v12+s2+$0x0], $0xffff;
	[tilespmem:s12+$0x17810] =	vst v17  }
0x177: {  	[tilespmem:s14+$0x9400] =	vst v20;
	v17 =	vor.u32 $0x18, v4;
	v18 =	vld.idx.msk [tilespmem:v18+s2+$0x0], $0xffff  }
0x178: {  	v20 =	vld.idx.msk [tilespmem:v22+s2+$0x0], $0xffff;
	[tilespmem:s11+$0x12800] =	vst v14;
	v14 =	vor.u32 $0xB, v0  }
0x179: {  	[tilespmem:s13+$0xE000] =	vst v13;
	v13 =	vld.idx.msk [tilespmem:v21+s2+$0x0], $0xffff;
	v21 =	vor.u32 $0x1E, v6  }
0x17a: {  	v22 =	vor.u32 $0x5, v8;
	[tilespmem:s14+$0x9810] =	vst v11;
	v11 =	vld.idx.msk [tilespmem:v15+s2+$0x0], $0xffff  }
0x17b: {  	v15 =	vor.u32 $0xA, v7;
	v19 =	vld.idx.msk [tilespmem:v19+s2+$0x0], $0xffff;
	[tilespmem:s13+$0xE410] =	vst v16  }
0x17c: {  	v16 =	vor.u32 $0x18, v3;
	v17 =	vld.idx.msk [tilespmem:v17+s2+$0x0], $0xffff;
	[tilespmem:s11+$0x13010] =	vst v12  }
0x17d: {  	v12 =	vor.u32 $0x6, v5;
	v14 =	vld.idx.msk [tilespmem:v14+s2+$0x0], $0xffff;
	[tilespmem:s12+$0x17C10] =	vst v18  }
0x17e: {  	[tilespmem:s14+$0x9800] =	vst v20;
	v18 =	vor.u32 $0x19, v4;
	v20 =	vld.idx.msk [tilespmem:v21+s2+$0x0], $0xffff  }
0x17f: {  	v21 =	vld.idx.msk [tilespmem:v22+s2+$0x0], $0xffff;
	[tilespmem:s11+$0x12C00] =	vst v13;
	v13 =	vor.u32 $0xC, v0  }
0x180: {  	v6 =	vor.u32 $0x1F, v6;
	[tilespmem:s13+$0xE400] =	vst v11;
	v11 =	vld.idx.msk [tilespmem:v15+s2+$0x0], $0xffff  }
0x181: {  	v15 =	vor.u32 $0x6, v8;
	[tilespmem:s14+$0x9C10] =	vst v19;
	v16 =	vld.idx.msk [tilespmem:v16+s2+$0x0], $0xffff  }
0x182: {  	v19 =	vor.u32 $0xB, v7;
	v12 =	vld.idx.msk [tilespmem:v12+s2+$0x0], $0xffff;
	[tilespmem:s13+$0xE810] =	vst v17  }
0x183: {  	v17 =	vor.u32 $0x19, v3;
	v18 =	vld.idx.msk [tilespmem:v18+s2+$0x0], $0xffff;
	[tilespmem:s11+$0x13410] =	vst v14  }
0x184: {  	v14 =	vor.u32 $0x7, v5;
	v13 =	vld.idx.msk [tilespmem:v13+s2+$0x0], $0xffff;
	[tilespmem:s12+$0x18010] =	vst v20  }
0x185: {  	[tilespmem:s14+$0x9C00] =	vst v21;
	v20 =	vor.u32 $0x1A, v4;
	v6 =	vld.idx.msk [tilespmem:v6+s2+$0x0], $0xffff  }
0x186: {  	v15 =	vld.idx.msk [tilespmem:v15+s2+$0x0], $0xffff;
	[tilespmem:s11+$0x13000] =	vst v11;
	v11 =	vor.u32 $0xD, v0  }
0x187: {  	v21 =	vor.u32 $0x16, v1;
	[tilespmem:s13+$0xE800] =	vst v16;
	v16 =	vld.idx.msk [tilespmem:v19+s2+$0x0], $0xffff  }
0x188: {  	v19 =	vor.u32 $0x7, v8;
	[tilespmem:s14+$0xA010] =	vst v12;
	v12 =	vld.idx.msk [tilespmem:v17+s2+$0x0], $0xffff  }
0x189: {  	v17 =	vor.u32 $0xC, v7;
	v14 =	vld.idx.msk [tilespmem:v14+s2+$0x0], $0xffff;
	[tilespmem:s13+$0xEC10] =	vst v18  }
0x18a: {  	v18 =	vor.u32 $0x1A, v3;
	v20 =	vld.idx.msk [tilespmem:v20+s2+$0x0], $0xffff;
	[tilespmem:s11+$0x13810] =	vst v13  }
0x18b: {  	v10 =	vor.u32 $0x8, v5;
	v11 =	vld.idx.msk [tilespmem:v11+s2+$0x0], $0xffff;
	[tilespmem:s14+$0xA000] =	vst v15  }
0x18c: {  	v13 =	vor.u32 $0x1B, v4;
	v15 =	vld.idx.msk [tilespmem:v21+s2+$0x0], $0xffff;
	[tilespmem:s12+$0x18410] =	vst v6  }
0x18d: {  	v19 =	vld.idx.msk [tilespmem:v19+s2+$0x0], $0xffff;
	[tilespmem:s11+$0x13400] =	vst v16;
	v16 =	vor.u32 $0xE, v0  }
0x18e: {  	v21 =	vor.u32 $0x17, v1;
	[tilespmem:s13+$0xEC00] =	vst v12;
	v12 =	vld.idx.msk [tilespmem:v17+s2+$0x0], $0xffff  }
0x18f: {  	v17 =	vor.u32 $0x8, v8;
	[tilespmem:s14+$0xA410] =	vst v14;
	v14 =	vld.idx.msk [tilespmem:v18+s2+$0x0], $0xffff  }
0x190: {  	v18 =	vor.u32 $0xD, v7;
	v10 =	vld.idx.msk [tilespmem:v10+s2+$0x0], $0xffff;
	[tilespmem:s13+$0xF010] =	vst v20  }
0x191: {  	v20 =	vor.u32 $0x1B, v3;
	v13 =	vld.idx.msk [tilespmem:v13+s2+$0x0], $0xffff;
	[tilespmem:s11+$0x13C10] =	vst v11  }
0x192: {  	v11 =	vor.u32 $0x9, v5;
	[tilespmem:s12+$0x16000] =	vst v15;
	v16 =	vld.idx.msk [tilespmem:v16+s2+$0x0], $0xffff  }
0x193: {  	v15 =	vor.u32 $0x1C, v4;
	[tilespmem:s14+$0xA400] =	vst v19;
	v19 =	vld.idx.msk [tilespmem:v21+s2+$0x0], $0xffff  }
0x194: {  	v17 =	vld.idx.msk [tilespmem:v17+s2+$0x0], $0xffff;
	[tilespmem:s11+$0x13800] =	vst v12;
	v12 =	vor.u32 $0xF, v0  }
0x195: {  	v21 =	vor.u32 $0x18, v1;
	[tilespmem:s13+$0xF000] =	vst v14;
	v14 =	vld.idx.msk [tilespmem:v18+s2+$0x0], $0xffff  }
0x196: {  	v18 =	vor.u32 $0x9, v8;
	[tilespmem:s14+$0xA810] =	vst v10;
	v10 =	vld.idx.msk [tilespmem:v20+s2+$0x0], $0xffff  }
0x197: {  	v20 =	vor.u32 $0xE, v7;
	v11 =	vld.idx.msk [tilespmem:v11+s2+$0x0], $0xffff;
	[tilespmem:s13+$0xF410] =	vst v13  }
0x198: {  	v13 =	vor.u32 $0x1C, v3;
	v15 =	vld.idx.msk [tilespmem:v15+s2+$0x0], $0xffff;
	[tilespmem:s11+$0x14010] =	vst v16  }
0x199: {  	v16 =	vor.u32 $0xA, v5;
	[tilespmem:s12+$0x16400] =	vst v19;
	v12 =	vld.idx.msk [tilespmem:v12+s2+$0x0], $0xffff  }
0x19a: {  	[tilespmem:s14+$0xA800] =	vst v17;
	v17 =	vor.u32 $0x1D, v4;
	v19 =	vld.idx.msk [tilespmem:v21+s2+$0x0], $0xffff  }
0x19b: {  	v18 =	vld.idx.msk [tilespmem:v18+s2+$0x0], $0xffff;
	[tilespmem:s11+$0x13C00] =	vst v14;
	v14 =	vor.u32 $0x10, v0  }
0x19c: {  	v21 =	vor.u32 $0x19, v1;
	[tilespmem:s13+$0xF400] =	vst v10;
	v10 =	vld.idx.msk [tilespmem:v20+s2+$0x0], $0xffff  }
0x19d: {  	v20 =	vor.u32 $0xA, v8;
	[tilespmem:s14+$0xAC10] =	vst v11;
	v11 =	vld.idx.msk [tilespmem:v13+s2+$0x0], $0xffff  }
0x19e: {  	v13 =	vor.u32 $0xF, v7;
	v16 =	vld.idx.msk [tilespmem:v16+s2+$0x0], $0xffff;
	[tilespmem:s13+$0xF810] =	vst v15  }
0x19f: {  	v15 =	vor.u32 $0x1D, v3;
	v17 =	vld.idx.msk [tilespmem:v17+s2+$0x0], $0xffff;
	[tilespmem:s11+$0x14410] =	vst v12  }
0x1a0: {  	v12 =	vor.u32 $0xB, v5;
	[tilespmem:s12+$0x16800] =	vst v19;
	v14 =	vld.idx.msk [tilespmem:v14+s2+$0x0], $0xffff  }
0x1a1: {  	[tilespmem:s14+$0xAC00] =	vst v18;
	v18 =	vor.u32 $0x1E, v4;
	v19 =	vld.idx.msk [tilespmem:v21+s2+$0x0], $0xffff  }
0x1a2: {  	v20 =	vld.idx.msk [tilespmem:v20+s2+$0x0], $0xffff;
	[tilespmem:s11+$0x14000] =	vst v10;
	v10 =	vor.u32 $0x11, v0  }
0x1a3: {  	[tilespmem:s13+$0xF800] =	vst v11;
	v11 =	vld.idx.msk [tilespmem:v13+s2+$0x0], $0xffff;
	v13 =	vor.u32 $0xB, v8  }
0x1a4: {  	v21 =	vor.u32 $0x1A, v1;
	[tilespmem:s14+$0xB010] =	vst v16;
	v15 =	vld.idx.msk [tilespmem:v15+s2+$0x0], $0xffff  }
0x1a5: {  	v12 =	vld.idx.msk [tilespmem:v12+s2+$0x0], $0xffff;
	[tilespmem:s13+$0xFC10] =	vst v17  }
0x1a6: {  	v16 =	vor.u32 $0x1E, v3;
	v17 =	vld.idx.msk [tilespmem:v18+s2+$0x0], $0xffff;
	[tilespmem:s11+$0x14810] =	vst v14  }
0x1a7: {  	v14 =	vor.u32 $0xC, v5;
	v10 =	vld.idx.msk [tilespmem:v10+s2+$0x0], $0xffff;
	[tilespmem:s14+$0xB000] =	vst v20  }
0x1a8: {  	[tilespmem:s12+$0x16C00] =	vst v19;
	v6 =	vld.idx.msk [tilespmem:v13+s2+$0x0], $0xffff;
	v13 =	vor.u32 $0x12, v0  }
0x1a9: {  	v20 =	vor.u32 $0x1F, v4;
	v21 =	vld.idx.msk [tilespmem:v21+s2+$0x0], $0xffff;
	[tilespmem:s11+$0x14400] =	vst v11  }
0x1aa: {  	v27 =	vor.u32 $0x1F, v1;
	v22 =	vor.u32 $0x1D, v1;
	v18 =	vor.u32 $0x1B, v1;
	[tilespmem:s13+$0xFC00] =	vst v15;
	v15 =	vld [tilespmem:s13+$0x8410]  }
0x1ab: {  	v19 =	vor.u32 $0x1C, v1;
	v4 =	vor.u32 $0x1E, v1;
	v1 =	vor.u32 $0x10, v7;
	[tilespmem:s14+$0xB410] =	vst v12;
	v12 =	vld.idx.msk [tilespmem:v16+s2+$0x0], $0xffff  }
0x1ac: {  	v25 =	vor.u32 $0xC, v8;
	v14 =	vld.idx.msk [tilespmem:v14+s2+$0x0], $0xffff;
	[tilespmem:s11+$0x14C10] =	vst v10  }
0x1ad: {  	[tilespmem:s13+$0x10010] =	vst v17;
	v11 =	vld.idx.msk [tilespmem:v13+s2+$0x0], $0xffff;
	v13 =	vor.u32 $0x1C, v7  }
0x1ae: {  	v3 =	vor.u32 $0x1F, v3;
	v16 =	vld.idx.msk [tilespmem:v20+s2+$0x0], $0xffff;
	[tilespmem:$0x1FDB0] =	vst v13  }
0x1af: {  	[tilespmem:s14+$0xB400] =	vst v6  }
0x1b0: {  	v10 =	vor.u32 $0xD, v5;
	v6 =	vld.idx.msk [tilespmem:v1+s2+$0x0], $0xffff;
	[tilespmem:s12+$0x17000] =	vst v21  }
0x1b1: {  	v2 =	vshll.u32 v2, $0x5;
	[tilespmem:s13+$0x10000] =	vst v12;
	v13 =	vld.idx.msk [tilespmem:v25+s2+$0x0], $0xffff  }
0x1b2: {  	v12 =	vld.idx.msk [tilespmem:v18+s2+$0x0], $0xffff;
	[tilespmem:s14+$0xB810] =	vst v14;
	v14 =	vor.u32 $0x4, v2  }
0x1b3: {  	v3 =	vld.idx.msk [tilespmem:v3+s2+$0x0], $0xffff;
	[tilespmem:$0x1FDC0] =	vst v14  }
0x1b4: {  	v29 =	vshll.u32 v15, $0x5;
	v14 =	vor.u32 $0x7, v2;
	[tilespmem:s13+$0x10410] =	vst v16  }
0x1b5: {  	v10 =	vld.idx.msk [tilespmem:v10+s2+$0x0], $0xffff;
	[tilespmem:$0x1FDD0] =	vst v14;
	v14 =	vor.u32 $0x8, v2  }
0x1b6: {  	v15 =	vor.u32 $0x13, v0;
	[tilespmem:$0x1FDE0] =	vst v14;
	v14 =	vor.u32 $0x9, v2  }
0x1b7: {  	[tilespmem:$0x1FDF0] =	vst v14  }
0x1b8: {  	[tilespmem:s11+$0x15010] =	vst v11;
	v11 =	vor.u32 $0xA, v2  }
0x1b9: {  	v23 =	vor.u32 $0x11, v7;
	v14 =	vld.idx.msk [tilespmem:v29+s2+$0x0], $0xffff;
	[tilespmem:$0x1FE00] =	vst v11;
	v11 =	vor.u32 $0xB, v2  }
0x1ba: {  	v17 =	vor.u32 $0xD, v8;
	[tilespmem:$0x1FE10] =	vst v11  }
0x1bb: {  	[tilespmem:s11+$0x14800] =	vst v6;
	v6 =	vld.idx.msk [tilespmem:v15+s2+$0x0], $0xffff;
	v15 =	vor.u32 $0xC, v2  }
0x1bc: {  	[tilespmem:$0x1FE20] =	vst v15  }
0x1bd: {  	v11 =	vor.u32 $0xE, v5;
	[tilespmem:s14+$0xB800] =	vst v13  }
0x1be: {  	v13 =	vor.u32 $0x1, v29;
	v15 =	vld.idx.msk [tilespmem:v23+s2+$0x0], $0xffff;
	[tilespmem:s12+$0x17400] =	vst v12  }
0x1bf: {  	[tilespmem:s13+$0x10400] =	vst v3;
	v16 =	vld.idx.msk [tilespmem:v17+s2+$0x0], $0xffff;
	v17 =	vor.u32 $0x14, v0  }
0x1c0: {  	v24 =	vor.u32 $0x12, v7;
	[tilespmem:s14+$0xBC10] =	vst v10;
	v3 =	vld.idx.msk [tilespmem:v19+s2+$0x0], $0xffff  }
0x1c1: {  	v12 =	vor.u32 $0xE, v8;
	[tilespmem:s13+$0x10810] =	vst v14;
	v10 =	vld.idx.msk [tilespmem:v2+s2+$0x0], $0xffff  }
0x1c2: {  	v30 =	vor.u32 $0x13, v7;
	v28 =	vor.u32 $0x14, v7;
	v11 =	vld.idx.msk [tilespmem:v11+s2+$0x0], $0xffff;
	[tilespmem:s11+$0x15410] =	vst v6  }
0x1c3: {  	v43 =	vor.u32 $0x15, v7;
	v57 =	vor.u32 $0x16, v7;
	v54 =	vor.u32 $0x17, v7;
	v13 =	vld.idx.msk [tilespmem:v13+s2+$0x0], $0xffff;
	[tilespmem:s11+$0x14C00] =	vst v15  }
0x1c4: {  	v50 =	vor.u32 $0x18, v7;
	v49 =	vor.u32 $0x19, v7;
	v60 =	vor.u32 $0x1A, v7;
	v15 =	vld.idx.msk [tilespmem:v17+s2+$0x0], $0xffff;
	[tilespmem:s14+$0xBC00] =	vst v16  }
0x1c5: {  	v51 =	vor.u32 $0x1B, v7;
	v40 =	vor.u32 $0x1D, v7;
	v6 =	vor.u32 $0x11, v8;
	v24 =	vld.idx.msk [tilespmem:v24+s2+$0x0], $0xffff;
	[tilespmem:s12+$0x17800] =	vst v3  }
0x1c6: {  	v39 =	vor.u32 $0x1E, v7;
	v38 =	vor.u32 $0x1F, v7;
	v7 =	vor.u32 $0x1, v2;
	v12 =	vld.idx.msk [tilespmem:v12+s2+$0x0], $0xffff;
	[tilespmem:$0x1FE30] =	vst v6  }
0x1c7: {  	v6 =	vor.u32 $0x12, v8;
	[tilespmem:s13+$0x10800] =	vst v10  }
0x1c8: {  	v14 =	vor.u32 $0xF, v5;
	[tilespmem:$0x1FE40] =	vst v6  }
0x1c9: {  	v6 =	vor.u32 $0x13, v8;
	[tilespmem:s14+$0xC010] =	vst v11  }
0x1ca: {  	v10 =	vld.idx.msk [tilespmem:v22+s2+$0x0], $0xffff;
	[tilespmem:$0x1FE50] =	vst v6;
	v6 =	vor.u32 $0x14, v8  }
0x1cb: {  	v7 =	vld.idx.msk [tilespmem:v7+s2+$0x0], $0xffff;
	[tilespmem:$0x1FE60] =	vst v6  }
0x1cc: {  	v16 =	vor.u32 $0x2, v29;
	v6 =	vor.u32 $0x15, v8;
	[tilespmem:s13+$0x10C10] =	vst v13  }
0x1cd: {  	v31 =	vor.u32 $0x2, v2;
	v62 =	vor.u32 $0x5, v2;
	v14 =	vld.idx.msk [tilespmem:v14+s2+$0x0], $0xffff;
	[tilespmem:$0x1FE70] =	vst v6;
	v6 =	vor.u32 $0x16, v8  }
0x1ce: {  	v46 =	vor.u32 $0x6, v2;
	v61 =	vor.u32 $0xD, v2;
	[tilespmem:$0x1FE80] =	vst v6;
	v6 =	vor.u32 $0x17, v8  }
0x1cf: {  	v58 =	vor.u32 $0xE, v2;
	v55 =	vor.u32 $0xF, v2;
	v44 =	vor.u32 $0x10, v2;
	[tilespmem:$0x1FE90] =	vst v6  }
0x1d0: {  	v48 =	vor.u32 $0x11, v2;
	v32 =	vor.u32 $0x15, v0;
	v6 =	vor.u32 $0x18, v8;
	[tilespmem:s11+$0x15810] =	vst v15  }
0x1d1: {  	v47 =	vor.u32 $0x12, v2;
	v45 =	vor.u32 $0x13, v2;
	v33 =	vld.idx.msk [tilespmem:v16+s2+$0x0], $0xffff;
	[tilespmem:$0x1FEA0] =	vst v6;
	v6 =	vor.u32 $0x19, v8  }
0x1d2: {  	v63 =	vor.u32 $0x16, v2;
	v59 =	vor.u32 $0x17, v2;
	[tilespmem:$0x1FEB0] =	vst v6;
	v6 =	vor.u32 $0x1A, v8  }
0x1d3: {  	v56 =	vor.u32 $0x18, v2;
	v52 =	vor.u32 $0x19, v2;
	v41 =	vor.u32 $0x1D, v2;
	[tilespmem:$0x1FEC0] =	vst v6  }
0x1d4: {  	v42 =	vor.u32 $0x1E, v2;
	v53 =	vor.u32 $0x1F, v2;
	v6 =	vor.u32 $0x1B, v8;
	[tilespmem:s11+$0x15000] =	vst v24  }
0x1d5: {  	v20 =	vor.u32 $0x1B, v2;
	v1 =	vor.u32 $0x3, v2;
	v32 =	vld.idx.msk [tilespmem:v32+s2+$0x0], $0xffff;
	[tilespmem:$0x1FED0] =	vst v6;
	v6 =	vor.u32 $0x1C, v8  }
0x1d6: {  	v21 =	vor.u32 $0x1A, v2;
	v25 =	vor.u32 $0x14, v2;
	v23 =	vor.u32 $0x15, v2;
	[tilespmem:$0x1FEE0] =	vst v6  }
0x1d7: {  	v19 =	vor.u32 $0x1C, v2;
	v2 =	vor.u32 $0xF, v8;
	v6 =	vor.u32 $0x1D, v8;
	[tilespmem:s14+$0xC000] =	vst v12  }
0x1d8: {  	v30 =	vld.idx.msk [tilespmem:v30+s2+$0x0], $0xffff;
	[tilespmem:$0x1FEF0] =	vst v6;
	v6 =	vor.u32 $0x1E, v8  }
0x1d9: {  	[tilespmem:$0x1FF00] =	vst v6  }
0x1da: {  	v22 =	vshll.u32 v9, $0x5;
	v6 =	vor.u32 $0x1F, v8;
	[tilespmem:s12+$0x17C00] =	vst v10  }
0x1db: {  	[tilespmem:$0x1FF10] =	vst v6;
	v6 =	vor.u32 $0x1, v22  }
0x1dc: {  	v2 =	vld.idx.msk [tilespmem:v2+s2+$0x0], $0xffff;
	[tilespmem:$0x1FF20] =	vst v6  }
0x1dd: {  	[tilespmem:s13+$0x10C00] =	vst v7;
	v37 =	vld.idx.msk [tilespmem:v4+s2+$0x0], $0xffff;
	v4 =	vor.u32 $0x2, v22  }
0x1de: {  	[tilespmem:$0x1FF30] =	vst v4;
	v4 =	vor.u32 $0x3, v22  }
0x1df: {  	v34 =	vor.u32 $0x10, v5;
	[tilespmem:$0x1FF40] =	vst v4  }
0x1e0: {  	v6 =	vor.u32 $0x5, v22;
	[tilespmem:s14+$0xC410] =	vst v14  }
0x1e1: {  	v4 =	vld.idx.msk [tilespmem:v31+s2+$0x0], $0xffff;
	[tilespmem:$0x1FF50] =	vst v6;
	v6 =	vor.u32 $0x7, v22  }
0x1e2: {  	[tilespmem:$0x1FF60] =	vst v6  }
0x1e3: {  	v35 =	vor.u32 $0x3, v29;
	v6 =	vor.u32 $0x8, v22;
	[tilespmem:s13+$0x11010] =	vst v33  }
0x1e4: {  	v33 =	vld.idx.msk [tilespmem:v34+s2+$0x0], $0xffff;
	[tilespmem:$0x1FF70] =	vst v6;
	v6 =	vor.u32 $0x9, v22  }
0x1e5: {  	[tilespmem:$0x1FF80] =	vst v6;
	v6 =	vor.u32 $0xA, v22  }
0x1e6: {  	[tilespmem:$0x1FF90] =	vst v6  }
0x1e7: {  	v36 =	vor.u32 $0x16, v0;
	v6 =	vor.u32 $0xB, v22;
	[tilespmem:s11+$0x15C10] =	vst v32  }
0x1e8: {  	v32 =	vld.idx.msk [tilespmem:v35+s2+$0x0], $0xffff;
	[tilespmem:$0x1FFA0] =	vst v6;
	v6 =	vor.u32 $0xC, v22  }
0x1e9: {  	[tilespmem:$0x1FFB0] =	vst v6;
	v6 =	vor.u32 $0xD, v22  }
0x1ea: {  	[tilespmem:$0x1FFC0] =	vst v6  }
0x1eb: {  	v3 =	vor.u32 $0x10, v8;
	v6 =	vor.u32 $0xE, v22;
	[tilespmem:s11+$0x15400] =	vst v30  }
0x1ec: {  	v30 =	vld.idx.msk [tilespmem:v36+s2+$0x0], $0xffff;
	[tilespmem:$0x1FFD0] =	vst v6;
	v6 =	vor.u32 $0xF, v22  }
0x1ed: {  	[tilespmem:$0x1FFE0] =	vst v6  }
0x1ee: {  	[tilespmem:s14+$0xC400] =	vst v2  }
0x1ef: {  	v11 =	vor.u32 $0x6, v22;
	v18 =	vor.u32 $0x10, v22;
	v34 =	vor.u32 $0x11, v5;
	v28 =	vld.idx.msk [tilespmem:v28+s2+$0x0], $0xffff;
	[tilespmem:s12+$0x18000] =	vst v37  }
0x1f0: {  	v17 =	vor.u32 $0x11, v22;
	v2 =	vor.u32 $0x4, v29;
	[tilespmem:s13+$0x11000] =	vst v4;
	v31 =	vld.idx.msk [tilespmem:v3+s2+$0x0], $0xffff;
	v3 =	vor.u32 $0x16, v22  }
0x1f1: {  	v26 =	vor.u32 $0x12, v22;
	v9 =	vor.u32 $0x14, v22;
	v24 =	vor.u32 $0x13, v22;
	v27 =	vld.idx.msk [tilespmem:v27+s2+$0x0], $0xffff;
	[tilespmem:$0x1FFF0] =	vst v3  }
0x1f2: {  	v8 =	vor.u32 $0x15, v22;
	v7 =	vor.u32 $0x4, v22;
	v35 =	vor.u32 $0x18, v22;
	[tilespmem:s14+$0xC810] =	vst v33  }
0x1f3: {  	v37 =	vor.u32 $0x17, v22;
	v33 =	vmovc v22;
	v1 =	vld.idx.msk [tilespmem:v1+s2+$0x0], $0xffff;
	v22 =	vor.u32 $0x19, v22;
	[tilespmem:s11+$0x16010] =	vst v30;
	v30 =	vor.u32 $0x17, v0  }
0x1f4: {  	[tilespmem:s13+$0x11410] =	vst v32;
	v16 =	vor.u32 $0x1A, v33;
	v32 =	vld.idx.msk [tilespmem:v34+s2+$0x0], $0xffff;
	v15 =	vor.u32 $0x1B, v33;
	v14 =	vor.u32 $0x1C, v33  }
0x1f5: {  	s15 =	simm.s32 $0x6;
	s16 =	simm.s32 $0x200;
	v13 =	vor.u32 $0x1D, v33;
	v12 =	vor.u32 $0x1E, v33;
	v10 =	vor.u32 $0x1F, v33;
	v2 =	vld.idx.msk [tilespmem:v2+s2+$0x0], $0xffff  }
.LBB2_2:
0x1f6: {  	[tilespmem:$0x1FAD0] =	vst v22  }
0x1f7: {  	[tilespmem:$0x1FA80] =	vst v37  }
0x1f8: {  	[tilespmem:$0x1FA90] =	vst v50  }
0x1f9: {  	[tilespmem:$0x1FAF0] =	vst v60  }
0x1fa: {  	[tilespmem:$0x1FB10] =	vst v16  }
0x1fb: {  	[tilespmem:$0x1FAB0] =	vst v35  }
0x1fc: {  	[tilespmem:$0x1FC50] =	vst v13  }
0x1fd: {  	[tilespmem:$0x1FB50] =	vst v18  }
0x1fe: {  	[tilespmem:$0x1FB00] =	vst v21  }
0x1ff: {  	[tilespmem:$0x1FBB0] =	vst v17  }
0x200: {  	[tilespmem:$0x1FBA0] =	vst v48  }
0x201: {  	[tilespmem:$0x1FB40] =	vst v44  }
0x202: {  	[tilespmem:$0x1FB70] =	vst v51  }
0x203: {  	[tilespmem:$0x1FB80] =	vst v20  }
0x204: {  	[tilespmem:$0x1FC00] =	vst v47  }
0x205: {  	[tilespmem:$0x1FD10] =	vst v9  }
0x206: {  	[tilespmem:$0x1FC70] =	vst v45  }
0x207: {  	[tilespmem:$0x1FC30] =	vst v40  }
0x208: {  	[tilespmem:$0x1FD50] =	vst v53  }
0x209: {  	[tilespmem:$0x1FD40] =	vst v38  }
0x20a: {  	[tilespmem:$0x1FCC0] =	vst v42  }
0x20b: {  	[tilespmem:$0x1FBF0] =	vst v33  }
0x20c: {  	[tilespmem:$0x1FC10] =	vst v26;
	v3 =	vld [tilespmem:$0x1FE30]  }
0x20d: {  	[tilespmem:$0x1FC80] =	vst v24  }
0x20e: {  	[tilespmem:$0x1FCB0] =	vst v39  }
0x20f: {  	[tilespmem:$0x1FD00] =	vst v25  }
0x210: {  	s17 =	sshra.s32 s16, $0x2;
	v42 =	vor.u32 $0x12, v5;
	[tilespmem:s11+$0x15800] =	vst v28;
	v28 =	vld.idx.msk [tilespmem:v30+s2+$0x0], $0xffff  }
0x211: {  	v30 =	vld [tilespmem:s17+$0x8010];
	[tilespmem:s14+$0xC800] =	vst v31  }
0x212: {  	v31 =	vor.u32 $0x5, v29;
	v34 =	vld [tilespmem:s17+$0x8000];
	[tilespmem:s12+$0x18400] =	vst v27;
	s12 =	smov.u32 s11;
	s11 =	smov.u32 s13;
	s13 =	smov.u32 s14  }
0x213: {  	[tilespmem:s13+$0xCC10] =	vst v32;
	v4 =	vmov v23  }
0x214: {  	[tilespmem:$0x1FBC0] =	vst v4;
	v26 =	vld.idx.msk [tilespmem:v3+s2+$0x0], $0xffff  }
0x215: {  	[tilespmem:s11+$0x11400] =	vst v1;
	v1 =	vld.idx.msk [tilespmem:v42+s2+$0x0], $0xffff  }
0x216: {  	v44 =	vor.u32 $0x18, v0;
	[tilespmem:s11+$0x11810] =	vst v2;
	v3 =	vld [tilespmem:$0x1FDC0]  }
0x217: {  	v6 =	vmov v7;
	v33 =	vshll.u32 v30, $0x5;
	v30 =	vld.idx.msk [tilespmem:v31+s2+$0x0], $0xffff;
	[tilespmem:s12+$0x16410] =	vst v28;
	v28 =	vshll.u32 v34, $0x5  }
0x218: {  	[tilespmem:$0x1FDC0] =	vst v6;
	v4 =	vor.u32 $0x9, v28  }
0x219: {  	v32 =	vor.u32 $0x13, v5;
	v48 =	vor.u32 $0x14, v28;
	[tilespmem:$0x1FAC0] =	vst v4;
	v4 =	vor.u32 $0xA, v28  }
0x21a: {  	v9 =	vld [tilespmem:$0x1FE60];
	v16 =	vmov v11;
	v11 =	vmov v48;
	[tilespmem:$0x1FAE0] =	vst v4  }
0x21b: {  	v35 =	vld.idx.msk [tilespmem:v44+s2+$0x0], $0xffff;
	[tilespmem:$0x1FE60] =	vst v11  }
0x21c: {  	v45 =	vor.u32 $0x6, v29;
	v42 =	vld.idx.msk [tilespmem:v33+s2+$0x0], $0xffff;
	[tilespmem:s13+$0xD010] =	vst v1;
	v1 =	vor.u32 $0xB, v28  }
0x21d: {  	[tilespmem:$0x1FB20] =	vst v1  }
0x21e: {  	v1 =	vor.u32 $0xC, v28;
	v32 =	vld.idx.msk [tilespmem:v32+s2+$0x0], $0xffff;
	[tilespmem:s11+$0x11C10] =	vst v30  }
0x21f: {  	v47 =	vor.u32 $0x19, v0;
	[tilespmem:$0x1FB60] =	vst v1;
	v36 =	vld.idx.msk [tilespmem:v3+s2+$0x0], $0xffff;
	v3 =	vmov v8  }
0x220: {  	[tilespmem:$0x1FAA0] =	vst v3;
	v3 =	vld [tilespmem:$0x1FE40]  }
0x221: {  	s14 =	smov.u32 s17;
	v39 =	vld.idx.msk [tilespmem:v45+s2+$0x0], $0xffff;
	[tilespmem:s12+$0x16810] =	vst v35  }
0x222: {  	v27 =	vld [tilespmem:s14+$0x8400];
	v30 =	vor.u32 $0x1, v33;
	v1 =	vor.u32 $0xD, v28;
	[tilespmem:s13+$0xCC00] =	vst v26  }
0x223: {  	[tilespmem:$0x1FBD0] =	vst v1  }
0x224: {  	v1 =	vor.u32 $0xE, v28;
	v40 =	vld.idx.msk [tilespmem:v47+s2+$0x0], $0xffff;
	[tilespmem:s14+$0x8810] =	vst v42  }
0x225: {  	v6 =	vld [tilespmem:$0x1FE50];
	[tilespmem:$0x1FC20] =	vst v1;
	v1 =	vor.u32 $0xF, v28  }
0x226: {  	v24 =	vld.idx.msk [tilespmem:v43+s2+$0x0], $0xffff;
	[tilespmem:$0x1FCA0] =	vst v1;
	v1 =	vor.u32 $0x10, v28  }
0x227: {  	[tilespmem:$0x1FD30] =	vst v1;
	v51 =	vld.idx.msk [tilespmem:v30+s2+$0x0], $0xffff  }
0x228: {  	v43 =	vor.u32 $0x14, v5;
	[tilespmem:s13+$0xD410] =	vst v32;
	v3 =	vld.idx.msk [tilespmem:v3+s2+$0x0], $0xffff  }
0x229: {  	v1 =	vor.u32 $0x11, v28;
	[tilespmem:s11+$0x11800] =	vst v36  }
0x22a: {  	[tilespmem:$0x1FE30] =	vst v1;
	v1 =	vor.u32 $0x12, v28;
	v45 =	vld.idx.msk [tilespmem:v28+s2+$0x0], $0xffff  }
0x22b: {  	v60 =	vor.u32 $0x7, v29;
	v37 =	vor.u32 $0x1, v28;
	v2 =	vor.u32 $0x2, v28;
	[tilespmem:$0x1FE40] =	vst v1  }
0x22c: {  	v25 =	vmovc v63;
	v21 =	vmovc v57;
	v63 =	vor.u32 $0x3, v28;
	v34 =	vor.u32 $0x4, v28;
	v57 =	vor.u32 $0x5, v28;
	v1 =	vld [tilespmem:$0x1FF50];
	[tilespmem:s12+$0x15C00] =	vst v24  }
0x22d: {  	v20 =	vmovc v54;
	v54 =	vor.u32 $0x6, v28;
	v50 =	vor.u32 $0x7, v28;
	v31 =	vor.u32 $0x8, v28;
	v32 =	vld.idx.msk [tilespmem:v43+s2+$0x0], $0xffff;
	[tilespmem:s13+$0xD000] =	vst v3  }
0x22e: {  	v17 =	vmovc v59;
	v23 =	vmovc v56;
	v53 =	vor.u32 $0x13, v28;
	v38 =	vor.u32 $0x16, v28;
	v59 =	vor.u32 $0x19, v28;
	[tilespmem:s11+$0x12010] =	vst v39;
	v3 =	vld.idx.msk [tilespmem:v62+s2+$0x0], $0xffff  }
0x22f: {  	v56 =	vor.u32 $0x1A, v28;
	v44 =	vmovc v52;
	v52 =	vor.u32 $0x1B, v28;
	v24 =	vor.u32 $0x1A, v0;
	v62 =	vld.idx.msk [tilespmem:v6+s2+$0x0], $0xffff;
	v6 =	vmovc v53;
	[tilespmem:s14+$0x8800] =	vst v45  }
0x230: {  	v22 =	vmovc v49;
	v49 =	vor.u32 $0x1C, v28;
	v4 =	vor.u32 $0x15, v28;
	[tilespmem:$0x1FE50] =	vst v6;
	v6 =	vor.u32 $0x1E, v28  }
0x231: {  	v35 =	vor.u32 $0x18, v28;
	v36 =	vshll.u32 v27, $0x5;
	v27 =	vor.u32 $0x2, v33;
	[tilespmem:$0x1FB30] =	vst v6  }
0x232: {  	v30 =	vor.u32 $0x1D, v28;
	v18 =	vmovc v1;
	v1 =	vor.u32 $0x17, v28;
	v6 =	vor.u32 $0x1F, v28;
	v28 =	vld.idx.msk [tilespmem:v60+s2+$0x0], $0xffff;
	[tilespmem:s12+$0x16C10] =	vst v40  }
0x233: {  	[tilespmem:$0x1FB90] =	vst v6  }
0x234: {  	v6 =	vor.u32 $0x1, v36;
	v45 =	vld.idx.msk [tilespmem:v24+s2+$0x0], $0xffff;
	[tilespmem:s14+$0x8C10] =	vst v51  }
0x235: {  	[tilespmem:$0x1FC60] =	vst v6  }
0x236: {  	v6 =	vor.u32 $0x2, v36;
	v48 =	vld.idx.msk [tilespmem:v27+s2+$0x0], $0xffff;
	[tilespmem:s13+$0xD810] =	vst v32  }
0x237: {  	v40 =	vor.u32 $0x15, v5;
	[tilespmem:$0x1FCE0] =	vst v6  }
0x238: {  	v53 =	vld.idx.msk [tilespmem:v37+s2+$0x0], $0xffff;
	v6 =	vor.u32 $0x3, v36;
	[tilespmem:s11+$0x11C00] =	vst v3  }
0x239: {  	[tilespmem:$0x1FD80] =	vst v6  }
0x23a: {  	v6 =	vor.u32 $0x4, v36;
	[tilespmem:s13+$0xD400] =	vst v62  }
0x23b: {  	v3 =	vor.u32 $0x8, v29;
	[tilespmem:$0x1FDA0] =	vst v6;
	v42 =	vld.idx.msk [tilespmem:v46+s2+$0x0], $0xffff  }
0x23c: {  	v60 =	vor.u32 $0x1B, v0;
	v11 =	vld.idx.msk [tilespmem:v40+s2+$0x0], $0xffff;
	[tilespmem:s11+$0x12410] =	vst v28  }
0x23d: {  	v6 =	vor.u32 $0x5, v36;
	v9 =	vld.idx.msk [tilespmem:v9+s2+$0x0], $0xffff;
	[tilespmem:s14+$0x8C00] =	vst v53  }
0x23e: {  	v27 =	vld [tilespmem:$0x1FF60];
	[tilespmem:$0x1FF50] =	vst v6;
	v6 =	vor.u32 $0x6, v36  }
0x23f: {  	v39 =	vmov v14;
	v14 =	vld.idx.msk [tilespmem:v2+s2+$0x0], $0xffff;
	[tilespmem:$0x1FCF0] =	vst v6  }
0x240: {  	v3 =	vld.idx.msk [tilespmem:v3+s2+$0x0], $0xffff;
	[tilespmem:s12+$0x17010] =	vst v45  }
0x241: {  	v13 =	vld.idx.msk [tilespmem:v60+s2+$0x0], $0xffff;
	[tilespmem:s11+$0x12000] =	vst v42  }
0x242: {  	v6 =	vor.u32 $0x7, v36;
	[tilespmem:s13+$0xD800] =	vst v9;
	v9 =	vld [tilespmem:$0x1FDD0]  }
0x243: {  	v60 =	vmov v6;
	v6 =	vld [tilespmem:$0x1FE70]  }
0x244: {  	[tilespmem:$0x1FCD0] =	vst v12;
	v28 =	vor.u32 $0x3, v33  }
0x245: {  	[tilespmem:$0x1FC40] =	vst v41;
	v12 =	vor.u32 $0x13, v36  }
0x246: {  	[tilespmem:$0x1FC90] =	vst v12  }
0x247: {  	v12 =	vor.u32 $0x16, v5;
	v53 =	vmov v27;
	v27 =	vmov v4;
	[tilespmem:s14+$0x9010] =	vst v48  }
0x248: {  	v41 =	vor.u32 $0x9, v29;
	[tilespmem:$0x1FE70] =	vst v27;
	v27 =	vld [tilespmem:$0x1FF70]  }
0x249: {  	v24 =	vmov v15;
	v15 =	vor.u32 $0x1C, v0;
	v4 =	vld.idx.msk [tilespmem:v28+s2+$0x0], $0xffff  }
0x24a: {  	[tilespmem:s13+$0xDC10] =	vst v11;
	v11 =	vor.u32 $0x1F, v36;
	v9 =	vld.idx.msk [tilespmem:v9+s2+$0x0], $0xffff  }
0x24b: {  	[tilespmem:$0x1FD70] =	vst v11;
	v6 =	vld.idx.msk [tilespmem:v6+s2+$0x0], $0xffff  }
0x24c: {  	v11 =	vld.idx.msk [tilespmem:v12+s2+$0x0], $0xffff;
	[tilespmem:s11+$0x12810] =	vst v3  }
0x24d: {  	v12 =	vld.idx.msk [tilespmem:v41+s2+$0x0], $0xffff;
	[tilespmem:s12+$0x17410] =	vst v13  }
0x24e: {  	[tilespmem:s14+$0x9000] =	vst v14;
	v14 =	vld.idx.msk [tilespmem:v15+s2+$0x0], $0xffff  }
0x24f: {  	v15 =	vld.idx.msk [tilespmem:v63+s2+$0x0], $0xffff;
	[tilespmem:s11+$0x12400] =	vst v9  }
0x250: {  	[tilespmem:s13+$0xDC00] =	vst v6;
	v6 =	vld [tilespmem:$0x1FDE0]  }
0x251: {  	v3 =	vor.u32 $0x4, v33;
	[tilespmem:s14+$0x9410] =	vst v4;
	v4 =	vld [tilespmem:$0x1FE80]  }
0x252: {  	v13 =	vor.u32 $0x17, v5  }
0x253: {  	v7 =	vor.u32 $0x8, v36;
	_ =	sdelay $0x2  }
0x254: {  	v63 =	vmovc v27;
	v27 =	vmov v7;
	v7 =	vmov v38;
	v3 =	vld.idx.msk [tilespmem:v3+s2+$0x0], $0xffff;
	[tilespmem:s13+$0xE010] =	vst v11;
	v9 =	vor.u32 $0xA, v29  }
0x255: {  	v41 =	vor.u32 $0x1D, v0;
	[tilespmem:$0x1FE80] =	vst v7;
	v7 =	vld.idx.msk [tilespmem:v13+s2+$0x0], $0xffff  }
0x256: {  	v6 =	vld.idx.msk [tilespmem:v6+s2+$0x0], $0xffff  }
0x257: {  	[tilespmem:$0x1FF70] =	vst v27;
	v4 =	vld.idx.msk [tilespmem:v4+s2+$0x0], $0xffff  }
0x258: {  	[tilespmem:s11+$0x12C10] =	vst v12;
	v27 =	vld [tilespmem:$0x1FF80]  }
0x259: {  	v9 =	vld.idx.msk [tilespmem:v9+s2+$0x0], $0xffff;
	[tilespmem:s12+$0x17810] =	vst v14  }
0x25a: {  	v13 =	vld.idx.msk [tilespmem:v41+s2+$0x0], $0xffff;
	[tilespmem:s14+$0x9400] =	vst v15  }
0x25b: {  	v14 =	vld.idx.msk [tilespmem:v34+s2+$0x0], $0xffff;
	[tilespmem:s11+$0x12800] =	vst v6  }
0x25c: {  	[tilespmem:s13+$0xE000] =	vst v4;
	v4 =	vld [tilespmem:$0x1FDF0]  }
0x25d: {  	v11 =	vor.u32 $0x5, v33;
	[tilespmem:s14+$0x9810] =	vst v3;
	v3 =	vld [tilespmem:$0x1FE90]  }
0x25e: {  	v12 =	vor.u32 $0x18, v5  }
0x25f: {  	v8 =	vor.u32 $0x9, v36;
	_ =	sdelay $0x1  }
0x260: {  	[tilespmem:$0x1FDE0] =	vst v63;
	v6 =	vor.u32 $0xB, v29  }
0x261: {  	v63 =	vmovc v27;
	v27 =	vmov v8;
	v8 =	vmov v1;
	v1 =	vld.idx.msk [tilespmem:v11+s2+$0x0], $0xffff;
	[tilespmem:s13+$0xE410] =	vst v7;
	v15 =	vor.u32 $0x1E, v0  }
0x262: {  	v7 =	vld.idx.msk [tilespmem:v12+s2+$0x0], $0xffff  }
0x263: {  	v4 =	vld.idx.msk [tilespmem:v4+s2+$0x0], $0xffff  }
0x264: {  	[tilespmem:s11+$0x13010] =	vst v9;
	v3 =	vld.idx.msk [tilespmem:v3+s2+$0x0], $0xffff  }
0x265: {  	v6 =	vld.idx.msk [tilespmem:v6+s2+$0x0], $0xffff;
	[tilespmem:s12+$0x17C10] =	vst v13  }
0x266: {  	[tilespmem:$0x1FE90] =	vst v8;
	v11 =	vld.idx.msk [tilespmem:v15+s2+$0x0], $0xffff  }
0x267: {  	[tilespmem:s14+$0x9800] =	vst v14;
	v14 =	vld [tilespmem:$0x1FF90]  }
0x268: {  	v12 =	vld.idx.msk [tilespmem:v57+s2+$0x0], $0xffff;
	[tilespmem:s11+$0x12C00] =	vst v4  }
0x269: {  	[tilespmem:s13+$0xE400] =	vst v3;
	v3 =	vld [tilespmem:$0x1FE00]  }
0x26a: {  	v8 =	vor.u32 $0x6, v33;
	[tilespmem:s14+$0x9C10] =	vst v1;
	v1 =	vld [tilespmem:$0x1FEA0]  }
0x26b: {  	v9 =	vor.u32 $0x19, v5;
	_ =	sdelay $0x2  }
0x26c: {  	[tilespmem:$0x1FD60] =	vst v10;
	v10 =	vor.u32 $0xA, v36;
	v4 =	vor.u32 $0xC, v29;
	v14 =	vmov v14  }
0x26d: {  	v13 =	vor.u32 $0x1F, v0;
	v8 =	vld.idx.msk [tilespmem:v8+s2+$0x0], $0xffff;
	[tilespmem:s13+$0xE810] =	vst v7  }
0x26e: {  	v7 =	vld.idx.msk [tilespmem:v9+s2+$0x0], $0xffff;
	[tilespmem:s11+$0x13410] =	vst v6  }
0x26f: {  	[tilespmem:$0x1FE00] =	vst v14;
	v14 =	vmov v10;
	v10 =	vmov v35;
	v3 =	vld.idx.msk [tilespmem:v3+s2+$0x0], $0xffff  }
0x270: {  	v1 =	vld.idx.msk [tilespmem:v1+s2+$0x0], $0xffff;
	[tilespmem:$0x1FEA0] =	vst v10  }
0x271: {  	v4 =	vld.idx.msk [tilespmem:v4+s2+$0x0], $0xffff;
	[tilespmem:s12+$0x18010] =	vst v11  }
0x272: {  	v10 =	vld.idx.msk [tilespmem:v13+s2+$0x0], $0xffff;
	[tilespmem:s14+$0xA010] =	vst v8  }
0x273: {  	v8 =	vld [tilespmem:$0x1FEB0];
	[tilespmem:s14+$0x9C00] =	vst v12  }
0x274: {  	v11 =	vld.idx.msk [tilespmem:v54+s2+$0x0], $0xffff;
	[tilespmem:s11+$0x13000] =	vst v3  }
0x275: {  	[tilespmem:s13+$0xE800] =	vst v1;
	v1 =	vld [tilespmem:$0x1FE10]  }
0x276: {  	v6 =	vor.u32 $0x7, v33;
	_ =	sdelay $0x3  }
0x277: {  	v2 =	vor.u32 $0x14, v36;
	v0 =	vmov v29;
	v9 =	vor.u32 $0x1A, v5  }
0x278: {  	[tilespmem:$0x1FD20] =	vst v2;
	v2 =	vor.u32 $0x15, v36;
	v6 =	vld.idx.msk [tilespmem:v6+s2+$0x0], $0xffff;
	v3 =	vor.u32 $0xD, v0  }
0x279: {  	[tilespmem:$0x1FD90] =	vst v2;
	v8 =	vld.idx.msk [tilespmem:v8+s2+$0x0], $0xffff  }
0x27a: {  	[tilespmem:s13+$0xEC10] =	vst v7;
	v1 =	vld.idx.msk [tilespmem:v1+s2+$0x0], $0xffff  }
0x27b: {  	[tilespmem:s14+$0xA000] =	vst v11;
	v11 =	vld [tilespmem:$0x1FFF0]  }
0x27c: {  	v7 =	vld.idx.msk [tilespmem:v9+s2+$0x0], $0xffff;
	[tilespmem:s11+$0x13810] =	vst v4  }
0x27d: {  	v3 =	vld.idx.msk [tilespmem:v3+s2+$0x0], $0xffff;
	[tilespmem:s12+$0x18410] =	vst v10  }
0x27e: {  	[tilespmem:s14+$0xA410] =	vst v6;
	v6 =	vld [tilespmem:$0x1FEC0]  }
0x27f: {  	v2 =	vor.u32 $0x16, v36;
	[tilespmem:$0x1FDF0] =	vst v63;
	v10 =	vld.idx.msk [tilespmem:v21+s2+$0x0], $0xffff  }
0x280: {  	v4 =	vor.u32 $0x8, v33;
	v63 =	vmov v11;
	v11 =	vmov v2;
	v2 =	vld.idx.msk [tilespmem:v50+s2+$0x0], $0xffff;
	[tilespmem:s11+$0x13400] =	vst v1  }
0x281: {  	v9 =	vor.u32 $0x1B, v5;
	[tilespmem:s13+$0xEC00] =	vst v8;
	v8 =	vld [tilespmem:$0x1FE20];
	_ =	sdelay $0x1  }
0x282: {  	v1 =	vor.u32 $0xE, v0;
	_ =	sdelay $0x1  }
0x283: {  	v4 =	vld.idx.msk [tilespmem:v4+s2+$0x0], $0xffff;
	[tilespmem:s13+$0xF010] =	vst v7  }
0x284: {  	v7 =	vld.idx.msk [tilespmem:v9+s2+$0x0], $0xffff  }
0x285: {  	[tilespmem:s11+$0x13C10] =	vst v3;
	v6 =	vld.idx.msk [tilespmem:v6+s2+$0x0], $0xffff  }
0x286: {  	v1 =	vld.idx.msk [tilespmem:v1+s2+$0x0], $0xffff  }
0x287: {  	v8 =	vld.idx.msk [tilespmem:v8+s2+$0x0], $0xffff  }
0x288: {  	[tilespmem:s12+$0x16000] =	vst v10;
	v10 =	vld [tilespmem:$0x1FA80]  }
0x289: {  	[tilespmem:s14+$0xA810] =	vst v4;
	v4 =	vld [tilespmem:$0x1FED0];
	_ =	sdelay $0x1  }
0x28a: {  	v46 =	vmov v61;
	[tilespmem:s14+$0xA400] =	vst v2  }
0x28b: {  	v9 =	vld.idx.msk [tilespmem:v20+s2+$0x0], $0xffff  }
0x28c: {  	v12 =	vmov v59;
	v59 =	vmov v10;
	v10 =	vld.idx.msk [tilespmem:v31+s2+$0x0], $0xffff  }
0x28d: {  	[tilespmem:s11+$0x13800] =	vst v8  }
0x28e: {  	[tilespmem:s13+$0xF000] =	vst v6  }
0x28f: {  	v3 =	vor.u32 $0x9, v33;
	v6 =	vld.idx.msk [tilespmem:v46+s2+$0x0], $0xffff  }
0x290: {  	v4 =	vld.idx.msk [tilespmem:v4+s2+$0x0], $0xffff;
	[tilespmem:s12+$0x16400] =	vst v9  }
0x291: {  	[tilespmem:s14+$0xA800] =	vst v10;
	v10 =	vld [tilespmem:$0x1FAB0];
	_ =	sdelay $0x1  }
0x292: {  	v2 =	vor.u32 $0x1C, v5  }
0x293: {  	v3 =	vld.idx.msk [tilespmem:v3+s2+$0x0], $0xffff;
	v8 =	vor.u32 $0xF, v0  }
0x294: {  	v9 =	vld [tilespmem:$0x1FA90]  }
0x295: {  	[tilespmem:$0x1FFF0] =	vst v11;
	v11 =	vmov v56;
	v56 =	vmov v10;
	v10 =	vld [tilespmem:$0x1FAC0]  }
0x296: {  	[tilespmem:s13+$0xF410] =	vst v7  }
0x297: {  	v2 =	vld.idx.msk [tilespmem:v2+s2+$0x0], $0xffff;
	[tilespmem:s11+$0x14010] =	vst v1  }
0x298: {  	v7 =	vld.idx.msk [tilespmem:v8+s2+$0x0], $0xffff  }
0x299: {  	[tilespmem:s14+$0xAC10] =	vst v3;
	v3 =	vld [tilespmem:$0x1FEE0];
	_ =	sdelay $0x1  }
0x29a: {  	v26 =	vmov v58;
	v13 =	vld [tilespmem:$0x1FFA0]  }
0x29b: {  	[tilespmem:$0x1FEB0] =	vst v12;
	v9 =	vld.idx.msk [tilespmem:v9+s2+$0x0], $0xffff  }
0x29c: {  	[tilespmem:$0x1FEC0] =	vst v11;
	v10 =	vld.idx.msk [tilespmem:v10+s2+$0x0], $0xffff  }
0x29d: {  	v12 =	vld [tilespmem:$0x1FFB0];
	[tilespmem:s11+$0x13C00] =	vst v6  }
0x29e: {  	v11 =	vld [tilespmem:$0x1FFC0];
	[tilespmem:s13+$0xF400] =	vst v4  }
0x29f: {  	v4 =	vld.idx.msk [tilespmem:v26+s2+$0x0], $0xffff  }
0x2a0: {  	v1 =	vor.u32 $0xA, v33;
	v3 =	vld.idx.msk [tilespmem:v3+s2+$0x0], $0xffff;
	[tilespmem:s12+$0x16800] =	vst v9  }
0x2a1: {  	[tilespmem:s14+$0xAC00] =	vst v10;
	v10 =	vld [tilespmem:$0x1FAD0]  }
0x2a2: {  	v37 =	vor.u32 $0xB, v36  }
0x2a3: {  	v61 =	vor.u32 $0xC, v36;
	[tilespmem:$0x1FF90] =	vst v14;
	v14 =	vmovc v13;
	v13 =	vmov v37;
	v8 =	vor.u32 $0x1D, v5  }
0x2a4: {  	v6 =	vor.u32 $0x10, v0  }
0x2a5: {  	v1 =	vld.idx.msk [tilespmem:v1+s2+$0x0], $0xffff  }
0x2a6: {  	[tilespmem:$0x1FFA0] =	vst v13;
	v13 =	vmovc v12;
	v12 =	vmovc v61;
	v61 =	vmov v11;
	v11 =	vmov v52;
	v52 =	vmov v10;
	v10 =	vld [tilespmem:$0x1FAE0]  }
0x2a7: {  	[tilespmem:s13+$0xF810] =	vst v2  }
0x2a8: {  	v2 =	vld.idx.msk [tilespmem:v8+s2+$0x0], $0xffff;
	[tilespmem:s11+$0x14410] =	vst v7  }
0x2a9: {  	v6 =	vld.idx.msk [tilespmem:v6+s2+$0x0], $0xffff  }
0x2aa: {  	[tilespmem:s14+$0xB010] =	vst v1;
	v1 =	vld [tilespmem:$0x1FEF0];
	_ =	sdelay $0x1  }
0x2ab: {  	[tilespmem:$0x1FBE0] =	vst v19;
	v19 =	vmov v55  }
0x2ac: {  	v9 =	vld.idx.msk [tilespmem:v22+s2+$0x0], $0xffff  }
0x2ad: {  	v10 =	vld.idx.msk [tilespmem:v10+s2+$0x0], $0xffff  }
0x2ae: {  	[tilespmem:s11+$0x14000] =	vst v4  }
0x2af: {  	[tilespmem:s13+$0xF800] =	vst v3  }
0x2b0: {  	v3 =	vld.idx.msk [tilespmem:v19+s2+$0x0], $0xffff  }
0x2b1: {  	v1 =	vld.idx.msk [tilespmem:v1+s2+$0x0], $0xffff;
	[tilespmem:s12+$0x16C00] =	vst v9  }
0x2b2: {  	[tilespmem:s14+$0xB000] =	vst v10;
	v10 =	vld [tilespmem:$0x1FB00];
	_ =	sdelay $0x1  }
0x2b3: {  	[tilespmem:$0x1FF60] =	vst v60;
	v60 =	vor.u32 $0x18, v36;
	v7 =	vor.u32 $0xB, v33  }
0x2b4: {  	v8 =	vor.u32 $0x1E, v5;
	_ =	sdelay $0x1  }
0x2b5: {  	v35 =	vmov v60;
	v60 =	vmov v10;
	v10 =	vld [tilespmem:$0x1FB10]  }
0x2b6: {  	[tilespmem:$0x1FED0] =	vst v11;
	v11 =	vld [tilespmem:$0x1FFD0]  }
0x2b7: {  	v7 =	vld.idx.msk [tilespmem:v7+s2+$0x0], $0xffff;
	[tilespmem:s13+$0xFC10] =	vst v2  }
0x2b8: {  	v2 =	vld.idx.msk [tilespmem:v8+s2+$0x0], $0xffff  }
0x2b9: {  	v58 =	vor.u32 $0xD, v36;
	v8 =	vor.u32 $0x1F, v5;
	v5 =	vld [tilespmem:$0x1FAF0]  }
0x2ba: {  	[tilespmem:$0x1FFB0] =	vst v12;
	v12 =	vmov v58;
	v21 =	vmov v10;
	v10 =	vld [tilespmem:$0x1FB20];
	_ =	sdelay $0x1  }
0x2bb: {  	v55 =	vor.u32 $0xE, v36  }
0x2bc: {  	[tilespmem:$0x1FFC0] =	vst v12;
	v12 =	vmov v55  }
0x2bd: {  	[tilespmem:$0x1FFD0] =	vst v12;
	v58 =	vmov v11;
	v11 =	vmov v49;
	v4 =	vor.u32 $0x11, v0  }
0x2be: {  	v12 =	vld [tilespmem:$0x1FB30];
	[tilespmem:$0x1FEE0] =	vst v11  }
0x2bf: {  	v11 =	vld [tilespmem:$0x1FFE0];
	[tilespmem:s11+$0x14810] =	vst v6;
	v6 =	vor.u32 $0xC, v33  }
0x2c0: {  	v9 =	vld.idx.msk [tilespmem:v5+s2+$0x0], $0xffff  }
0x2c1: {  	v10 =	vld.idx.msk [tilespmem:v10+s2+$0x0], $0xffff;
	[tilespmem:s11+$0x14400] =	vst v3  }
0x2c2: {  	v4 =	vld.idx.msk [tilespmem:v4+s2+$0x0], $0xffff;
	[tilespmem:s13+$0xFC00] =	vst v1  }
0x2c3: {  	v1 =	vld [tilespmem:s13+$0x8410];
	[tilespmem:s14+$0xB410] =	vst v7  }
0x2c4: {  	v51 =	vor.u32 $0xF, v36;
	v6 =	vld.idx.msk [tilespmem:v6+s2+$0x0], $0xffff;
	[tilespmem:s13+$0x10010] =	vst v2  }
0x2c5: {  	v55 =	vmov v11;
	v11 =	vmov v51;
	v2 =	vld.idx.msk [tilespmem:v8+s2+$0x0], $0xffff  }
0x2c6: {  	v8 =	vld [tilespmem:$0x1FB50]  }
0x2c7: {  	v7 =	vld [tilespmem:$0x1FF00]  }
0x2c8: {  	[tilespmem:$0x1FFE0] =	vst v11;
	v11 =	vmov v30  }
0x2c9: {  	v3 =	vor.u32 $0x12, v0  }
0x2ca: {  	v29 =	vshll.u32 v1, $0x5;
	v1 =	vld [tilespmem:$0x1FB40]  }
0x2cb: {  	v49 =	vmov v44;
	[tilespmem:$0x1FEF0] =	vst v11;
	v11 =	vmov v12;
	v44 =	vmov v8;
	v8 =	vld [tilespmem:$0x1FB60]  }
0x2cc: {  	[tilespmem:$0x1FF00] =	vst v11  }
0x2cd: {  	v11 =	vld [tilespmem:$0x1FB90];
	[tilespmem:s11+$0x14C10] =	vst v4  }
0x2ce: {  	v3 =	vld.idx.msk [tilespmem:v3+s2+$0x0], $0xffff  }
0x2cf: {  	v7 =	vld.idx.msk [tilespmem:v7+s2+$0x0], $0xffff;
	[tilespmem:s12+$0x17000] =	vst v9  }
0x2d0: {  	[tilespmem:s14+$0xB400] =	vst v10;
	v10 =	vld [tilespmem:$0x1FB80]  }
0x2d1: {  	[tilespmem:s14+$0xB810] =	vst v6;
	v6 =	vld [tilespmem:$0x1FF10]  }
0x2d2: {  	v5 =	vmov v33;
	v1 =	vld.idx.msk [tilespmem:v1+s2+$0x0], $0xffff  }
0x2d3: {  	v4 =	vor.u32 $0xD, v5;
	v8 =	vld.idx.msk [tilespmem:v8+s2+$0x0], $0xffff  }
0x2d4: {  	[tilespmem:s13+$0x10000] =	vst v7;
	v7 =	vld [tilespmem:$0x1FB70]  }
0x2d5: {  	v51 =	vmov v10;
	v10 =	vmov v11  }
0x2d6: {  	[tilespmem:$0x1FF10] =	vst v10;
	v10 =	vld [tilespmem:$0x1FBB0];
	_ =	sdelay $0x1  }
0x2d7: {  	v48 =	vor.u32 $0x1B, v36;
	v4 =	vld.idx.msk [tilespmem:v4+s2+$0x0], $0xffff;
	[tilespmem:s13+$0x10410] =	vst v2;
	v9 =	vor.u32 $0x13, v0  }
0x2d8: {  	v2 =	vld.idx.msk [tilespmem:v29+s2+$0x0], $0xffff  }
0x2d9: {  	v6 =	vld.idx.msk [tilespmem:v6+s2+$0x0], $0xffff  }
0x2da: {  	v15 =	vmov v48;
	v48 =	vmov v10;
	v10 =	vld [tilespmem:$0x1FBD0]  }
0x2db: {  	[tilespmem:s11+$0x15010] =	vst v3;
	v7 =	vld.idx.msk [tilespmem:v7+s2+$0x0], $0xffff  }
0x2dc: {  	[tilespmem:s11+$0x14800] =	vst v1;
	v1 =	vld.idx.msk [tilespmem:v9+s2+$0x0], $0xffff  }
0x2dd: {  	v9 =	vld [tilespmem:$0x1FBA0];
	_ =	sdelay $0x4  }
0x2de: {  	[tilespmem:s14+$0xBC10] =	vst v4  }
0x2df: {  	v4 =	vld [tilespmem:$0x1FBF0];
	[tilespmem:s14+$0xB800] =	vst v8  }
0x2e0: {  	v10 =	vld.idx.msk [tilespmem:v10+s2+$0x0], $0xffff  }
0x2e1: {  	v9 =	vld.idx.msk [tilespmem:v9+s2+$0x0], $0xffff;
	[tilespmem:s12+$0x17400] =	vst v7  }
0x2e2: {  	[tilespmem:s13+$0x10400] =	vst v6;
	v6 =	vld [tilespmem:$0x1FDB0];
	_ =	sdelay $0x6  }
0x2e3: {  	v4 =	vld.idx.msk [tilespmem:v4+s2+$0x0], $0xffff  }
0x2e4: {  	v6 =	vld.idx.msk [tilespmem:v6+s2+$0x0], $0xffff;
	[tilespmem:s11+$0x14C00] =	vst v9  }
0x2e5: {  	[tilespmem:s14+$0xBC00] =	vst v10;
	v10 =	vld [tilespmem:$0x1FC10]  }
0x2e6: {  	v3 =	vor.u32 $0xE, v5  }
0x2e7: {  	v47 =	vor.u32 $0x10, v36;
	v62 =	vor.u32 $0x17, v36  }
0x2e8: {  	v12 =	vld [tilespmem:$0x1FBE0]  }
0x2e9: {  	v8 =	vor.u32 $0x1, v29;
	v9 =	vld [tilespmem:$0x1FC00]  }
0x2ea: {  	v37 =	vmovc v62;
	v62 =	vmovc v18;
	v18 =	vmov v47;
	v11 =	vor.u32 $0x14, v0;
	v47 =	vmov v10;
	v10 =	vld [tilespmem:$0x1FC20]  }
0x2eb: {  	v3 =	vld.idx.msk [tilespmem:v3+s2+$0x0], $0xffff;
	_ =	sdelay $0x1  }
0x2ec: {  	[tilespmem:s13+$0x10810] =	vst v2  }
0x2ed: {  	v2 =	vld.idx.msk [tilespmem:v8+s2+$0x0], $0xffff;
	[tilespmem:s11+$0x15410] =	vst v1;
	v7 =	vmov v12  }
0x2ee: {  	[tilespmem:$0x1FDB0] =	vst v7;
	v7 =	vld.idx.msk [tilespmem:v11+s2+$0x0], $0xffff  }
0x2ef: {  	[tilespmem:s14+$0xC010] =	vst v3;
	v3 =	vld [tilespmem:$0x1FF20]  }
0x2f0: {  	v9 =	vld.idx.msk [tilespmem:v9+s2+$0x0], $0xffff  }
0x2f1: {  	v10 =	vld.idx.msk [tilespmem:v10+s2+$0x0], $0xffff;
	[tilespmem:s12+$0x17800] =	vst v6  }
0x2f2: {  	[tilespmem:s13+$0x10800] =	vst v4;
	v4 =	vld [tilespmem:$0x1FC30];
	_ =	sdelay $0x6  }
0x2f3: {  	v3 =	vld.idx.msk [tilespmem:v3+s2+$0x0], $0xffff  }
0x2f4: {  	v4 =	vld.idx.msk [tilespmem:v4+s2+$0x0], $0xffff;
	[tilespmem:s11+$0x15000] =	vst v9  }
0x2f5: {  	[tilespmem:s14+$0xC000] =	vst v10;
	v10 =	vld [tilespmem:$0x1FC80];
	_ =	sdelay $0x1  }
0x2f6: {  	v45 =	vor.u32 $0x1C, v36;
	_ =	sdelay $0x2  }
0x2f7: {  	[tilespmem:$0x1FE10] =	vst v14;
	v14 =	vmov v45;
	v45 =	vmov v10;
	v10 =	vld [tilespmem:$0x1FC90]  }
0x2f8: {  	v1 =	vor.u32 $0xF, v5;
	_ =	sdelay $0x2  }
0x2f9: {  	v8 =	vor.u32 $0x2, v29;
	v9 =	vld [tilespmem:$0x1FC70]  }
0x2fa: {  	v20 =	vmov v24;
	v11 =	vor.u32 $0x15, v0;
	v24 =	vmov v10;
	v10 =	vld [tilespmem:$0x1FCA0]  }
0x2fb: {  	v1 =	vld.idx.msk [tilespmem:v1+s2+$0x0], $0xffff;
	_ =	sdelay $0x1  }
0x2fc: {  	[tilespmem:s13+$0x10C10] =	vst v2  }
0x2fd: {  	v2 =	vld.idx.msk [tilespmem:v8+s2+$0x0], $0xffff;
	[tilespmem:s11+$0x15810] =	vst v7  }
0x2fe: {  	v7 =	vld.idx.msk [tilespmem:v11+s2+$0x0], $0xffff  }
0x2ff: {  	[tilespmem:s14+$0xC410] =	vst v1;
	v1 =	vld [tilespmem:$0x1FF30]  }
0x300: {  	v9 =	vld.idx.msk [tilespmem:v9+s2+$0x0], $0xffff  }
0x301: {  	v10 =	vld.idx.msk [tilespmem:v10+s2+$0x0], $0xffff;
	[tilespmem:s12+$0x17C00] =	vst v4  }
0x302: {  	[tilespmem:s13+$0x10C00] =	vst v3;
	v3 =	vld [tilespmem:$0x1FCB0];
	_ =	sdelay $0x5  }
0x303: {  	v6 =	vld [tilespmem:$0x1FC40]  }
0x304: {  	v1 =	vld.idx.msk [tilespmem:v1+s2+$0x0], $0xffff  }
0x305: {  	v3 =	vld.idx.msk [tilespmem:v3+s2+$0x0], $0xffff  }
0x306: {  	v40 =	vor.u32 $0x12, v36;
	[tilespmem:s11+$0x15400] =	vst v9;
	v9 =	vld [tilespmem:$0x1FD00]  }
0x307: {  	v4 =	vld [tilespmem:$0x1FCC0]  }
0x308: {  	v12 =	vld [tilespmem:$0x1FC60]  }
0x309: {  	v26 =	vmov v40;
	v40 =	vmov v6;
	v6 =	vld [tilespmem:$0x1FC50];
	_ =	sdelay $0x1  }
0x30a: {  	v57 =	vmov v25;
	v25 =	vld [tilespmem:$0x1FCE0]  }
0x30b: {  	v19 =	vmov v39;
	v39 =	vmov v4;
	v4 =	vld [tilespmem:$0x1FCD0]  }
0x30c: {  	v28 =	vor.u32 $0x1E, v36;
	[tilespmem:s14+$0xC400] =	vst v10;
	v10 =	vld [tilespmem:$0x1FD20]  }
0x30d: {  	v41 =	vmov v6;
	v6 =	vmov v12;
	v12 =	vmov v28;
	v28 =	vld.idx.msk [tilespmem:v9+s2+$0x0], $0xffff  }
0x30e: {  	v9 =	vld [tilespmem:$0x1FD10];
	_ =	sdelay $0x1  }
0x30f: {  	v42 =	vor.u32 $0x1D, v36;
	_ =	sdelay $0x2  }
0x310: {  	[tilespmem:$0x1FE20] =	vst v13;
	v13 =	vmovc v42;
	v42 =	vmovc v4;
	v4 =	vmov v25;
	v25 =	vmov v9;
	v9 =	vmov v10;
	v10 =	vld [tilespmem:$0x1FD30];
	_ =	sdelay $0x7  }
0x311: {  	v31 =	vld.idx.msk [tilespmem:v10+s2+$0x0], $0xffff;
	[tilespmem:s12+$0x18000] =	vst v3  }
0x312: {  	[tilespmem:s13+$0x11000] =	vst v1;
	v1 =	vld [tilespmem:$0x1FD40];
	_ =	sdelay $0x7  }
0x313: {  	[tilespmem:$0x1FF80] =	vst v27;
	v27 =	vld.idx.msk [tilespmem:v1+s2+$0x0], $0xffff  }
0x314: {  	v1 =	vld [tilespmem:$0x1FD50];
	_ =	sdelay $0x4  }
0x315: {  	v38 =	vmov v1;
	v1 =	vld [tilespmem:$0x1FD60]  }
0x316: {  	[tilespmem:$0x1FDD0] =	vst v53  }
0x317: {  	v53 =	vor.u32 $0x1A, v36;
	[tilespmem:$0x1FF20] =	vst v6;
	v6 =	vor.u32 $0x10, v5;
	_ =	sdelay $0x1  }
0x318: {  	v8 =	vor.u32 $0x3, v29  }
0x319: {  	v43 =	vor.u32 $0x11, v36;
	v46 =	vmovc v16;
	v16 =	vmov v53;
	v53 =	vmov v1;
	v1 =	vld [tilespmem:$0x1FD70]  }
0x31a: {  	v54 =	vmov v17;
	v17 =	vmov v43;
	v43 =	vld [tilespmem:$0x1FBC0];
	v11 =	vor.u32 $0x16, v0  }
0x31b: {  	[tilespmem:$0x1FF30] =	vst v4;
	v4 =	vld.idx.msk [tilespmem:v6+s2+$0x0], $0xffff  }
0x31c: {  	v50 =	vmov v23;
	v23 =	vld [tilespmem:$0x1FAA0];
	[tilespmem:s13+$0x11010] =	vst v2  }
0x31d: {  	v6 =	vor.u32 $0x11, v5;
	v2 =	vld.idx.msk [tilespmem:v8+s2+$0x0], $0xffff  }
0x31e: {  	[tilespmem:s11+$0x15C10] =	vst v7;
	v8 =	vor.u32 $0x4, v29;
	v10 =	vmov v1;
	v1 =	vld [tilespmem:$0x1FF40]  }
0x31f: {  	v7 =	vld.idx.msk [tilespmem:v11+s2+$0x0], $0xffff  }
0x320: {  	s15 =	sadd.s32 $0x2, s15;
	[tilespmem:s14+$0xC810] =	vst v4;
	v4 =	vld [tilespmem:$0x1FD80]  }
0x321: {  	p0 =	slt.u32 s15, $0x3E;
	v32 =	vor.u32 $0x19, v36;
	v11 =	vld [tilespmem:$0x1FCF0]  }
.Ltmp0:
0x322: {  	v22 =	vmov v32;
	v32 =	vld.idx.msk [tilespmem:v6+s2+$0x0], $0xffff;
	[tilespmem:s13+$0x11410] =	vst v2;
	(pc) =	sbr.rel @p0 .LBB2_2-.Ltmp0, $4  }
0x323: {  	v2 =	vld.idx.msk [tilespmem:v8+s2+$0x0], $0xffff  }
0x324: {  	v8 =	vld [tilespmem:$0x1FD90]  }
0x325: {  	[tilespmem:s11+$0x16010] =	vst v7;
	v7 =	vld [tilespmem:$0x1FDA0];
	v3 =	vmov v4  }
0x326: {  	s16 =	sadd.s32 $0x80, s16;
	v30 =	vor.u32 $0x17, v0;
	v33 =	vmov v36;
	[tilespmem:$0x1FF40] =	vst v3;
	v1 =	vld.idx.msk [tilespmem:v1+s2+$0x0], $0xffff  }
0x327: {  	[tilespmem:s14+$0xC800] =	vst v31  }
0x328: {  	v3 =	vld [tilespmem:$0x1FE30];
	_ =	sdelay $0x7  }
0x329: {  	v3 =	vld.idx.msk [tilespmem:v3+s2+$0x0], $0xffff;
	_ =	sdelay $0x3  }
0x32a: {  	[tilespmem:s14+$0xCC10] =	vst v32  }
0x32b: {  	[tilespmem:s14+$0xCC00] =	vst v3  }
0x32c: {  	v34 =	vld [tilespmem:$0x1FE40];
	_ =	sdelay $0x1  }
0x32d: {  	v4 =	vor.u32 $0x12, v5;
	_ =	sdelay $0x4  }
0x32e: {  	v32 =	vld.idx.msk [tilespmem:v4+s2+$0x0], $0xffff  }
0x32f: {  	v4 =	vld.idx.msk [tilespmem:v34+s2+$0x0], $0xffff;
	_ =	sdelay $0x3  }
0x330: {  	[tilespmem:s14+$0xD010] =	vst v32  }
0x331: {  	[tilespmem:s14+$0xD000] =	vst v4  }
0x332: {  	v4 =	vld [tilespmem:$0x1FE50];
	_ =	sdelay $0x1  }
0x333: {  	v6 =	vor.u32 $0x13, v5;
	_ =	sdelay $0x4  }
0x334: {  	v3 =	vld.idx.msk [tilespmem:v6+s2+$0x0], $0xffff  }
0x335: {  	v4 =	vld.idx.msk [tilespmem:v4+s2+$0x0], $0xffff;
	_ =	sdelay $0x3  }
0x336: {  	[tilespmem:s14+$0xD410] =	vst v3  }
0x337: {  	[tilespmem:s14+$0xD400] =	vst v4  }
0x338: {  	v4 =	vld [tilespmem:$0x1FE60];
	_ =	sdelay $0x1  }
0x339: {  	v36 =	vor.u32 $0x14, v5;
	_ =	sdelay $0x4  }
0x33a: {  	v3 =	vld.idx.msk [tilespmem:v36+s2+$0x0], $0xffff  }
0x33b: {  	v4 =	vld.idx.msk [tilespmem:v4+s2+$0x0], $0xffff;
	_ =	sdelay $0x3  }
0x33c: {  	[tilespmem:s14+$0xD810] =	vst v3  }
0x33d: {  	[tilespmem:s14+$0xD800] =	vst v4  }
0x33e: {  	v4 =	vld [tilespmem:$0x1FE70];
	_ =	sdelay $0x1  }
0x33f: {  	v31 =	vor.u32 $0x15, v5;
	_ =	sdelay $0x4  }
0x340: {  	v3 =	vld.idx.msk [tilespmem:v31+s2+$0x0], $0xffff  }
0x341: {  	v4 =	vld.idx.msk [tilespmem:v4+s2+$0x0], $0xffff;
	_ =	sdelay $0x3  }
0x342: {  	[tilespmem:s14+$0xDC10] =	vst v3  }
0x343: {  	[tilespmem:s14+$0xDC00] =	vst v4  }
0x344: {  	v4 =	vld [tilespmem:$0x1FE80];
	_ =	sdelay $0x1  }
0x345: {  	v32 =	vor.u32 $0x16, v5;
	_ =	sdelay $0x4  }
0x346: {  	v3 =	vld.idx.msk [tilespmem:v32+s2+$0x0], $0xffff  }
0x347: {  	v4 =	vld.idx.msk [tilespmem:v4+s2+$0x0], $0xffff;
	_ =	sdelay $0x3  }
0x348: {  	[tilespmem:s14+$0xE010] =	vst v3  }
0x349: {  	[tilespmem:s14+$0xE000] =	vst v4  }
0x34a: {  	v4 =	vld [tilespmem:$0x1FE90];
	_ =	sdelay $0x1  }
0x34b: {  	v34 =	vor.u32 $0x17, v5;
	_ =	sdelay $0x4  }
0x34c: {  	v3 =	vld.idx.msk [tilespmem:v34+s2+$0x0], $0xffff  }
0x34d: {  	v4 =	vld.idx.msk [tilespmem:v4+s2+$0x0], $0xffff;
	_ =	sdelay $0x3  }
0x34e: {  	[tilespmem:s14+$0xE410] =	vst v3  }
0x34f: {  	[tilespmem:s14+$0xE400] =	vst v4  }
0x350: {  	v4 =	vld [tilespmem:$0x1FEA0];
	_ =	sdelay $0x1  }
0x351: {  	v36 =	vor.u32 $0x18, v5;
	_ =	sdelay $0x4  }
0x352: {  	v3 =	vld.idx.msk [tilespmem:v36+s2+$0x0], $0xffff  }
0x353: {  	v4 =	vld.idx.msk [tilespmem:v4+s2+$0x0], $0xffff;
	_ =	sdelay $0x3  }
0x354: {  	[tilespmem:s14+$0xE810] =	vst v3  }
0x355: {  	[tilespmem:s14+$0xE800] =	vst v4  }
0x356: {  	v4 =	vld [tilespmem:$0x1FEB0];
	_ =	sdelay $0x1  }
0x357: {  	v31 =	vor.u32 $0x19, v5;
	_ =	sdelay $0x4  }
0x358: {  	v3 =	vld.idx.msk [tilespmem:v31+s2+$0x0], $0xffff  }
0x359: {  	v4 =	vld.idx.msk [tilespmem:v4+s2+$0x0], $0xffff;
	_ =	sdelay $0x3  }
0x35a: {  	[tilespmem:s14+$0xEC10] =	vst v3  }
0x35b: {  	[tilespmem:s14+$0xEC00] =	vst v4  }
0x35c: {  	v4 =	vld [tilespmem:$0x1FEC0];
	_ =	sdelay $0x1  }
0x35d: {  	v32 =	vor.u32 $0x1A, v5;
	_ =	sdelay $0x4  }
0x35e: {  	v3 =	vld.idx.msk [tilespmem:v32+s2+$0x0], $0xffff  }
0x35f: {  	v4 =	vld.idx.msk [tilespmem:v4+s2+$0x0], $0xffff;
	_ =	sdelay $0x3  }
0x360: {  	[tilespmem:s14+$0xF010] =	vst v3  }
0x361: {  	[tilespmem:s14+$0xF000] =	vst v4  }
0x362: {  	v4 =	vld [tilespmem:$0x1FED0];
	_ =	sdelay $0x1  }
0x363: {  	v34 =	vor.u32 $0x1B, v5;
	_ =	sdelay $0x4  }
0x364: {  	v3 =	vld.idx.msk [tilespmem:v34+s2+$0x0], $0xffff  }
0x365: {  	v4 =	vld.idx.msk [tilespmem:v4+s2+$0x0], $0xffff;
	_ =	sdelay $0x3  }
0x366: {  	[tilespmem:s14+$0xF410] =	vst v3  }
0x367: {  	[tilespmem:s14+$0xF400] =	vst v4  }
0x368: {  	v4 =	vld [tilespmem:$0x1FEE0];
	_ =	sdelay $0x1  }
0x369: {  	v36 =	vor.u32 $0x1C, v5;
	_ =	sdelay $0x4  }
0x36a: {  	v3 =	vld.idx.msk [tilespmem:v36+s2+$0x0], $0xffff  }
0x36b: {  	v4 =	vld.idx.msk [tilespmem:v4+s2+$0x0], $0xffff;
	_ =	sdelay $0x3  }
0x36c: {  	[tilespmem:s14+$0xF810] =	vst v3  }
0x36d: {  	[tilespmem:s14+$0xF800] =	vst v4  }
0x36e: {  	v4 =	vld [tilespmem:$0x1FEF0];
	_ =	sdelay $0x1  }
0x36f: {  	v31 =	vor.u32 $0x1D, v5;
	_ =	sdelay $0x4  }
0x370: {  	v3 =	vld.idx.msk [tilespmem:v31+s2+$0x0], $0xffff  }
0x371: {  	v4 =	vld.idx.msk [tilespmem:v4+s2+$0x0], $0xffff;
	_ =	sdelay $0x3  }
0x372: {  	[tilespmem:s14+$0xFC10] =	vst v3  }
0x373: {  	[tilespmem:s14+$0xFC00] =	vst v4  }
0x374: {  	v36 =	vld [tilespmem:$0x1FF00];
	_ =	sdelay $0x1  }
0x375: {  	v32 =	vor.u32 $0x1E, v5;
	_ =	sdelay $0x4  }
0x376: {  	v3 =	vld.idx.msk [tilespmem:v32+s2+$0x0], $0xffff  }
0x377: {  	v34 =	vor.u32 $0x1F, v5;
	v5 =	vld.idx.msk [tilespmem:v36+s2+$0x0], $0xffff;
	_ =	sdelay $0x3  }
0x378: {  	[tilespmem:s14+$0x10010] =	vst v3  }
0x379: {  	[tilespmem:s14+$0x10000] =	vst v5  }
0x37a: {  	v32 =	vld [tilespmem:$0x1FF10];
	_ =	sdelay $0x2  }
0x37b: {  	v31 =	vld [tilespmem:s14+$0x8410];
	_ =	sdelay $0x3  }
0x37c: {  	v3 =	vld.idx.msk [tilespmem:v34+s2+$0x0], $0xffff  }
0x37d: {  	v5 =	vshll.u32 v31, $0x5;
	v4 =	vld.idx.msk [tilespmem:v32+s2+$0x0], $0xffff;
	_ =	sdelay $0x3  }
0x37e: {  	[tilespmem:s14+$0x10410] =	vst v3  }
0x37f: {  	v3 =	vld.idx.msk [tilespmem:v5+s2+$0x0], $0xffff;
	[tilespmem:s14+$0x10400] =	vst v4  }
0x380: {  	v4 =	vld.idx.msk [tilespmem:v33+s2+$0x0], $0xffff;
	_ =	sdelay $0x3  }
0x381: {  	[tilespmem:s14+$0x10810] =	vst v3  }
0x382: {  	[tilespmem:s14+$0x10800] =	vst v4  }
0x383: {  	v4 =	vld [tilespmem:$0x1FF20];
	_ =	sdelay $0x1  }
0x384: {  	v6 =	vor.u32 $0x1, v5;
	_ =	sdelay $0x4  }
0x385: {  	v3 =	vld.idx.msk [tilespmem:v6+s2+$0x0], $0xffff  }
0x386: {  	v4 =	vld.idx.msk [tilespmem:v4+s2+$0x0], $0xffff;
	_ =	sdelay $0x3  }
0x387: {  	[tilespmem:s14+$0x10C10] =	vst v3  }
0x388: {  	[tilespmem:s14+$0x10C00] =	vst v4  }
0x389: {  	v4 =	vld [tilespmem:$0x1FF30];
	_ =	sdelay $0x1  }
0x38a: {  	v33 =	vor.u32 $0x2, v5;
	_ =	sdelay $0x4  }
0x38b: {  	v3 =	vld.idx.msk [tilespmem:v33+s2+$0x0], $0xffff  }
0x38c: {  	v34 =	vor.u32 $0x3, v5;
	v4 =	vld.idx.msk [tilespmem:v4+s2+$0x0], $0xffff;
	_ =	sdelay $0x3  }
0x38d: {  	[tilespmem:s14+$0x11010] =	vst v3  }
0x38e: {  	v3 =	vld.idx.msk [tilespmem:v34+s2+$0x0], $0xffff;
	[tilespmem:s14+$0x11000] =	vst v4  }
0x38f: {  	v4 =	vld [tilespmem:$0x1FF40];
	_ =	sdelay $0x2  }
0x390: {  	[tilespmem:s13+$0x11400] =	vst v1  }
0x391: {  	[tilespmem:s14+$0x11410] =	vst v3  }
0x392: {  	v1 =	vld [tilespmem:$0x1FDC0];
	_ =	sdelay $0x1  }
0x393: {  	v36 =	vor.u32 $0x4, v5  }
0x394: {  	v4 =	vld.idx.msk [tilespmem:v4+s2+$0x0], $0xffff;
	_ =	sdelay $0x3  }
0x395: {  	v32 =	vld.idx.msk [tilespmem:v36+s2+$0x0], $0xffff  }
0x396: {  	v1 =	vld.idx.msk [tilespmem:v1+s2+$0x0], $0xffff;
	[tilespmem:s14+$0x11400] =	vst v4  }
0x397: {  	v33 =	vld.idx.msk [tilespmem:v7+s2+$0x0], $0xffff;
	_ =	sdelay $0x1  }
0x398: {  	[tilespmem:s13+$0x11810] =	vst v2  }
0x399: {  	[tilespmem:s14+$0x11810] =	vst v32  }
0x39a: {  	[tilespmem:s13+$0x11800] =	vst v1  }
0x39b: {  	[tilespmem:s14+$0x11800] =	vst v33  }
0x39c: {  	v31 =	vor.u32 $0x5, v29;
	v6 =	vld [tilespmem:$0x1FF50];
	_ =	sdelay $0x1  }
0x39d: {  	v34 =	vor.u32 $0x5, v5;
	_ =	sdelay $0x2  }
0x39e: {  	v36 =	vld.idx.msk [tilespmem:v31+s2+$0x0], $0xffff  }
0x39f: {  	v32 =	vor.u32 $0x6, v29;
	v31 =	vld.idx.msk [tilespmem:v62+s2+$0x0], $0xffff  }
0x3a0: {  	v4 =	vld.idx.msk [tilespmem:v34+s2+$0x0], $0xffff  }
0x3a1: {  	v33 =	vor.u32 $0x6, v5;
	v6 =	vld.idx.msk [tilespmem:v6+s2+$0x0], $0xffff;
	_ =	sdelay $0x1  }
0x3a2: {  	[tilespmem:s13+$0x11C10] =	vst v36  }
0x3a3: {  	[tilespmem:s13+$0x11C00] =	vst v31;
	v1 =	vld.idx.msk [tilespmem:v32+s2+$0x0], $0xffff  }
0x3a4: {  	[tilespmem:s14+$0x11C10] =	vst v4;
	v2 =	vld.idx.msk [tilespmem:v46+s2+$0x0], $0xffff  }
0x3a5: {  	v4 =	vld.idx.msk [tilespmem:v33+s2+$0x0], $0xffff;
	[tilespmem:s14+$0x11C00] =	vst v6  }
0x3a6: {  	v6 =	vld.idx.msk [tilespmem:v11+s2+$0x0], $0xffff;
	_ =	sdelay $0x1  }
0x3a7: {  	[tilespmem:s13+$0x12010] =	vst v1  }
0x3a8: {  	[tilespmem:s13+$0x12000] =	vst v2  }
0x3a9: {  	[tilespmem:s14+$0x12010] =	vst v4  }
0x3aa: {  	v2 =	vld [tilespmem:$0x1FDD0];
	[tilespmem:s14+$0x12000] =	vst v6  }
0x3ab: {  	v34 =	vor.u32 $0x7, v29;
	v6 =	vld [tilespmem:$0x1FF60]  }
0x3ac: {  	v36 =	vor.u32 $0x7, v5;
	_ =	sdelay $0x3  }
0x3ad: {  	v1 =	vld.idx.msk [tilespmem:v34+s2+$0x0], $0xffff  }
0x3ae: {  	v4 =	vld.idx.msk [tilespmem:v36+s2+$0x0], $0xffff  }
0x3af: {  	v2 =	vld.idx.msk [tilespmem:v2+s2+$0x0], $0xffff  }
0x3b0: {  	v6 =	vld.idx.msk [tilespmem:v6+s2+$0x0], $0xffff;
	_ =	sdelay $0x1  }
0x3b1: {  	[tilespmem:s13+$0x12410] =	vst v1  }
0x3b2: {  	[tilespmem:s14+$0x12410] =	vst v4  }
0x3b3: {  	[tilespmem:s13+$0x12400] =	vst v2  }
0x3b4: {  	v2 =	vld [tilespmem:$0x1FDE0];
	[tilespmem:s14+$0x12400] =	vst v6  }
0x3b5: {  	v46 =	vor.u32 $0x8, v29;
	v6 =	vld [tilespmem:$0x1FF70]  }
0x3b6: {  	v62 =	vor.u32 $0x8, v5;
	_ =	sdelay $0x3  }
0x3b7: {  	v1 =	vld.idx.msk [tilespmem:v46+s2+$0x0], $0xffff  }
0x3b8: {  	v4 =	vld.idx.msk [tilespmem:v62+s2+$0x0], $0xffff  }
0x3b9: {  	v2 =	vld.idx.msk [tilespmem:v2+s2+$0x0], $0xffff  }
0x3ba: {  	v6 =	vld.idx.msk [tilespmem:v6+s2+$0x0], $0xffff;
	_ =	sdelay $0x1  }
0x3bb: {  	[tilespmem:s13+$0x12810] =	vst v1  }
0x3bc: {  	[tilespmem:s14+$0x12810] =	vst v4  }
0x3bd: {  	[tilespmem:s13+$0x12800] =	vst v2  }
0x3be: {  	v2 =	vld [tilespmem:$0x1FDF0];
	[tilespmem:s14+$0x12800] =	vst v6  }
0x3bf: {  	v11 =	vor.u32 $0x9, v29;
	v6 =	vld [tilespmem:$0x1FF80]  }
0x3c0: {  	v31 =	vor.u32 $0x9, v5;
	_ =	sdelay $0x3  }
0x3c1: {  	v1 =	vld.idx.msk [tilespmem:v11+s2+$0x0], $0xffff  }
0x3c2: {  	v4 =	vld.idx.msk [tilespmem:v31+s2+$0x0], $0xffff  }
0x3c3: {  	v2 =	vld.idx.msk [tilespmem:v2+s2+$0x0], $0xffff  }
0x3c4: {  	v6 =	vld.idx.msk [tilespmem:v6+s2+$0x0], $0xffff;
	_ =	sdelay $0x1  }
0x3c5: {  	[tilespmem:s13+$0x12C10] =	vst v1  }
0x3c6: {  	[tilespmem:s14+$0x12C10] =	vst v4  }
0x3c7: {  	[tilespmem:s13+$0x12C00] =	vst v2  }
0x3c8: {  	v2 =	vld [tilespmem:$0x1FE00];
	[tilespmem:s14+$0x12C00] =	vst v6  }
0x3c9: {  	v32 =	vor.u32 $0xA, v29;
	v6 =	vld [tilespmem:$0x1FF90]  }
0x3ca: {  	v33 =	vor.u32 $0xA, v5;
	_ =	sdelay $0x3  }
0x3cb: {  	v1 =	vld.idx.msk [tilespmem:v32+s2+$0x0], $0xffff  }
0x3cc: {  	v4 =	vld.idx.msk [tilespmem:v33+s2+$0x0], $0xffff  }
0x3cd: {  	v2 =	vld.idx.msk [tilespmem:v2+s2+$0x0], $0xffff  }
0x3ce: {  	v6 =	vld.idx.msk [tilespmem:v6+s2+$0x0], $0xffff;
	_ =	sdelay $0x1  }
0x3cf: {  	[tilespmem:s13+$0x13010] =	vst v1  }
0x3d0: {  	[tilespmem:s14+$0x13010] =	vst v4  }
0x3d1: {  	[tilespmem:s13+$0x13000] =	vst v2  }
0x3d2: {  	v62 =	vld [tilespmem:$0x1FE10];
	[tilespmem:s14+$0x13000] =	vst v6  }
0x3d3: {  	v34 =	vor.u32 $0xB, v29;
	v31 =	vld [tilespmem:$0x1FFA0]  }
0x3d4: {  	v36 =	vor.u32 $0xB, v5;
	_ =	sdelay $0x3  }
0x3d5: {  	v1 =	vld.idx.msk [tilespmem:v34+s2+$0x0], $0xffff  }
0x3d6: {  	v4 =	vld.idx.msk [tilespmem:v36+s2+$0x0], $0xffff  }
0x3d7: {  	v3 =	vld.idx.msk [tilespmem:v62+s2+$0x0], $0xffff  }
0x3d8: {  	v7 =	vld.idx.msk [tilespmem:v31+s2+$0x0], $0xffff;
	_ =	sdelay $0x1  }
0x3d9: {  	[tilespmem:s13+$0x13410] =	vst v1  }
0x3da: {  	[tilespmem:s14+$0x13410] =	vst v4  }
0x3db: {  	[tilespmem:s13+$0x13400] =	vst v3  }
0x3dc: {  	v3 =	vld [tilespmem:$0x1FE20];
	[tilespmem:s14+$0x13400] =	vst v7  }
0x3dd: {  	v46 =	vor.u32 $0xC, v29;
	v7 =	vld [tilespmem:$0x1FFB0]  }
0x3de: {  	v11 =	vor.u32 $0xC, v5;
	_ =	sdelay $0x3  }
0x3df: {  	v1 =	vld.idx.msk [tilespmem:v46+s2+$0x0], $0xffff  }
0x3e0: {  	v4 =	vld.idx.msk [tilespmem:v11+s2+$0x0], $0xffff  }
0x3e1: {  	v3 =	vld.idx.msk [tilespmem:v3+s2+$0x0], $0xffff  }
0x3e2: {  	v7 =	vld.idx.msk [tilespmem:v7+s2+$0x0], $0xffff;
	_ =	sdelay $0x1  }
0x3e3: {  	[tilespmem:s13+$0x13810] =	vst v1  }
0x3e4: {  	[tilespmem:s14+$0x13810] =	vst v4  }
0x3e5: {  	[tilespmem:s13+$0x13800] =	vst v3  }
0x3e6: {  	[tilespmem:s14+$0x13800] =	vst v7  }
0x3e7: {  	v32 =	vor.u32 $0xD, v29;
	v7 =	vld [tilespmem:$0x1FFC0];
	_ =	sdelay $0x1  }
0x3e8: {  	v33 =	vor.u32 $0xD, v5;
	_ =	sdelay $0x2  }
0x3e9: {  	v1 =	vld.idx.msk [tilespmem:v32+s2+$0x0], $0xffff  }
0x3ea: {  	v3 =	vld.idx.msk [tilespmem:v61+s2+$0x0], $0xffff  }
0x3eb: {  	v4 =	vld.idx.msk [tilespmem:v33+s2+$0x0], $0xffff  }
0x3ec: {  	v7 =	vld.idx.msk [tilespmem:v7+s2+$0x0], $0xffff;
	_ =	sdelay $0x1  }
0x3ed: {  	[tilespmem:s13+$0x13C10] =	vst v1  }
0x3ee: {  	[tilespmem:s13+$0x13C00] =	vst v3  }
0x3ef: {  	[tilespmem:s14+$0x13C10] =	vst v4  }
0x3f0: {  	[tilespmem:s14+$0x13C00] =	vst v7  }
0x3f1: {  	v34 =	vor.u32 $0xE, v29;
	v7 =	vld [tilespmem:$0x1FFD0];
	_ =	sdelay $0x1  }
0x3f2: {  	v36 =	vor.u32 $0xE, v5;
	_ =	sdelay $0x2  }
0x3f3: {  	v1 =	vld.idx.msk [tilespmem:v34+s2+$0x0], $0xffff  }
0x3f4: {  	v3 =	vld.idx.msk [tilespmem:v58+s2+$0x0], $0xffff  }
0x3f5: {  	v4 =	vld.idx.msk [tilespmem:v36+s2+$0x0], $0xffff  }
0x3f6: {  	v7 =	vld.idx.msk [tilespmem:v7+s2+$0x0], $0xffff;
	_ =	sdelay $0x1  }
0x3f7: {  	[tilespmem:s13+$0x14010] =	vst v1  }
0x3f8: {  	[tilespmem:s13+$0x14000] =	vst v3  }
0x3f9: {  	[tilespmem:s14+$0x14010] =	vst v4  }
0x3fa: {  	[tilespmem:s14+$0x14000] =	vst v7  }
0x3fb: {  	v46 =	vor.u32 $0xF, v29;
	v7 =	vld [tilespmem:$0x1FFE0];
	_ =	sdelay $0x1  }
0x3fc: {  	v61 =	vor.u32 $0xF, v5;
	_ =	sdelay $0x2  }
0x3fd: {  	v1 =	vld.idx.msk [tilespmem:v46+s2+$0x0], $0xffff  }
0x3fe: {  	v62 =	vor.u32 $0x10, v29;
	v3 =	vld.idx.msk [tilespmem:v55+s2+$0x0], $0xffff  }
0x3ff: {  	v4 =	vld.idx.msk [tilespmem:v61+s2+$0x0], $0xffff  }
0x400: {  	v11 =	vor.u32 $0x10, v5;
	v7 =	vld.idx.msk [tilespmem:v7+s2+$0x0], $0xffff;
	_ =	sdelay $0x1  }
0x401: {  	[tilespmem:s13+$0x14410] =	vst v1  }
0x402: {  	[tilespmem:s13+$0x14400] =	vst v3;
	v1 =	vld.idx.msk [tilespmem:v62+s2+$0x0], $0xffff  }
0x403: {  	v31 =	vor.u32 $0x11, v29;
	[tilespmem:s14+$0x14410] =	vst v4;
	v3 =	vld.idx.msk [tilespmem:v44+s2+$0x0], $0xffff  }
0x404: {  	v4 =	vld.idx.msk [tilespmem:v11+s2+$0x0], $0xffff;
	[tilespmem:s14+$0x14400] =	vst v7  }
0x405: {  	v32 =	vor.u32 $0x11, v5;
	v7 =	vld.idx.msk [tilespmem:v18+s2+$0x0], $0xffff;
	_ =	sdelay $0x1  }
0x406: {  	[tilespmem:s13+$0x14810] =	vst v1  }
0x407: {  	[tilespmem:s13+$0x14800] =	vst v3;
	v1 =	vld.idx.msk [tilespmem:v31+s2+$0x0], $0xffff  }
0x408: {  	v33 =	vor.u32 $0x12, v29;
	[tilespmem:s14+$0x14810] =	vst v4;
	v3 =	vld.idx.msk [tilespmem:v48+s2+$0x0], $0xffff  }
0x409: {  	v4 =	vld.idx.msk [tilespmem:v32+s2+$0x0], $0xffff;
	[tilespmem:s14+$0x14800] =	vst v7  }
0x40a: {  	v34 =	vor.u32 $0x12, v5;
	v7 =	vld.idx.msk [tilespmem:v17+s2+$0x0], $0xffff;
	_ =	sdelay $0x1  }
0x40b: {  	[tilespmem:s13+$0x14C10] =	vst v1  }
0x40c: {  	[tilespmem:s13+$0x14C00] =	vst v3;
	v1 =	vld.idx.msk [tilespmem:v33+s2+$0x0], $0xffff  }
0x40d: {  	v36 =	vor.u32 $0x13, v29;
	[tilespmem:s14+$0x14C10] =	vst v4;
	v3 =	vld.idx.msk [tilespmem:v47+s2+$0x0], $0xffff  }
0x40e: {  	v4 =	vld.idx.msk [tilespmem:v34+s2+$0x0], $0xffff;
	[tilespmem:s14+$0x14C00] =	vst v7  }
0x40f: {  	v44 =	vor.u32 $0x13, v5;
	v7 =	vld.idx.msk [tilespmem:v26+s2+$0x0], $0xffff;
	_ =	sdelay $0x1  }
0x410: {  	[tilespmem:s13+$0x15010] =	vst v1  }
0x411: {  	[tilespmem:s13+$0x15000] =	vst v3;
	v1 =	vld.idx.msk [tilespmem:v36+s2+$0x0], $0xffff  }
0x412: {  	v46 =	vor.u32 $0x14, v29;
	[tilespmem:s14+$0x15010] =	vst v4;
	v3 =	vld.idx.msk [tilespmem:v45+s2+$0x0], $0xffff  }
0x413: {  	v4 =	vld.idx.msk [tilespmem:v44+s2+$0x0], $0xffff;
	[tilespmem:s14+$0x15000] =	vst v7  }
0x414: {  	v47 =	vor.u32 $0x14, v5;
	v7 =	vld.idx.msk [tilespmem:v24+s2+$0x0], $0xffff;
	_ =	sdelay $0x1  }
0x415: {  	[tilespmem:s13+$0x15410] =	vst v1  }
0x416: {  	[tilespmem:s13+$0x15400] =	vst v3;
	v1 =	vld.idx.msk [tilespmem:v46+s2+$0x0], $0xffff  }
0x417: {  	v48 =	vor.u32 $0x15, v29;
	[tilespmem:s14+$0x15410] =	vst v4;
	v3 =	vld.idx.msk [tilespmem:v25+s2+$0x0], $0xffff  }
0x418: {  	v4 =	vld.idx.msk [tilespmem:v47+s2+$0x0], $0xffff;
	[tilespmem:s14+$0x15400] =	vst v7  }
0x419: {  	v55 =	vor.u32 $0x15, v5;
	v7 =	vld.idx.msk [tilespmem:v9+s2+$0x0], $0xffff  }
0x41a: {  	[tilespmem:s11+$0x15800] =	vst v28  }
0x41b: {  	v58 =	vld.idx.msk [tilespmem:v43+s2+$0x0], $0xffff;
	[tilespmem:s13+$0x15810] =	vst v1  }
0x41c: {  	[tilespmem:s13+$0x15800] =	vst v3;
	v2 =	vld.idx.msk [tilespmem:v48+s2+$0x0], $0xffff  }
0x41d: {  	[tilespmem:s14+$0x15810] =	vst v4;
	v62 =	vld.idx.msk [tilespmem:v23+s2+$0x0], $0xffff  }
0x41e: {  	v6 =	vld.idx.msk [tilespmem:v55+s2+$0x0], $0xffff;
	[tilespmem:s14+$0x15800] =	vst v7  }
0x41f: {  	[tilespmem:s12+$0x18400] =	vst v27;
	v8 =	vld.idx.msk [tilespmem:v8+s2+$0x0], $0xffff  }
0x420: {  	[tilespmem:s11+$0x15C00] =	vst v58  }
0x421: {  	v61 =	vor.u32 $0x16, v29;
	[tilespmem:s13+$0x15C10] =	vst v2  }
0x422: {  	[tilespmem:s13+$0x15C00] =	vst v62  }
0x423: {  	[tilespmem:s14+$0x15C10] =	vst v6  }
0x424: {  	v17 =	vor.u32 $0x16, v5;
	v1 =	vld.idx.msk [tilespmem:v57+s2+$0x0], $0xffff;
	[tilespmem:s14+$0x15C00] =	vst v8  }
0x425: {  	v8 =	vld [tilespmem:$0x1FFF0]  }
0x426: {  	v2 =	vld.idx.msk [tilespmem:v61+s2+$0x0], $0xffff  }
0x427: {  	v18 =	vor.u32 $0x17, v29  }
0x428: {  	v4 =	vld.idx.msk [tilespmem:v63+s2+$0x0], $0xffff  }
0x429: {  	v6 =	vld.idx.msk [tilespmem:v17+s2+$0x0], $0xffff  }
0x42a: {  	v23 =	vor.u32 $0x17, v5;
	v24 =	vld.idx.msk [tilespmem:v30+s2+$0x0], $0xffff;
	[tilespmem:s11+$0x16000] =	vst v1  }
0x42b: {  	v25 =	vor.u32 $0x18, v0;
	[tilespmem:s13+$0x16010] =	vst v2;
	v26 =	vld.idx.msk [tilespmem:v54+s2+$0x0], $0xffff  }
0x42c: {  	v3 =	vld.idx.msk [tilespmem:v18+s2+$0x0], $0xffff  }
0x42d: {  	v27 =	vor.u32 $0x18, v29;
	[tilespmem:s13+$0x16000] =	vst v4;
	v8 =	vld.idx.msk [tilespmem:v8+s2+$0x0], $0xffff  }
0x42e: {  	[tilespmem:s14+$0x16010] =	vst v6;
	v28 =	vld.idx.msk [tilespmem:v59+s2+$0x0], $0xffff  }
0x42f: {  	[tilespmem:s11+$0x16410] =	vst v24;
	v7 =	vld.idx.msk [tilespmem:v23+s2+$0x0], $0xffff  }
0x430: {  	v30 =	vor.u32 $0x18, v5;
	v2 =	vld.idx.msk [tilespmem:v25+s2+$0x0], $0xffff;
	[tilespmem:s11+$0x16400] =	vst v26  }
0x431: {  	v31 =	vor.u32 $0x19, v0;
	[tilespmem:s13+$0x16410] =	vst v3;
	v9 =	vld.idx.msk [tilespmem:v50+s2+$0x0], $0xffff  }
0x432: {  	v4 =	vld.idx.msk [tilespmem:v27+s2+$0x0], $0xffff;
	[tilespmem:s14+$0x16000] =	vst v8  }
0x433: {  	v32 =	vor.u32 $0x19, v29;
	[tilespmem:s13+$0x16400] =	vst v28;
	v8 =	vld.idx.msk [tilespmem:v37+s2+$0x0], $0xffff  }
0x434: {  	[tilespmem:s14+$0x16410] =	vst v7;
	v33 =	vld.idx.msk [tilespmem:v56+s2+$0x0], $0xffff  }
0x435: {  	[tilespmem:s11+$0x16810] =	vst v2;
	v1 =	vld.idx.msk [tilespmem:v30+s2+$0x0], $0xffff  }
0x436: {  	v34 =	vor.u32 $0x19, v5;
	v3 =	vld.idx.msk [tilespmem:v31+s2+$0x0], $0xffff;
	[tilespmem:s11+$0x16800] =	vst v9  }
0x437: {  	v36 =	vor.u32 $0x1A, v0;
	[tilespmem:s13+$0x16810] =	vst v4;
	v9 =	vld.idx.msk [tilespmem:v49+s2+$0x0], $0xffff  }
0x438: {  	v6 =	vld.idx.msk [tilespmem:v32+s2+$0x0], $0xffff;
	[tilespmem:s14+$0x16400] =	vst v8  }
0x439: {  	[tilespmem:s13+$0x16800] =	vst v33;
	v37 =	vor.u32 $0x1A, v29;
	v8 =	vld.idx.msk [tilespmem:v35+s2+$0x0], $0xffff  }
0x43a: {  	[tilespmem:s14+$0x16810] =	vst v1;
	v7 =	vld.idx.msk [tilespmem:v52+s2+$0x0], $0xffff  }
0x43b: {  	[tilespmem:s11+$0x16C10] =	vst v3;
	v2 =	vld.idx.msk [tilespmem:v34+s2+$0x0], $0xffff  }
0x43c: {  	v43 =	vor.u32 $0x1A, v5;
	v4 =	vld.idx.msk [tilespmem:v36+s2+$0x0], $0xffff;
	[tilespmem:s11+$0x16C00] =	vst v9  }
0x43d: {  	v44 =	vor.u32 $0x1B, v0;
	[tilespmem:s13+$0x16C10] =	vst v6;
	v9 =	vld.idx.msk [tilespmem:v60+s2+$0x0], $0xffff  }
0x43e: {  	v1 =	vld.idx.msk [tilespmem:v37+s2+$0x0], $0xffff;
	[tilespmem:s14+$0x16800] =	vst v8  }
0x43f: {  	v45 =	vor.u32 $0x1B, v29;
	[tilespmem:s13+$0x16C00] =	vst v7;
	v8 =	vld.idx.msk [tilespmem:v22+s2+$0x0], $0xffff  }
0x440: {  	[tilespmem:s14+$0x16C10] =	vst v2;
	v7 =	vld.idx.msk [tilespmem:v21+s2+$0x0], $0xffff  }
0x441: {  	[tilespmem:s11+$0x17010] =	vst v4;
	v3 =	vld.idx.msk [tilespmem:v43+s2+$0x0], $0xffff  }
0x442: {  	v6 =	vld.idx.msk [tilespmem:v44+s2+$0x0], $0xffff;
	[tilespmem:s11+$0x17000] =	vst v9  }
0x443: {  	[tilespmem:s13+$0x17010] =	vst v1;
	v9 =	vld.idx.msk [tilespmem:v51+s2+$0x0], $0xffff  }
0x444: {  	v2 =	vld.idx.msk [tilespmem:v45+s2+$0x0], $0xffff;
	[tilespmem:s14+$0x16C00] =	vst v8  }
0x445: {  	v46 =	vor.u32 $0x1B, v5;
	[tilespmem:s13+$0x17000] =	vst v7;
	v8 =	vld.idx.msk [tilespmem:v16+s2+$0x0], $0xffff  }
0x446: {  	[tilespmem:s14+$0x17010] =	vst v3  }
0x447: {  	[tilespmem:s11+$0x17410] =	vst v6  }
0x448: {  	[tilespmem:s11+$0x17400] =	vst v9  }
0x449: {  	v47 =	vor.u32 $0x1C, v0;
	v7 =	vld.idx.msk [tilespmem:v20+s2+$0x0], $0xffff;
	[tilespmem:s13+$0x17410] =	vst v2  }
0x44a: {  	v48 =	vor.u32 $0x1C, v29;
	v4 =	vld.idx.msk [tilespmem:v46+s2+$0x0], $0xffff;
	[tilespmem:s14+$0x17000] =	vst v8  }
0x44b: {  	v9 =	vld [tilespmem:$0x1FDB0]  }
0x44c: {  	v49 =	vor.u32 $0x1C, v5;
	v8 =	vld.idx.msk [tilespmem:v15+s2+$0x0], $0xffff;
	_ =	sdelay $0x1  }
0x44d: {  	v1 =	vld.idx.msk [tilespmem:v47+s2+$0x0], $0xffff  }
0x44e: {  	v50 =	vor.u32 $0x1D, v0;
	v3 =	vld.idx.msk [tilespmem:v48+s2+$0x0], $0xffff;
	[tilespmem:s13+$0x17400] =	vst v7  }
0x44f: {  	v51 =	vor.u32 $0x1D, v29;
	[tilespmem:s14+$0x17410] =	vst v4;
	v7 =	vld.idx.msk [tilespmem:v19+s2+$0x0], $0xffff  }
0x450: {  	v6 =	vld.idx.msk [tilespmem:v49+s2+$0x0], $0xffff;
	[tilespmem:s14+$0x17400] =	vst v8  }
0x451: {  	v52 =	vor.u32 $0x1D, v5;
	v8 =	vld.idx.msk [tilespmem:v14+s2+$0x0], $0xffff  }
0x452: {  	[tilespmem:s11+$0x17810] =	vst v1;
	v9 =	vld.idx.msk [tilespmem:v9+s2+$0x0], $0xffff  }
0x453: {  	[tilespmem:s13+$0x17810] =	vst v3;
	v2 =	vld.idx.msk [tilespmem:v50+s2+$0x0], $0xffff  }
0x454: {  	v54 =	vor.u32 $0x1E, v0;
	v4 =	vld.idx.msk [tilespmem:v51+s2+$0x0], $0xffff;
	[tilespmem:s13+$0x17800] =	vst v7  }
0x455: {  	v55 =	vor.u32 $0x1E, v29;
	[tilespmem:s14+$0x17810] =	vst v6;
	v7 =	vld.idx.msk [tilespmem:v41+s2+$0x0], $0xffff  }
0x456: {  	v1 =	vld.idx.msk [tilespmem:v52+s2+$0x0], $0xffff;
	[tilespmem:s14+$0x17800] =	vst v8  }
0x457: {  	v56 =	vor.u32 $0x1E, v5;
	v8 =	vld.idx.msk [tilespmem:v13+s2+$0x0], $0xffff;
	[tilespmem:s11+$0x17800] =	vst v9  }
0x458: {  	[tilespmem:s11+$0x17C10] =	vst v2;
	v9 =	vld.idx.msk [tilespmem:v40+s2+$0x0], $0xffff  }
0x459: {  	[tilespmem:s13+$0x17C10] =	vst v4;
	v3 =	vld.idx.msk [tilespmem:v54+s2+$0x0], $0xffff  }
0x45a: {  	v57 =	vor.u32 $0x1F, v0;
	v6 =	vld.idx.msk [tilespmem:v55+s2+$0x0], $0xffff;
	[tilespmem:s13+$0x17C00] =	vst v7  }
0x45b: {  	v59 =	vor.u32 $0x1F, v29;
	[tilespmem:s14+$0x17C10] =	vst v1;
	v7 =	vld.idx.msk [tilespmem:v42+s2+$0x0], $0xffff  }
0x45c: {  	v2 =	vld.idx.msk [tilespmem:v56+s2+$0x0], $0xffff;
	[tilespmem:s14+$0x17C00] =	vst v8  }
0x45d: {  	v60 =	vor.u32 $0x1F, v5;
	v61 =	vld.idx.msk [tilespmem:v12+s2+$0x0], $0xffff;
	[tilespmem:s11+$0x17C00] =	vst v9  }
0x45e: {  	[tilespmem:s11+$0x18010] =	vst v3;
	v58 =	vld.idx.msk [tilespmem:v39+s2+$0x0], $0xffff  }
0x45f: {  	[tilespmem:s13+$0x18010] =	vst v6;
	v0 =	vld.idx.msk [tilespmem:v57+s2+$0x0], $0xffff  }
0x460: {  	v1 =	vld.idx.msk [tilespmem:v59+s2+$0x0], $0xffff;
	[tilespmem:s13+$0x18000] =	vst v7  }
0x461: {  	[tilespmem:s14+$0x18010] =	vst v2;
	v62 =	vld.idx.msk [tilespmem:v53+s2+$0x0], $0xffff  }
0x462: {  	v3 =	vld.idx.msk [tilespmem:v60+s2+$0x0], $0xffff;
	[tilespmem:s14+$0x18000] =	vst v61  }
0x463: {  	v63 =	vld.idx.msk [tilespmem:v10+s2+$0x0], $0xffff;
	[tilespmem:s11+$0x18000] =	vst v58  }
0x464: {  	[tilespmem:s11+$0x18410] =	vst v0;
	v4 =	vld.idx.msk [tilespmem:v38+s2+$0x0], $0xffff  }
0x465: {  	[tilespmem:s13+$0x18410] =	vst v1  }
0x466: {  	[tilespmem:s13+$0x18400] =	vst v62  }
0x467: {  	s10 =	sadd.s32 $0x1, s10;
	[tilespmem:s14+$0x18410] =	vst v3  }
0x468: {  	p0 =	sne.s32 s10, s6;
	[tilespmem:s14+$0x18400] =	vst v63  }
.Ltmp1:
0x469: {  	[tilespmem:s11+$0x18400] =	vst v4;
	(pc) =	sbr.rel @p0 .LBB2_1-.Ltmp1, $4  }
0x46a: {  	[hbm4b:s5+s2] =	stream.linear.scatter [tilespmem:s9], [sflag:$0x1], $0x10000, $0x38;
	[tilespmem:$0x18800] =	vst v63  }
0x46b: {  	_ =	swait.ge [sflag:s7], $0x10000  }
0x46c: {  	[sflag:s7] =	ssyncset.done $0x0  }
0x46d: {  	[sflag:s7] =	ssyncadd.s32 $0xFFFF0000  }
0x46e: {  	_ =	sfence.sel $0x180000  }
0x46f: {  	[bflag:$0x0] =	sbarrier.arrive $0xFFFF  }
0x470: {  	p0 =	sne.s32 s1, $0x0;
	_ =	strace $0x90000047  }
0x471: {  	s0 =	sadd.s32 @!p0 $0x100000, s0;
	[bflag:$0x2] =	sbarrier.arrive $0xFFFF  }
0x472: {  	[sflag:s0] =	ssyncadd.tile.s32 @!p0 $0x1;
	_ =	shalt  }
.Lfunc_end2:
_tile_overlayer_lowered:
.L_overlay_start_2:
0x473: {  	(tag) =	ssettag $0x2  }
0x474: {  	s0 =	rddreg [dreg:$0x0];
	s2 =	stileid.u32  }
0x475: {  	s1 =	rddreg [dreg:$0x1];
	p0 =	sne.s32 s2, $0x0  }
0x476: {  	s3 =	rddreg [dreg:$0x2];
	[bflag:$0x3] =	sbarrier.arrive $0xFFFF;
	s2 =	simm.s32 @!p0 $0x1C01  }
0x477: {  	[timem:s3], [sflag:s2] =	dma.local @!p0 [hbm:s0], s1  }
0x478: {  	s0 =	simm.s32 @!p0 $0x1  }
0x479: {  	_ =	swait.ge @!p0 [sflag:s0], s1  }
0x47a: {  	s1 =	ssub.s32 @!p0 $0x0, s1;
	[sflag:s0] =	ssyncset.done @!p0 $0x0  }
0x47b: {  	[sflag:s0] =	ssyncadd.s32 @!p0 s1  }
0x47c: {  	[bflag:$0x3] =	sbarrier.arrive $0xFFFF  }
0x47d: {  	_ =	shalt  }

</sc_bundles>
